<compile_context>
chip_gen: v7x
topology: tpu7x:2x2x1
jax: 0.10.2.dev20260603
libtpu: 0.0.44.dev20260713+nightly
codegen_flags: <defaults>
</compile_context>

<pallas_src>
import jax
import jax.numpy as jnp
from jax import lax
from jax.experimental import pallas as pl
from jax.experimental.pallas import tpu as pltpu
from jax.experimental.pallas import tpu_sc as plsc

BATCH = 16384
ENT_DIM = 128
HALF = 64
LANES = 16
NUM_WORKERS = 32
SAMPLES_PER_WORKER = BATCH // NUM_WORKERS
CHUNK = 128
NUM_CHUNKS = SAMPLES_PER_WORKER // CHUNK


def _body(hidx_hbm, ridx_hbm, tidx_hbm, ent_hbm, rel_hbm, out_hbm,
          hidx_v, ridx_v, tidx_v, h_bufs, r_bufs, t_bufs, score_v, sem0, sem1):
    wid = lax.axis_index("s") * 2 + lax.axis_index("c")
    wbase = wid * SAMPLES_PER_WORKER
    iota = lax.broadcasted_iota(jnp.int32, (LANES,), 0)
    last_lane = iota == (LANES - 1)
    sems = (sem0, sem1)

    for c in range(NUM_CHUNKS):
        base = wbase + c * CHUNK
        pltpu.sync_copy(hidx_hbm.at[pl.ds(base, CHUNK)], hidx_v.at[c])
        pltpu.sync_copy(ridx_hbm.at[pl.ds(base, CHUNK)], ridx_v.at[c])
        pltpu.sync_copy(tidx_hbm.at[pl.ds(base, CHUNK)], tidx_v.at[c])

    def start_gathers(c):
        par = c % 2
        s = sems[par]
        return (pltpu.async_copy(ent_hbm.at[hidx_v.at[c]], h_bufs[par], s),
                pltpu.async_copy(rel_hbm.at[ridx_v.at[c]], r_bufs[par], s),
                pltpu.async_copy(ent_hbm.at[tidx_v.at[c]], t_bufs[par], s))

    inflight = start_gathers(0)

    for c in range(NUM_CHUNKS):
        par = c % 2
        for cp in inflight:
            cp.wait()
        if c + 1 < NUM_CHUNKS:
            inflight = start_gathers(c + 1)
        h_buf, r_buf, t_buf = h_bufs[par], r_bufs[par], t_bufs[par]

        @plsc.parallel_loop(0, CHUNK, step=1, unroll=4)
        def _(s):
            acc = jnp.zeros((LANES,), jnp.float32)
            for k in range(HALF // LANES):
                re_sl = pl.ds(k * LANES, LANES)
                im_sl = pl.ds(HALF + k * LANES, LANES)
                rh = h_buf[s, re_sl]
                ih = h_buf[s, im_sl]
                rr = r_buf[s, re_sl]
                ir = r_buf[s, im_sl]
                rt = t_buf[s, re_sl]
                it = t_buf[s, im_sl]
                acc = acc + (rh * rr - ih * ir) * rt + (rh * ir + ih * rr) * it
            cum = plsc.cumsum(acc)
            pos = jnp.full((LANES,), c * CHUNK + s, jnp.int32)
            plsc.store_scatter(score_v, [pos], cum, mask=last_lane)

    pltpu.sync_copy(score_v, out_hbm.at[pl.ds(wbase, SAMPLES_PER_WORKER)])


_sc_call = pl.kernel(
    _body,
    out_type=jax.ShapeDtypeStruct((BATCH,), jnp.float32),
    mesh=plsc.VectorSubcoreMesh(core_axis_name="c", subcore_axis_name="s"),
    scratch_types=[
        pltpu.VMEM((NUM_CHUNKS, CHUNK), jnp.int32),
        pltpu.VMEM((NUM_CHUNKS, CHUNK), jnp.int32),
        pltpu.VMEM((NUM_CHUNKS, CHUNK), jnp.int32),
        (pltpu.VMEM((CHUNK, ENT_DIM), jnp.float32),
         pltpu.VMEM((CHUNK, ENT_DIM), jnp.float32)),
        (pltpu.VMEM((CHUNK, ENT_DIM), jnp.float32),
         pltpu.VMEM((CHUNK, ENT_DIM), jnp.float32)),
        (pltpu.VMEM((CHUNK, ENT_DIM), jnp.float32),
         pltpu.VMEM((CHUNK, ENT_DIM), jnp.float32)),
        pltpu.VMEM((SAMPLES_PER_WORKER,), jnp.float32),
        pltpu.SemaphoreType.DMA,
        pltpu.SemaphoreType.DMA,
    ],
    compiler_params=pltpu.CompilerParams(needs_layout_passes=False),
)


@jax.jit
def kernel(sample, entity_embedding, relation_embedding):
    hidx = sample[:, 0]
    ridx = sample[:, 1]
    tidx = sample[:, 2]
    score = _sc_call(hidx, ridx, tidx, entity_embedding, relation_embedding)
    return score.reshape(BATCH, 1), jnp.zeros((), dtype=jnp.float32)

# --- scband reference (transcript-rebuilt; emitter-appended) ---
"""Pipeline reference for scband-kgemodel-40054865002973 (READ-ONLY COPY).

The authoritative reference and input builder live on the scoring server;
editing this copy changes nothing except your own understanding.
"""

import jax, jax.numpy as jnp
import numpy as np

NENTITY = 1000000
NRELATION = 1000
HIDDEN = 64
GAMMA = 12.0
EPS = 2.0
ENT_DIM = 2 * HIDDEN
REL_DIM = 2 * HIDDEN
RANGE = (GAMMA + EPS) / HIDDEN
BATCH = 16384


def setup_inputs(seed: int = 0) -> dict:
    key = jax.random.key(seed)
    k1, k2, k3 = jax.random.split(key, 3)
    sample = jax.random.randint(k1, (BATCH, 3), 0, 1000, dtype=jnp.int32)
    entity_embedding = jax.random.uniform(k2, (NENTITY, ENT_DIM), minval=-RANGE, maxval=RANGE, dtype=jnp.float32)
    relation_embedding = jax.random.uniform(k3, (NRELATION, REL_DIM), minval=-RANGE, maxval=RANGE, dtype=jnp.float32)
    return {"sample": sample, "entity_embedding": entity_embedding, "relation_embedding": relation_embedding}


def reference(sample, entity_embedding, relation_embedding):
    # mode='single', attributes=True but no attribute layers -> attr_loss == 0
    head = jnp.take(entity_embedding, sample[:, 0], axis=0)[:, None, :]
    relation = jnp.take(relation_embedding, sample[:, 1], axis=0)[:, None, :]
    tail = jnp.take(entity_embedding, sample[:, 2], axis=0)[:, None, :]
    re_head, im_head = jnp.split(head, 2, axis=2)
    re_relation, im_relation = jnp.split(relation, 2, axis=2)
    re_tail, im_tail = jnp.split(tail, 2, axis=2)
    re_score = re_head * re_relation - im_head * im_relation
    im_score = re_head * im_relation + im_head * re_relation
    score = (re_score * re_tail + im_score * im_tail).sum(axis=2)
    attr_loss = jnp.zeros((), dtype=jnp.float32)
    return (score, attr_loss)

if __name__ == "__main__":
    import jax
    _d = setup_inputs()
    print(jax.jit(kernel)(*tuple(_d.values())))

</pallas_src>

<mosaic_0001>
#map = affine_map<(d0, d1) -> (0)>
#map1 = affine_map<(d0, d1) -> (0, 0)>
module attributes {stable_mosaic.version = 14 : i64} {
  func.func @_body(%arg0: i32, %arg1: i32, %arg2: memref<16384xi32, #tpu.memory_space<hbm>>, %arg3: memref<16384xi32, #tpu.memory_space<hbm>>, %arg4: memref<16384xi32, #tpu.memory_space<hbm>>, %arg5: memref<1000000x128xf32, #tpu.memory_space<hbm>>, %arg6: memref<1000x128xf32, #tpu.memory_space<hbm>>, %arg7: memref<16384xf32, #tpu.memory_space<hbm>>, %arg8: memref<4x128xi32, #tpu.memory_space<vmem>>, %arg9: memref<4x128xi32, #tpu.memory_space<vmem>>, %arg10: memref<4x128xi32, #tpu.memory_space<vmem>>, %arg11: memref<128x128xf32, #tpu.memory_space<vmem>>, %arg12: memref<128x128xf32, #tpu.memory_space<vmem>>, %arg13: memref<128x128xf32, #tpu.memory_space<vmem>>, %arg14: memref<128x128xf32, #tpu.memory_space<vmem>>, %arg15: memref<128x128xf32, #tpu.memory_space<vmem>>, %arg16: memref<128x128xf32, #tpu.memory_space<vmem>>, %arg17: memref<512xf32, #tpu.memory_space<vmem>>, %arg18: memref<!tpu.dma_semaphore, #tpu.memory_space<semaphore_mem>>, %arg19: memref<!tpu.dma_semaphore, #tpu.memory_space<semaphore_mem>>) attributes {dimension_semantics = [#tpu.dimension_semantics<core_parallel>, #tpu.dimension_semantics<subcore_parallel>], iteration_bounds = array<i64: 2, 16>, scalar_prefetch = 0 : i64, scratch_operands = 12 : i64, tpu.core_type = #tpu.core_type<sc_vector_subcore>, window_params = [{transform_indices = #map}, {transform_indices = #map}, {transform_indices = #map}, {transform_indices = #map1}, {transform_indices = #map1}, {transform_indices = #map}]} {
    %mul3A = arith.constant 2 : i32
    %mul3A_0 = arith.muli %arg1, %mul3A : i32
    %add3A = arith.addi %mul3A_0, %arg0 : i32
    %mul3A_1 = arith.constant 512 : i32
    %mul3A_2 = arith.muli %add3A, %mul3A_1 : i32
    %iota3A = tpu.iota {dimensions = array<i32: 0>} : vector<16xi32>
    %eq3A = arith.constant 15 : i32
    %eq3A_3 = vector.broadcast %eq3A : i32 to vector<16xi32>
    %eq3A_4 = arith.cmpi eq, %iota3A, %eq3A_3 : vector<16xi32>
    %add3A_5 = arith.constant 0 : i32
    %add3A_6 = arith.addi %mul3A_2, %add3A_5 : i32
    %run_scoped3A = arith.constant 0 : i32
    "tpu.region"() ({
      %run_scoped3A_201 = tpu.sem_alloc : memref<!tpu.dma_semaphore, #tpu.memory_space<semaphore_mem>>
      %dma_start3A_202 = arith.constant 0 : i32
      %dma_start3A_203 = tpu.memref_slice %arg8[%run_scoped3A, %dma_start3A_202] : memref<4x128xi32, #tpu.memory_space<vmem>> -> memref<1x128xi32, #tpu.memory_space<vmem>>
      %dma_start3A_204 = tpu.memref_squeeze %dma_start3A_203 : memref<1x128xi32, #tpu.memory_space<vmem>> -> memref<128xi32, #tpu.memory_space<vmem>>
      %dma_start3A_205 = tpu.memref_slice %arg2[%add3A_6] : memref<16384xi32, #tpu.memory_space<hbm>> -> memref<128xi32, #tpu.memory_space<hbm>>
      %dma_start3A_206 = arith.constant 0 : i32
      %dma_start3A_207 = tpu.memref_slice %arg8[%run_scoped3A, %dma_start3A_206] : memref<4x128xi32, #tpu.memory_space<vmem>> -> memref<1x128xi32, #tpu.memory_space<vmem>>
      %dma_start3A_208 = tpu.memref_squeeze %dma_start3A_207 : memref<1x128xi32, #tpu.memory_space<vmem>> -> memref<128xi32, #tpu.memory_space<vmem>>
      %dma_start3A_209 = tpu.memref_slice %arg2[%add3A_6] : memref<16384xi32, #tpu.memory_space<hbm>> -> memref<128xi32, #tpu.memory_space<hbm>>
      tpu.enqueue_dma source(%dma_start3A_209 : memref<128xi32, #tpu.memory_space<hbm>>) target(%dma_start3A_208 : memref<128xi32, #tpu.memory_space<vmem>>) target_semaphore(%run_scoped3A_201 : memref<!tpu.dma_semaphore, #tpu.memory_space<semaphore_mem>>)
      %dma_wait3A_210 = arith.constant 0 : i32
      %dma_wait3A_211 = tpu.memref_slice %arg8[%run_scoped3A, %dma_wait3A_210] : memref<4x128xi32, #tpu.memory_space<vmem>> -> memref<1x128xi32, #tpu.memory_space<vmem>>
      %dma_wait3A_212 = tpu.memref_squeeze %dma_wait3A_211 : memref<1x128xi32, #tpu.memory_space<vmem>> -> memref<128xi32, #tpu.memory_space<vmem>>
      %dma_wait3A_213 = tpu.memref_slice %arg2[%add3A_6] : memref<16384xi32, #tpu.memory_space<hbm>> -> memref<128xi32, #tpu.memory_space<hbm>>
      %dma_wait3A_214 = arith.constant 0 : i32
      %dma_wait3A_215 = tpu.memref_slice %arg8[%run_scoped3A, %dma_wait3A_214] : memref<4x128xi32, #tpu.memory_space<vmem>> -> memref<1x128xi32, #tpu.memory_space<vmem>>
      %dma_wait3A_216 = tpu.memref_squeeze %dma_wait3A_215 : memref<1x128xi32, #tpu.memory_space<vmem>> -> memref<128xi32, #tpu.memory_space<vmem>>
      %dma_wait3A_217 = tpu.memref_slice %arg2[%add3A_6] : memref<16384xi32, #tpu.memory_space<hbm>> -> memref<128xi32, #tpu.memory_space<hbm>>
      tpu.wait_dma2 semaphore(%run_scoped3A_201 : memref<!tpu.dma_semaphore, #tpu.memory_space<semaphore_mem>>) src(%dma_wait3A_217 : memref<128xi32, #tpu.memory_space<hbm>>) dst(%dma_wait3A_216 : memref<128xi32, #tpu.memory_space<vmem>>)
      tpu.yield
    }) : () -> ()
    %run_scoped3A_7 = arith.constant 0 : i32
    "tpu.region"() ({
      %run_scoped3A_201 = tpu.sem_alloc : memref<!tpu.dma_semaphore, #tpu.memory_space<semaphore_mem>>
      %dma_start3A_202 = arith.constant 0 : i32
      %dma_start3A_203 = tpu.memref_slice %arg9[%run_scoped3A_7, %dma_start3A_202] : memref<4x128xi32, #tpu.memory_space<vmem>> -> memref<1x128xi32, #tpu.memory_space<vmem>>
      %dma_start3A_204 = tpu.memref_squeeze %dma_start3A_203 : memref<1x128xi32, #tpu.memory_space<vmem>> -> memref<128xi32, #tpu.memory_space<vmem>>
      %dma_start3A_205 = tpu.memref_slice %arg3[%add3A_6] : memref<16384xi32, #tpu.memory_space<hbm>> -> memref<128xi32, #tpu.memory_space<hbm>>
      %dma_start3A_206 = arith.constant 0 : i32
      %dma_start3A_207 = tpu.memref_slice %arg9[%run_scoped3A_7, %dma_start3A_206] : memref<4x128xi32, #tpu.memory_space<vmem>> -> memref<1x128xi32, #tpu.memory_space<vmem>>
      %dma_start3A_208 = tpu.memref_squeeze %dma_start3A_207 : memref<1x128xi32, #tpu.memory_space<vmem>> -> memref<128xi32, #tpu.memory_space<vmem>>
      %dma_start3A_209 = tpu.memref_slice %arg3[%add3A_6] : memref<16384xi32, #tpu.memory_space<hbm>> -> memref<128xi32, #tpu.memory_space<hbm>>
      tpu.enqueue_dma source(%dma_start3A_209 : memref<128xi32, #tpu.memory_space<hbm>>) target(%dma_start3A_208 : memref<128xi32, #tpu.memory_space<vmem>>) target_semaphore(%run_scoped3A_201 : memref<!tpu.dma_semaphore, #tpu.memory_space<semaphore_mem>>)
      %dma_wait3A_210 = arith.constant 0 : i32
      %dma_wait3A_211 = tpu.memref_slice %arg9[%run_scoped3A_7, %dma_wait3A_210] : memref<4x128xi32, #tpu.memory_space<vmem>> -> memref<1x128xi32, #tpu.memory_space<vmem>>
      %dma_wait3A_212 = tpu.memref_squeeze %dma_wait3A_211 : memref<1x128xi32, #tpu.memory_space<vmem>> -> memref<128xi32, #tpu.memory_space<vmem>>
      %dma_wait3A_213 = tpu.memref_slice %arg3[%add3A_6] : memref<16384xi32, #tpu.memory_space<hbm>> -> memref<128xi32, #tpu.memory_space<hbm>>
      %dma_wait3A_214 = arith.constant 0 : i32
      %dma_wait3A_215 = tpu.memref_slice %arg9[%run_scoped3A_7, %dma_wait3A_214] : memref<4x128xi32, #tpu.memory_space<vmem>> -> memref<1x128xi32, #tpu.memory_space<vmem>>
      %dma_wait3A_216 = tpu.memref_squeeze %dma_wait3A_215 : memref<1x128xi32, #tpu.memory_space<vmem>> -> memref<128xi32, #tpu.memory_space<vmem>>
      %dma_wait3A_217 = tpu.memref_slice %arg3[%add3A_6] : memref<16384xi32, #tpu.memory_space<hbm>> -> memref<128xi32, #tpu.memory_space<hbm>>
      tpu.wait_dma2 semaphore(%run_scoped3A_201 : memref<!tpu.dma_semaphore, #tpu.memory_space<semaphore_mem>>) src(%dma_wait3A_217 : memref<128xi32, #tpu.memory_space<hbm>>) dst(%dma_wait3A_216 : memref<128xi32, #tpu.memory_space<vmem>>)
      tpu.yield
    }) : () -> ()
    %run_scoped3A_8 = arith.constant 0 : i32
    "tpu.region"() ({
      %run_scoped3A_201 = tpu.sem_alloc : memref<!tpu.dma_semaphore, #tpu.memory_space<semaphore_mem>>
      %dma_start3A_202 = arith.constant 0 : i32
      %dma_start3A_203 = tpu.memref_slice %arg10[%run_scoped3A_8, %dma_start3A_202] : memref<4x128xi32, #tpu.memory_space<vmem>> -> memref<1x128xi32, #tpu.memory_space<vmem>>
      %dma_start3A_204 = tpu.memref_squeeze %dma_start3A_203 : memref<1x128xi32, #tpu.memory_space<vmem>> -> memref<128xi32, #tpu.memory_space<vmem>>
      %dma_start3A_205 = tpu.memref_slice %arg4[%add3A_6] : memref<16384xi32, #tpu.memory_space<hbm>> -> memref<128xi32, #tpu.memory_space<hbm>>
      %dma_start3A_206 = arith.constant 0 : i32
      %dma_start3A_207 = tpu.memref_slice %arg10[%run_scoped3A_8, %dma_start3A_206] : memref<4x128xi32, #tpu.memory_space<vmem>> -> memref<1x128xi32, #tpu.memory_space<vmem>>
      %dma_start3A_208 = tpu.memref_squeeze %dma_start3A_207 : memref<1x128xi32, #tpu.memory_space<vmem>> -> memref<128xi32, #tpu.memory_space<vmem>>
      %dma_start3A_209 = tpu.memref_slice %arg4[%add3A_6] : memref<16384xi32, #tpu.memory_space<hbm>> -> memref<128xi32, #tpu.memory_space<hbm>>
      tpu.enqueue_dma source(%dma_start3A_209 : memref<128xi32, #tpu.memory_space<hbm>>) target(%dma_start3A_208 : memref<128xi32, #tpu.memory_space<vmem>>) target_semaphore(%run_scoped3A_201 : memref<!tpu.dma_semaphore, #tpu.memory_space<semaphore_mem>>)
      %dma_wait3A_210 = arith.constant 0 : i32
      %dma_wait3A_211 = tpu.memref_slice %arg10[%run_scoped3A_8, %dma_wait3A_210] : memref<4x128xi32, #tpu.memory_space<vmem>> -> memref<1x128xi32, #tpu.memory_space<vmem>>
      %dma_wait3A_212 = tpu.memref_squeeze %dma_wait3A_211 : memref<1x128xi32, #tpu.memory_space<vmem>> -> memref<128xi32, #tpu.memory_space<vmem>>
      %dma_wait3A_213 = tpu.memref_slice %arg4[%add3A_6] : memref<16384xi32, #tpu.memory_space<hbm>> -> memref<128xi32, #tpu.memory_space<hbm>>
      %dma_wait3A_214 = arith.constant 0 : i32
      %dma_wait3A_215 = tpu.memref_slice %arg10[%run_scoped3A_8, %dma_wait3A_214] : memref<4x128xi32, #tpu.memory_space<vmem>> -> memref<1x128xi32, #tpu.memory_space<vmem>>
      %dma_wait3A_216 = tpu.memref_squeeze %dma_wait3A_215 : memref<1x128xi32, #tpu.memory_space<vmem>> -> memref<128xi32, #tpu.memory_space<vmem>>
      %dma_wait3A_217 = tpu.memref_slice %arg4[%add3A_6] : memref<16384xi32, #tpu.memory_space<hbm>> -> memref<128xi32, #tpu.memory_space<hbm>>
      tpu.wait_dma2 semaphore(%run_scoped3A_201 : memref<!tpu.dma_semaphore, #tpu.memory_space<semaphore_mem>>) src(%dma_wait3A_217 : memref<128xi32, #tpu.memory_space<hbm>>) dst(%dma_wait3A_216 : memref<128xi32, #tpu.memory_space<vmem>>)
      tpu.yield
    }) : () -> ()
    %add3A_9 = arith.constant 128 : i32
    %add3A_10 = arith.addi %mul3A_2, %add3A_9 : i32
    %run_scoped3A_11 = arith.constant 1 : i32
    "tpu.region"() ({
      %run_scoped3A_201 = tpu.sem_alloc : memref<!tpu.dma_semaphore, #tpu.memory_space<semaphore_mem>>
      %dma_start3A_202 = arith.constant 0 : i32
      %dma_start3A_203 = tpu.memref_slice %arg8[%run_scoped3A_11, %dma_start3A_202] : memref<4x128xi32, #tpu.memory_space<vmem>> -> memref<1x128xi32, #tpu.memory_space<vmem>>
      %dma_start3A_204 = tpu.memref_squeeze %dma_start3A_203 : memref<1x128xi32, #tpu.memory_space<vmem>> -> memref<128xi32, #tpu.memory_space<vmem>>
      %dma_start3A_205 = tpu.memref_slice %arg2[%add3A_10] : memref<16384xi32, #tpu.memory_space<hbm>> -> memref<128xi32, #tpu.memory_space<hbm>>
      %dma_start3A_206 = arith.constant 0 : i32
      %dma_start3A_207 = tpu.memref_slice %arg8[%run_scoped3A_11, %dma_start3A_206] : memref<4x128xi32, #tpu.memory_space<vmem>> -> memref<1x128xi32, #tpu.memory_space<vmem>>
      %dma_start3A_208 = tpu.memref_squeeze %dma_start3A_207 : memref<1x128xi32, #tpu.memory_space<vmem>> -> memref<128xi32, #tpu.memory_space<vmem>>
      %dma_start3A_209 = tpu.memref_slice %arg2[%add3A_10] : memref<16384xi32, #tpu.memory_space<hbm>> -> memref<128xi32, #tpu.memory_space<hbm>>
      tpu.enqueue_dma source(%dma_start3A_209 : memref<128xi32, #tpu.memory_space<hbm>>) target(%dma_start3A_208 : memref<128xi32, #tpu.memory_space<vmem>>) target_semaphore(%run_scoped3A_201 : memref<!tpu.dma_semaphore, #tpu.memory_space<semaphore_mem>>)
      %dma_wait3A_210 = arith.constant 0 : i32
      %dma_wait3A_211 = tpu.memref_slice %arg8[%run_scoped3A_11, %dma_wait3A_210] : memref<4x128xi32, #tpu.memory_space<vmem>> -> memref<1x128xi32, #tpu.memory_space<vmem>>
      %dma_wait3A_212 = tpu.memref_squeeze %dma_wait3A_211 : memref<1x128xi32, #tpu.memory_space<vmem>> -> memref<128xi32, #tpu.memory_space<vmem>>
      %dma_wait3A_213 = tpu.memref_slice %arg2[%add3A_10] : memref<16384xi32, #tpu.memory_space<hbm>> -> memref<128xi32, #tpu.memory_space<hbm>>
      %dma_wait3A_214 = arith.constant 0 : i32
      %dma_wait3A_215 = tpu.memref_slice %arg8[%run_scoped3A_11, %dma_wait3A_214] : memref<4x128xi32, #tpu.memory_space<vmem>> -> memref<1x128xi32, #tpu.memory_space<vmem>>
      %dma_wait3A_216 = tpu.memref_squeeze %dma_wait3A_215 : memref<1x128xi32, #tpu.memory_space<vmem>> -> memref<128xi32, #tpu.memory_space<vmem>>
      %dma_wait3A_217 = tpu.memref_slice %arg2[%add3A_10] : memref<16384xi32, #tpu.memory_space<hbm>> -> memref<128xi32, #tpu.memory_space<hbm>>
      tpu.wait_dma2 semaphore(%run_scoped3A_201 : memref<!tpu.dma_semaphore, #tpu.memory_space<semaphore_mem>>) src(%dma_wait3A_217 : memref<128xi32, #tpu.memory_space<hbm>>) dst(%dma_wait3A_216 : memref<128xi32, #tpu.memory_space<vmem>>)
      tpu.yield
    }) : () -> ()
    %run_scoped3A_12 = arith.constant 1 : i32
    "tpu.region"() ({
      %run_scoped3A_201 = tpu.sem_alloc : memref<!tpu.dma_semaphore, #tpu.memory_space<semaphore_mem>>
      %dma_start3A_202 = arith.constant 0 : i32
      %dma_start3A_203 = tpu.memref_slice %arg9[%run_scoped3A_12, %dma_start3A_202] : memref<4x128xi32, #tpu.memory_space<vmem>> -> memref<1x128xi32, #tpu.memory_space<vmem>>
      %dma_start3A_204 = tpu.memref_squeeze %dma_start3A_203 : memref<1x128xi32, #tpu.memory_space<vmem>> -> memref<128xi32, #tpu.memory_space<vmem>>
      %dma_start3A_205 = tpu.memref_slice %arg3[%add3A_10] : memref<16384xi32, #tpu.memory_space<hbm>> -> memref<128xi32, #tpu.memory_space<hbm>>
      %dma_start3A_206 = arith.constant 0 : i32
      %dma_start3A_207 = tpu.memref_slice %arg9[%run_scoped3A_12, %dma_start3A_206] : memref<4x128xi32, #tpu.memory_space<vmem>> -> memref<1x128xi32, #tpu.memory_space<vmem>>
      %dma_start3A_208 = tpu.memref_squeeze %dma_start3A_207 : memref<1x128xi32, #tpu.memory_space<vmem>> -> memref<128xi32, #tpu.memory_space<vmem>>
      %dma_start3A_209 = tpu.memref_slice %arg3[%add3A_10] : memref<16384xi32, #tpu.memory_space<hbm>> -> memref<128xi32, #tpu.memory_space<hbm>>
      tpu.enqueue_dma source(%dma_start3A_209 : memref<128xi32, #tpu.memory_space<hbm>>) target(%dma_start3A_208 : memref<128xi32, #tpu.memory_space<vmem>>) target_semaphore(%run_scoped3A_201 : memref<!tpu.dma_semaphore, #tpu.memory_space<semaphore_mem>>)
      %dma_wait3A_210 = arith.constant 0 : i32
      %dma_wait3A_211 = tpu.memref_slice %arg9[%run_scoped3A_12, %dma_wait3A_210] : memref<4x128xi32, #tpu.memory_space<vmem>> -> memref<1x128xi32, #tpu.memory_space<vmem>>
      %dma_wait3A_212 = tpu.memref_squeeze %dma_wait3A_211 : memref<1x128xi32, #tpu.memory_space<vmem>> -> memref<128xi32, #tpu.memory_space<vmem>>
      %dma_wait3A_213 = tpu.memref_slice %arg3[%add3A_10] : memref<16384xi32, #tpu.memory_space<hbm>> -> memref<128xi32, #tpu.memory_space<hbm>>
      %dma_wait3A_214 = arith.constant 0 : i32
      %dma_wait3A_215 = tpu.memref_slice %arg9[%run_scoped3A_12, %dma_wait3A_214] : memref<4x128xi32, #tpu.memory_space<vmem>> -> memref<1x128xi32, #tpu.memory_space<vmem>>
      %dma_wait3A_216 = tpu.memref_squeeze %dma_wait3A_215 : memref<1x128xi32, #tpu.memory_space<vmem>> -> memref<128xi32, #tpu.memory_space<vmem>>
      %dma_wait3A_217 = tpu.memref_slice %arg3[%add3A_10] : memref<16384xi32, #tpu.memory_space<hbm>> -> memref<128xi32, #tpu.memory_space<hbm>>
      tpu.wait_dma2 semaphore(%run_scoped3A_201 : memref<!tpu.dma_semaphore, #tpu.memory_space<semaphore_mem>>) src(%dma_wait3A_217 : memref<128xi32, #tpu.memory_space<hbm>>) dst(%dma_wait3A_216 : memref<128xi32, #tpu.memory_space<vmem>>)
      tpu.yield
    }) : () -> ()
    %run_scoped3A_13 = arith.constant 1 : i32
    "tpu.region"() ({
      %run_scoped3A_201 = tpu.sem_alloc : memref<!tpu.dma_semaphore, #tpu.memory_space<semaphore_mem>>
      %dma_start3A_202 = arith.constant 0 : i32
      %dma_start3A_203 = tpu.memref_slice %arg10[%run_scoped3A_13, %dma_start3A_202] : memref<4x128xi32, #tpu.memory_space<vmem>> -> memref<1x128xi32, #tpu.memory_space<vmem>>
      %dma_start3A_204 = tpu.memref_squeeze %dma_start3A_203 : memref<1x128xi32, #tpu.memory_space<vmem>> -> memref<128xi32, #tpu.memory_space<vmem>>
      %dma_start3A_205 = tpu.memref_slice %arg4[%add3A_10] : memref<16384xi32, #tpu.memory_space<hbm>> -> memref<128xi32, #tpu.memory_space<hbm>>
      %dma_start3A_206 = arith.constant 0 : i32
      %dma_start3A_207 = tpu.memref_slice %arg10[%run_scoped3A_13, %dma_start3A_206] : memref<4x128xi32, #tpu.memory_space<vmem>> -> memref<1x128xi32, #tpu.memory_space<vmem>>
      %dma_start3A_208 = tpu.memref_squeeze %dma_start3A_207 : memref<1x128xi32, #tpu.memory_space<vmem>> -> memref<128xi32, #tpu.memory_space<vmem>>
      %dma_start3A_209 = tpu.memref_slice %arg4[%add3A_10] : memref<16384xi32, #tpu.memory_space<hbm>> -> memref<128xi32, #tpu.memory_space<hbm>>
      tpu.enqueue_dma source(%dma_start3A_209 : memref<128xi32, #tpu.memory_space<hbm>>) target(%dma_start3A_208 : memref<128xi32, #tpu.memory_space<vmem>>) target_semaphore(%run_scoped3A_201 : memref<!tpu.dma_semaphore, #tpu.memory_space<semaphore_mem>>)
      %dma_wait3A_210 = arith.constant 0 : i32
      %dma_wait3A_211 = tpu.memref_slice %arg10[%run_scoped3A_13, %dma_wait3A_210] : memref<4x128xi32, #tpu.memory_space<vmem>> -> memref<1x128xi32, #tpu.memory_space<vmem>>
      %dma_wait3A_212 = tpu.memref_squeeze %dma_wait3A_211 : memref<1x128xi32, #tpu.memory_space<vmem>> -> memref<128xi32, #tpu.memory_space<vmem>>
      %dma_wait3A_213 = tpu.memref_slice %arg4[%add3A_10] : memref<16384xi32, #tpu.memory_space<hbm>> -> memref<128xi32, #tpu.memory_space<hbm>>
      %dma_wait3A_214 = arith.constant 0 : i32
      %dma_wait3A_215 = tpu.memref_slice %arg10[%run_scoped3A_13, %dma_wait3A_214] : memref<4x128xi32, #tpu.memory_space<vmem>> -> memref<1x128xi32, #tpu.memory_space<vmem>>
      %dma_wait3A_216 = tpu.memref_squeeze %dma_wait3A_215 : memref<1x128xi32, #tpu.memory_space<vmem>> -> memref<128xi32, #tpu.memory_space<vmem>>
      %dma_wait3A_217 = tpu.memref_slice %arg4[%add3A_10] : memref<16384xi32, #tpu.memory_space<hbm>> -> memref<128xi32, #tpu.memory_space<hbm>>
      tpu.wait_dma2 semaphore(%run_scoped3A_201 : memref<!tpu.dma_semaphore, #tpu.memory_space<semaphore_mem>>) src(%dma_wait3A_217 : memref<128xi32, #tpu.memory_space<hbm>>) dst(%dma_wait3A_216 : memref<128xi32, #tpu.memory_space<vmem>>)
      tpu.yield
    }) : () -> ()
    %add3A_14 = arith.constant 256 : i32
    %add3A_15 = arith.addi %mul3A_2, %add3A_14 : i32
    %run_scoped3A_16 = arith.constant 2 : i32
    "tpu.region"() ({
      %run_scoped3A_201 = tpu.sem_alloc : memref<!tpu.dma_semaphore, #tpu.memory_space<semaphore_mem>>
      %dma_start3A_202 = arith.constant 0 : i32
      %dma_start3A_203 = tpu.memref_slice %arg8[%run_scoped3A_16, %dma_start3A_202] : memref<4x128xi32, #tpu.memory_space<vmem>> -> memref<1x128xi32, #tpu.memory_space<vmem>>
      %dma_start3A_204 = tpu.memref_squeeze %dma_start3A_203 : memref<1x128xi32, #tpu.memory_space<vmem>> -> memref<128xi32, #tpu.memory_space<vmem>>
      %dma_start3A_205 = tpu.memref_slice %arg2[%add3A_15] : memref<16384xi32, #tpu.memory_space<hbm>> -> memref<128xi32, #tpu.memory_space<hbm>>
      %dma_start3A_206 = arith.constant 0 : i32
      %dma_start3A_207 = tpu.memref_slice %arg8[%run_scoped3A_16, %dma_start3A_206] : memref<4x128xi32, #tpu.memory_space<vmem>> -> memref<1x128xi32, #tpu.memory_space<vmem>>
      %dma_start3A_208 = tpu.memref_squeeze %dma_start3A_207 : memref<1x128xi32, #tpu.memory_space<vmem>> -> memref<128xi32, #tpu.memory_space<vmem>>
      %dma_start3A_209 = tpu.memref_slice %arg2[%add3A_15] : memref<16384xi32, #tpu.memory_space<hbm>> -> memref<128xi32, #tpu.memory_space<hbm>>
      tpu.enqueue_dma source(%dma_start3A_209 : memref<128xi32, #tpu.memory_space<hbm>>) target(%dma_start3A_208 : memref<128xi32, #tpu.memory_space<vmem>>) target_semaphore(%run_scoped3A_201 : memref<!tpu.dma_semaphore, #tpu.memory_space<semaphore_mem>>)
      %dma_wait3A_210 = arith.constant 0 : i32
      %dma_wait3A_211 = tpu.memref_slice %arg8[%run_scoped3A_16, %dma_wait3A_210] : memref<4x128xi32, #tpu.memory_space<vmem>> -> memref<1x128xi32, #tpu.memory_space<vmem>>
      %dma_wait3A_212 = tpu.memref_squeeze %dma_wait3A_211 : memref<1x128xi32, #tpu.memory_space<vmem>> -> memref<128xi32, #tpu.memory_space<vmem>>
      %dma_wait3A_213 = tpu.memref_slice %arg2[%add3A_15] : memref<16384xi32, #tpu.memory_space<hbm>> -> memref<128xi32, #tpu.memory_space<hbm>>
      %dma_wait3A_214 = arith.constant 0 : i32
      %dma_wait3A_215 = tpu.memref_slice %arg8[%run_scoped3A_16, %dma_wait3A_214] : memref<4x128xi32, #tpu.memory_space<vmem>> -> memref<1x128xi32, #tpu.memory_space<vmem>>
      %dma_wait3A_216 = tpu.memref_squeeze %dma_wait3A_215 : memref<1x128xi32, #tpu.memory_space<vmem>> -> memref<128xi32, #tpu.memory_space<vmem>>
      %dma_wait3A_217 = tpu.memref_slice %arg2[%add3A_15] : memref<16384xi32, #tpu.memory_space<hbm>> -> memref<128xi32, #tpu.memory_space<hbm>>
      tpu.wait_dma2 semaphore(%run_scoped3A_201 : memref<!tpu.dma_semaphore, #tpu.memory_space<semaphore_mem>>) src(%dma_wait3A_217 : memref<128xi32, #tpu.memory_space<hbm>>) dst(%dma_wait3A_216 : memref<128xi32, #tpu.memory_space<vmem>>)
      tpu.yield
    }) : () -> ()
    %run_scoped3A_17 = arith.constant 2 : i32
    "tpu.region"() ({
      %run_scoped3A_201 = tpu.sem_alloc : memref<!tpu.dma_semaphore, #tpu.memory_space<semaphore_mem>>
      %dma_start3A_202 = arith.constant 0 : i32
      %dma_start3A_203 = tpu.memref_slice %arg9[%run_scoped3A_17, %dma_start3A_202] : memref<4x128xi32, #tpu.memory_space<vmem>> -> memref<1x128xi32, #tpu.memory_space<vmem>>
      %dma_start3A_204 = tpu.memref_squeeze %dma_start3A_203 : memref<1x128xi32, #tpu.memory_space<vmem>> -> memref<128xi32, #tpu.memory_space<vmem>>
      %dma_start3A_205 = tpu.memref_slice %arg3[%add3A_15] : memref<16384xi32, #tpu.memory_space<hbm>> -> memref<128xi32, #tpu.memory_space<hbm>>
      %dma_start3A_206 = arith.constant 0 : i32
      %dma_start3A_207 = tpu.memref_slice %arg9[%run_scoped3A_17, %dma_start3A_206] : memref<4x128xi32, #tpu.memory_space<vmem>> -> memref<1x128xi32, #tpu.memory_space<vmem>>
      %dma_start3A_208 = tpu.memref_squeeze %dma_start3A_207 : memref<1x128xi32, #tpu.memory_space<vmem>> -> memref<128xi32, #tpu.memory_space<vmem>>
      %dma_start3A_209 = tpu.memref_slice %arg3[%add3A_15] : memref<16384xi32, #tpu.memory_space<hbm>> -> memref<128xi32, #tpu.memory_space<hbm>>
      tpu.enqueue_dma source(%dma_start3A_209 : memref<128xi32, #tpu.memory_space<hbm>>) target(%dma_start3A_208 : memref<128xi32, #tpu.memory_space<vmem>>) target_semaphore(%run_scoped3A_201 : memref<!tpu.dma_semaphore, #tpu.memory_space<semaphore_mem>>)
      %dma_wait3A_210 = arith.constant 0 : i32
      %dma_wait3A_211 = tpu.memref_slice %arg9[%run_scoped3A_17, %dma_wait3A_210] : memref<4x128xi32, #tpu.memory_space<vmem>> -> memref<1x128xi32, #tpu.memory_space<vmem>>
      %dma_wait3A_212 = tpu.memref_squeeze %dma_wait3A_211 : memref<1x128xi32, #tpu.memory_space<vmem>> -> memref<128xi32, #tpu.memory_space<vmem>>
      %dma_wait3A_213 = tpu.memref_slice %arg3[%add3A_15] : memref<16384xi32, #tpu.memory_space<hbm>> -> memref<128xi32, #tpu.memory_space<hbm>>
      %dma_wait3A_214 = arith.constant 0 : i32
      %dma_wait3A_215 = tpu.memref_slice %arg9[%run_scoped3A_17, %dma_wait3A_214] : memref<4x128xi32, #tpu.memory_space<vmem>> -> memref<1x128xi32, #tpu.memory_space<vmem>>
      %dma_wait3A_216 = tpu.memref_squeeze %dma_wait3A_215 : memref<1x128xi32, #tpu.memory_space<vmem>> -> memref<128xi32, #tpu.memory_space<vmem>>
      %dma_wait3A_217 = tpu.memref_slice %arg3[%add3A_15] : memref<16384xi32, #tpu.memory_space<hbm>> -> memref<128xi32, #tpu.memory_space<hbm>>
      tpu.wait_dma2 semaphore(%run_scoped3A_201 : memref<!tpu.dma_semaphore, #tpu.memory_space<semaphore_mem>>) src(%dma_wait3A_217 : memref<128xi32, #tpu.memory_space<hbm>>) dst(%dma_wait3A_216 : memref<128xi32, #tpu.memory_space<vmem>>)
      tpu.yield
    }) : () -> ()
    %run_scoped3A_18 = arith.constant 2 : i32
    "tpu.region"() ({
      %run_scoped3A_201 = tpu.sem_alloc : memref<!tpu.dma_semaphore, #tpu.memory_space<semaphore_mem>>
      %dma_start3A_202 = arith.constant 0 : i32
      %dma_start3A_203 = tpu.memref_slice %arg10[%run_scoped3A_18, %dma_start3A_202] : memref<4x128xi32, #tpu.memory_space<vmem>> -> memref<1x128xi32, #tpu.memory_space<vmem>>
      %dma_start3A_204 = tpu.memref_squeeze %dma_start3A_203 : memref<1x128xi32, #tpu.memory_space<vmem>> -> memref<128xi32, #tpu.memory_space<vmem>>
      %dma_start3A_205 = tpu.memref_slice %arg4[%add3A_15] : memref<16384xi32, #tpu.memory_space<hbm>> -> memref<128xi32, #tpu.memory_space<hbm>>
      %dma_start3A_206 = arith.constant 0 : i32
      %dma_start3A_207 = tpu.memref_slice %arg10[%run_scoped3A_18, %dma_start3A_206] : memref<4x128xi32, #tpu.memory_space<vmem>> -> memref<1x128xi32, #tpu.memory_space<vmem>>
      %dma_start3A_208 = tpu.memref_squeeze %dma_start3A_207 : memref<1x128xi32, #tpu.memory_space<vmem>> -> memref<128xi32, #tpu.memory_space<vmem>>
      %dma_start3A_209 = tpu.memref_slice %arg4[%add3A_15] : memref<16384xi32, #tpu.memory_space<hbm>> -> memref<128xi32, #tpu.memory_space<hbm>>
      tpu.enqueue_dma source(%dma_start3A_209 : memref<128xi32, #tpu.memory_space<hbm>>) target(%dma_start3A_208 : memref<128xi32, #tpu.memory_space<vmem>>) target_semaphore(%run_scoped3A_201 : memref<!tpu.dma_semaphore, #tpu.memory_space<semaphore_mem>>)
      %dma_wait3A_210 = arith.constant 0 : i32
      %dma_wait3A_211 = tpu.memref_slice %arg10[%run_scoped3A_18, %dma_wait3A_210] : memref<4x128xi32, #tpu.memory_space<vmem>> -> memref<1x128xi32, #tpu.memory_space<vmem>>
      %dma_wait3A_212 = tpu.memref_squeeze %dma_wait3A_211 : memref<1x128xi32, #tpu.memory_space<vmem>> -> memref<128xi32, #tpu.memory_space<vmem>>
      %dma_wait3A_213 = tpu.memref_slice %arg4[%add3A_15] : memref<16384xi32, #tpu.memory_space<hbm>> -> memref<128xi32, #tpu.memory_space<hbm>>
      %dma_wait3A_214 = arith.constant 0 : i32
      %dma_wait3A_215 = tpu.memref_slice %arg10[%run_scoped3A_18, %dma_wait3A_214] : memref<4x128xi32, #tpu.memory_space<vmem>> -> memref<1x128xi32, #tpu.memory_space<vmem>>
      %dma_wait3A_216 = tpu.memref_squeeze %dma_wait3A_215 : memref<1x128xi32, #tpu.memory_space<vmem>> -> memref<128xi32, #tpu.memory_space<vmem>>
      %dma_wait3A_217 = tpu.memref_slice %arg4[%add3A_15] : memref<16384xi32, #tpu.memory_space<hbm>> -> memref<128xi32, #tpu.memory_space<hbm>>
      tpu.wait_dma2 semaphore(%run_scoped3A_201 : memref<!tpu.dma_semaphore, #tpu.memory_space<semaphore_mem>>) src(%dma_wait3A_217 : memref<128xi32, #tpu.memory_space<hbm>>) dst(%dma_wait3A_216 : memref<128xi32, #tpu.memory_space<vmem>>)
      tpu.yield
    }) : () -> ()
    %add3A_19 = arith.constant 384 : i32
    %add3A_20 = arith.addi %mul3A_2, %add3A_19 : i32
    %run_scoped3A_21 = arith.constant 3 : i32
    "tpu.region"() ({
      %run_scoped3A_201 = tpu.sem_alloc : memref<!tpu.dma_semaphore, #tpu.memory_space<semaphore_mem>>
      %dma_start3A_202 = arith.constant 0 : i32
      %dma_start3A_203 = tpu.memref_slice %arg8[%run_scoped3A_21, %dma_start3A_202] : memref<4x128xi32, #tpu.memory_space<vmem>> -> memref<1x128xi32, #tpu.memory_space<vmem>>
      %dma_start3A_204 = tpu.memref_squeeze %dma_start3A_203 : memref<1x128xi32, #tpu.memory_space<vmem>> -> memref<128xi32, #tpu.memory_space<vmem>>
      %dma_start3A_205 = tpu.memref_slice %arg2[%add3A_20] : memref<16384xi32, #tpu.memory_space<hbm>> -> memref<128xi32, #tpu.memory_space<hbm>>
      %dma_start3A_206 = arith.constant 0 : i32
      %dma_start3A_207 = tpu.memref_slice %arg8[%run_scoped3A_21, %dma_start3A_206] : memref<4x128xi32, #tpu.memory_space<vmem>> -> memref<1x128xi32, #tpu.memory_space<vmem>>
      %dma_start3A_208 = tpu.memref_squeeze %dma_start3A_207 : memref<1x128xi32, #tpu.memory_space<vmem>> -> memref<128xi32, #tpu.memory_space<vmem>>
      %dma_start3A_209 = tpu.memref_slice %arg2[%add3A_20] : memref<16384xi32, #tpu.memory_space<hbm>> -> memref<128xi32, #tpu.memory_space<hbm>>
      tpu.enqueue_dma source(%dma_start3A_209 : memref<128xi32, #tpu.memory_space<hbm>>) target(%dma_start3A_208 : memref<128xi32, #tpu.memory_space<vmem>>) target_semaphore(%run_scoped3A_201 : memref<!tpu.dma_semaphore, #tpu.memory_space<semaphore_mem>>)
      %dma_wait3A_210 = arith.constant 0 : i32
      %dma_wait3A_211 = tpu.memref_slice %arg8[%run_scoped3A_21, %dma_wait3A_210] : memref<4x128xi32, #tpu.memory_space<vmem>> -> memref<1x128xi32, #tpu.memory_space<vmem>>
      %dma_wait3A_212 = tpu.memref_squeeze %dma_wait3A_211 : memref<1x128xi32, #tpu.memory_space<vmem>> -> memref<128xi32, #tpu.memory_space<vmem>>
      %dma_wait3A_213 = tpu.memref_slice %arg2[%add3A_20] : memref<16384xi32, #tpu.memory_space<hbm>> -> memref<128xi32, #tpu.memory_space<hbm>>
      %dma_wait3A_214 = arith.constant 0 : i32
      %dma_wait3A_215 = tpu.memref_slice %arg8[%run_scoped3A_21, %dma_wait3A_214] : memref<4x128xi32, #tpu.memory_space<vmem>> -> memref<1x128xi32, #tpu.memory_space<vmem>>
      %dma_wait3A_216 = tpu.memref_squeeze %dma_wait3A_215 : memref<1x128xi32, #tpu.memory_space<vmem>> -> memref<128xi32, #tpu.memory_space<vmem>>
      %dma_wait3A_217 = tpu.memref_slice %arg2[%add3A_20] : memref<16384xi32, #tpu.memory_space<hbm>> -> memref<128xi32, #tpu.memory_space<hbm>>
      tpu.wait_dma2 semaphore(%run_scoped3A_201 : memref<!tpu.dma_semaphore, #tpu.memory_space<semaphore_mem>>) src(%dma_wait3A_217 : memref<128xi32, #tpu.memory_space<hbm>>) dst(%dma_wait3A_216 : memref<128xi32, #tpu.memory_space<vmem>>)
      tpu.yield
    }) : () -> ()
    %run_scoped3A_22 = arith.constant 3 : i32
    "tpu.region"() ({
      %run_scoped3A_201 = tpu.sem_alloc : memref<!tpu.dma_semaphore, #tpu.memory_space<semaphore_mem>>
      %dma_start3A_202 = arith.constant 0 : i32
      %dma_start3A_203 = tpu.memref_slice %arg9[%run_scoped3A_22, %dma_start3A_202] : memref<4x128xi32, #tpu.memory_space<vmem>> -> memref<1x128xi32, #tpu.memory_space<vmem>>
      %dma_start3A_204 = tpu.memref_squeeze %dma_start3A_203 : memref<1x128xi32, #tpu.memory_space<vmem>> -> memref<128xi32, #tpu.memory_space<vmem>>
      %dma_start3A_205 = tpu.memref_slice %arg3[%add3A_20] : memref<16384xi32, #tpu.memory_space<hbm>> -> memref<128xi32, #tpu.memory_space<hbm>>
      %dma_start3A_206 = arith.constant 0 : i32
      %dma_start3A_207 = tpu.memref_slice %arg9[%run_scoped3A_22, %dma_start3A_206] : memref<4x128xi32, #tpu.memory_space<vmem>> -> memref<1x128xi32, #tpu.memory_space<vmem>>
      %dma_start3A_208 = tpu.memref_squeeze %dma_start3A_207 : memref<1x128xi32, #tpu.memory_space<vmem>> -> memref<128xi32, #tpu.memory_space<vmem>>
      %dma_start3A_209 = tpu.memref_slice %arg3[%add3A_20] : memref<16384xi32, #tpu.memory_space<hbm>> -> memref<128xi32, #tpu.memory_space<hbm>>
      tpu.enqueue_dma source(%dma_start3A_209 : memref<128xi32, #tpu.memory_space<hbm>>) target(%dma_start3A_208 : memref<128xi32, #tpu.memory_space<vmem>>) target_semaphore(%run_scoped3A_201 : memref<!tpu.dma_semaphore, #tpu.memory_space<semaphore_mem>>)
      %dma_wait3A_210 = arith.constant 0 : i32
      %dma_wait3A_211 = tpu.memref_slice %arg9[%run_scoped3A_22, %dma_wait3A_210] : memref<4x128xi32, #tpu.memory_space<vmem>> -> memref<1x128xi32, #tpu.memory_space<vmem>>
      %dma_wait3A_212 = tpu.memref_squeeze %dma_wait3A_211 : memref<1x128xi32, #tpu.memory_space<vmem>> -> memref<128xi32, #tpu.memory_space<vmem>>
      %dma_wait3A_213 = tpu.memref_slice %arg3[%add3A_20] : memref<16384xi32, #tpu.memory_space<hbm>> -> memref<128xi32, #tpu.memory_space<hbm>>
      %dma_wait3A_214 = arith.constant 0 : i32
      %dma_wait3A_215 = tpu.memref_slice %arg9[%run_scoped3A_22, %dma_wait3A_214] : memref<4x128xi32, #tpu.memory_space<vmem>> -> memref<1x128xi32, #tpu.memory_space<vmem>>
      %dma_wait3A_216 = tpu.memref_squeeze %dma_wait3A_215 : memref<1x128xi32, #tpu.memory_space<vmem>> -> memref<128xi32, #tpu.memory_space<vmem>>
      %dma_wait3A_217 = tpu.memref_slice %arg3[%add3A_20] : memref<16384xi32, #tpu.memory_space<hbm>> -> memref<128xi32, #tpu.memory_space<hbm>>
      tpu.wait_dma2 semaphore(%run_scoped3A_201 : memref<!tpu.dma_semaphore, #tpu.memory_space<semaphore_mem>>) src(%dma_wait3A_217 : memref<128xi32, #tpu.memory_space<hbm>>) dst(%dma_wait3A_216 : memref<128xi32, #tpu.memory_space<vmem>>)
      tpu.yield
    }) : () -> ()
    %run_scoped3A_23 = arith.constant 3 : i32
    "tpu.region"() ({
      %run_scoped3A_201 = tpu.sem_alloc : memref<!tpu.dma_semaphore, #tpu.memory_space<semaphore_mem>>
      %dma_start3A_202 = arith.constant 0 : i32
      %dma_start3A_203 = tpu.memref_slice %arg10[%run_scoped3A_23, %dma_start3A_202] : memref<4x128xi32, #tpu.memory_space<vmem>> -> memref<1x128xi32, #tpu.memory_space<vmem>>
      %dma_start3A_204 = tpu.memref_squeeze %dma_start3A_203 : memref<1x128xi32, #tpu.memory_space<vmem>> -> memref<128xi32, #tpu.memory_space<vmem>>
      %dma_start3A_205 = tpu.memref_slice %arg4[%add3A_20] : memref<16384xi32, #tpu.memory_space<hbm>> -> memref<128xi32, #tpu.memory_space<hbm>>
      %dma_start3A_206 = arith.constant 0 : i32
      %dma_start3A_207 = tpu.memref_slice %arg10[%run_scoped3A_23, %dma_start3A_206] : memref<4x128xi32, #tpu.memory_space<vmem>> -> memref<1x128xi32, #tpu.memory_space<vmem>>
      %dma_start3A_208 = tpu.memref_squeeze %dma_start3A_207 : memref<1x128xi32, #tpu.memory_space<vmem>> -> memref<128xi32, #tpu.memory_space<vmem>>
      %dma_start3A_209 = tpu.memref_slice %arg4[%add3A_20] : memref<16384xi32, #tpu.memory_space<hbm>> -> memref<128xi32, #tpu.memory_space<hbm>>
      tpu.enqueue_dma source(%dma_start3A_209 : memref<128xi32, #tpu.memory_space<hbm>>) target(%dma_start3A_208 : memref<128xi32, #tpu.memory_space<vmem>>) target_semaphore(%run_scoped3A_201 : memref<!tpu.dma_semaphore, #tpu.memory_space<semaphore_mem>>)
      %dma_wait3A_210 = arith.constant 0 : i32
      %dma_wait3A_211 = tpu.memref_slice %arg10[%run_scoped3A_23, %dma_wait3A_210] : memref<4x128xi32, #tpu.memory_space<vmem>> -> memref<1x128xi32, #tpu.memory_space<vmem>>
      %dma_wait3A_212 = tpu.memref_squeeze %dma_wait3A_211 : memref<1x128xi32, #tpu.memory_space<vmem>> -> memref<128xi32, #tpu.memory_space<vmem>>
      %dma_wait3A_213 = tpu.memref_slice %arg4[%add3A_20] : memref<16384xi32, #tpu.memory_space<hbm>> -> memref<128xi32, #tpu.memory_space<hbm>>
      %dma_wait3A_214 = arith.constant 0 : i32
      %dma_wait3A_215 = tpu.memref_slice %arg10[%run_scoped3A_23, %dma_wait3A_214] : memref<4x128xi32, #tpu.memory_space<vmem>> -> memref<1x128xi32, #tpu.memory_space<vmem>>
      %dma_wait3A_216 = tpu.memref_squeeze %dma_wait3A_215 : memref<1x128xi32, #tpu.memory_space<vmem>> -> memref<128xi32, #tpu.memory_space<vmem>>
      %dma_wait3A_217 = tpu.memref_slice %arg4[%add3A_20] : memref<16384xi32, #tpu.memory_space<hbm>> -> memref<128xi32, #tpu.memory_space<hbm>>
      tpu.wait_dma2 semaphore(%run_scoped3A_201 : memref<!tpu.dma_semaphore, #tpu.memory_space<semaphore_mem>>) src(%dma_wait3A_217 : memref<128xi32, #tpu.memory_space<hbm>>) dst(%dma_wait3A_216 : memref<128xi32, #tpu.memory_space<vmem>>)
      tpu.yield
    }) : () -> ()
    %dma_start3A = arith.constant 0 : i32
    %dma_start3A_24 = arith.constant 0 : i32
    %dma_start3A_25 = tpu.memref_slice %arg8[%dma_start3A, %dma_start3A_24] : memref<4x128xi32, #tpu.memory_space<vmem>> -> memref<1x128xi32, #tpu.memory_space<vmem>>
    %dma_start3A_26 = tpu.memref_squeeze %dma_start3A_25 : memref<1x128xi32, #tpu.memory_space<vmem>> -> memref<128xi32, #tpu.memory_space<vmem>>
    %dma_start3A_27 = arith.constant 0 : i32
    %dma_start3A_28 = arith.constant 0 : i32
    %dma_start3A_29 = tpu.memref_slice %arg5[%dma_start3A_27, %dma_start3A_28] : memref<1000000x128xf32, #tpu.memory_space<hbm>> -> memref<1000000x128xf32, #tpu.memory_space<hbm>>
    tpu.enqueue_indirect_dma source(%dma_start3A_29 : memref<1000000x128xf32, #tpu.memory_space<hbm>>) target(%arg11 : memref<128x128xf32, #tpu.memory_space<vmem>>) offsets(%dma_start3A_26 : memref<128xi32, #tpu.memory_space<vmem>>) semaphore(%arg18 : memref<!tpu.dma_semaphore, #tpu.memory_space<semaphore_mem>>)
    %dma_start3A_30 = arith.constant 0 : i32
    %dma_start3A_31 = arith.constant 0 : i32
    %dma_start3A_32 = tpu.memref_slice %arg9[%dma_start3A_30, %dma_start3A_31] : memref<4x128xi32, #tpu.memory_space<vmem>> -> memref<1x128xi32, #tpu.memory_space<vmem>>
    %dma_start3A_33 = tpu.memref_squeeze %dma_start3A_32 : memref<1x128xi32, #tpu.memory_space<vmem>> -> memref<128xi32, #tpu.memory_space<vmem>>
    %dma_start3A_34 = arith.constant 0 : i32
    %dma_start3A_35 = arith.constant 0 : i32
    %dma_start3A_36 = tpu.memref_slice %arg6[%dma_start3A_34, %dma_start3A_35] : memref<1000x128xf32, #tpu.memory_space<hbm>> -> memref<1000x128xf32, #tpu.memory_space<hbm>>
    tpu.enqueue_indirect_dma source(%dma_start3A_36 : memref<1000x128xf32, #tpu.memory_space<hbm>>) target(%arg13 : memref<128x128xf32, #tpu.memory_space<vmem>>) offsets(%dma_start3A_33 : memref<128xi32, #tpu.memory_space<vmem>>) semaphore(%arg18 : memref<!tpu.dma_semaphore, #tpu.memory_space<semaphore_mem>>)
    %dma_start3A_37 = arith.constant 0 : i32
    %dma_start3A_38 = arith.constant 0 : i32
    %dma_start3A_39 = tpu.memref_slice %arg10[%dma_start3A_37, %dma_start3A_38] : memref<4x128xi32, #tpu.memory_space<vmem>> -> memref<1x128xi32, #tpu.memory_space<vmem>>
    %dma_start3A_40 = tpu.memref_squeeze %dma_start3A_39 : memref<1x128xi32, #tpu.memory_space<vmem>> -> memref<128xi32, #tpu.memory_space<vmem>>
    %dma_start3A_41 = arith.constant 0 : i32
    %dma_start3A_42 = arith.constant 0 : i32
    %dma_start3A_43 = tpu.memref_slice %arg5[%dma_start3A_41, %dma_start3A_42] : memref<1000000x128xf32, #tpu.memory_space<hbm>> -> memref<1000000x128xf32, #tpu.memory_space<hbm>>
    tpu.enqueue_indirect_dma source(%dma_start3A_43 : memref<1000000x128xf32, #tpu.memory_space<hbm>>) target(%arg15 : memref<128x128xf32, #tpu.memory_space<vmem>>) offsets(%dma_start3A_40 : memref<128xi32, #tpu.memory_space<vmem>>) semaphore(%arg18 : memref<!tpu.dma_semaphore, #tpu.memory_space<semaphore_mem>>)
    %dma_wait3A = arith.constant 0 : i32
    %dma_wait3A_44 = arith.constant 0 : i32
    %dma_wait3A_45 = tpu.memref_slice %arg8[%dma_wait3A, %dma_wait3A_44] : memref<4x128xi32, #tpu.memory_space<vmem>> -> memref<1x128xi32, #tpu.memory_space<vmem>>
    %dma_wait3A_46 = tpu.memref_squeeze %dma_wait3A_45 : memref<1x128xi32, #tpu.memory_space<vmem>> -> memref<128xi32, #tpu.memory_space<vmem>>
    %dma_wait3A_47 = arith.constant 0 : i32
    %dma_wait3A_48 = arith.constant 0 : i32
    %dma_wait3A_49 = tpu.memref_slice %arg5[%dma_wait3A_47, %dma_wait3A_48] : memref<1000000x128xf32, #tpu.memory_space<hbm>> -> memref<1000000x128xf32, #tpu.memory_space<hbm>>
    tpu.wait_indirect_dma semaphore(%arg18 : memref<!tpu.dma_semaphore, #tpu.memory_space<semaphore_mem>>) src(%dma_wait3A_49 : memref<1000000x128xf32, #tpu.memory_space<hbm>>) dst(%arg11 : memref<128x128xf32, #tpu.memory_space<vmem>>)
    %dma_wait3A_50 = arith.constant 0 : i32
    %dma_wait3A_51 = arith.constant 0 : i32
    %dma_wait3A_52 = tpu.memref_slice %arg9[%dma_wait3A_50, %dma_wait3A_51] : memref<4x128xi32, #tpu.memory_space<vmem>> -> memref<1x128xi32, #tpu.memory_space<vmem>>
    %dma_wait3A_53 = tpu.memref_squeeze %dma_wait3A_52 : memref<1x128xi32, #tpu.memory_space<vmem>> -> memref<128xi32, #tpu.memory_space<vmem>>
    %dma_wait3A_54 = arith.constant 0 : i32
    %dma_wait3A_55 = arith.constant 0 : i32
    %dma_wait3A_56 = tpu.memref_slice %arg6[%dma_wait3A_54, %dma_wait3A_55] : memref<1000x128xf32, #tpu.memory_space<hbm>> -> memref<1000x128xf32, #tpu.memory_space<hbm>>
    tpu.wait_indirect_dma semaphore(%arg18 : memref<!tpu.dma_semaphore, #tpu.memory_space<semaphore_mem>>) src(%dma_wait3A_56 : memref<1000x128xf32, #tpu.memory_space<hbm>>) dst(%arg13 : memref<128x128xf32, #tpu.memory_space<vmem>>)
    %dma_wait3A_57 = arith.constant 0 : i32
    %dma_wait3A_58 = arith.constant 0 : i32
    %dma_wait3A_59 = tpu.memref_slice %arg10[%dma_wait3A_57, %dma_wait3A_58] : memref<4x128xi32, #tpu.memory_space<vmem>> -> memref<1x128xi32, #tpu.memory_space<vmem>>
    %dma_wait3A_60 = tpu.memref_squeeze %dma_wait3A_59 : memref<1x128xi32, #tpu.memory_space<vmem>> -> memref<128xi32, #tpu.memory_space<vmem>>
    %dma_wait3A_61 = arith.constant 0 : i32
    %dma_wait3A_62 = arith.constant 0 : i32
    %dma_wait3A_63 = tpu.memref_slice %arg5[%dma_wait3A_61, %dma_wait3A_62] : memref<1000000x128xf32, #tpu.memory_space<hbm>> -> memref<1000000x128xf32, #tpu.memory_space<hbm>>
    tpu.wait_indirect_dma semaphore(%arg18 : memref<!tpu.dma_semaphore, #tpu.memory_space<semaphore_mem>>) src(%dma_wait3A_63 : memref<1000000x128xf32, #tpu.memory_space<hbm>>) dst(%arg15 : memref<128x128xf32, #tpu.memory_space<vmem>>)
    %dma_start3A_64 = arith.constant 1 : i32
    %dma_start3A_65 = arith.constant 0 : i32
    %dma_start3A_66 = tpu.memref_slice %arg8[%dma_start3A_64, %dma_start3A_65] : memref<4x128xi32, #tpu.memory_space<vmem>> -> memref<1x128xi32, #tpu.memory_space<vmem>>
    %dma_start3A_67 = tpu.memref_squeeze %dma_start3A_66 : memref<1x128xi32, #tpu.memory_space<vmem>> -> memref<128xi32, #tpu.memory_space<vmem>>
    %dma_start3A_68 = arith.constant 0 : i32
    %dma_start3A_69 = arith.constant 0 : i32
    %dma_start3A_70 = tpu.memref_slice %arg5[%dma_start3A_68, %dma_start3A_69] : memref<1000000x128xf32, #tpu.memory_space<hbm>> -> memref<1000000x128xf32, #tpu.memory_space<hbm>>
    tpu.enqueue_indirect_dma source(%dma_start3A_70 : memref<1000000x128xf32, #tpu.memory_space<hbm>>) target(%arg12 : memref<128x128xf32, #tpu.memory_space<vmem>>) offsets(%dma_start3A_67 : memref<128xi32, #tpu.memory_space<vmem>>) semaphore(%arg19 : memref<!tpu.dma_semaphore, #tpu.memory_space<semaphore_mem>>)
    %dma_start3A_71 = arith.constant 1 : i32
    %dma_start3A_72 = arith.constant 0 : i32
    %dma_start3A_73 = tpu.memref_slice %arg9[%dma_start3A_71, %dma_start3A_72] : memref<4x128xi32, #tpu.memory_space<vmem>> -> memref<1x128xi32, #tpu.memory_space<vmem>>
    %dma_start3A_74 = tpu.memref_squeeze %dma_start3A_73 : memref<1x128xi32, #tpu.memory_space<vmem>> -> memref<128xi32, #tpu.memory_space<vmem>>
    %dma_start3A_75 = arith.constant 0 : i32
    %dma_start3A_76 = arith.constant 0 : i32
    %dma_start3A_77 = tpu.memref_slice %arg6[%dma_start3A_75, %dma_start3A_76] : memref<1000x128xf32, #tpu.memory_space<hbm>> -> memref<1000x128xf32, #tpu.memory_space<hbm>>
    tpu.enqueue_indirect_dma source(%dma_start3A_77 : memref<1000x128xf32, #tpu.memory_space<hbm>>) target(%arg14 : memref<128x128xf32, #tpu.memory_space<vmem>>) offsets(%dma_start3A_74 : memref<128xi32, #tpu.memory_space<vmem>>) semaphore(%arg19 : memref<!tpu.dma_semaphore, #tpu.memory_space<semaphore_mem>>)
    %dma_start3A_78 = arith.constant 1 : i32
    %dma_start3A_79 = arith.constant 0 : i32
    %dma_start3A_80 = tpu.memref_slice %arg10[%dma_start3A_78, %dma_start3A_79] : memref<4x128xi32, #tpu.memory_space<vmem>> -> memref<1x128xi32, #tpu.memory_space<vmem>>
    %dma_start3A_81 = tpu.memref_squeeze %dma_start3A_80 : memref<1x128xi32, #tpu.memory_space<vmem>> -> memref<128xi32, #tpu.memory_space<vmem>>
    %dma_start3A_82 = arith.constant 0 : i32
    %dma_start3A_83 = arith.constant 0 : i32
    %dma_start3A_84 = tpu.memref_slice %arg5[%dma_start3A_82, %dma_start3A_83] : memref<1000000x128xf32, #tpu.memory_space<hbm>> -> memref<1000000x128xf32, #tpu.memory_space<hbm>>
    tpu.enqueue_indirect_dma source(%dma_start3A_84 : memref<1000000x128xf32, #tpu.memory_space<hbm>>) target(%arg16 : memref<128x128xf32, #tpu.memory_space<vmem>>) offsets(%dma_start3A_81 : memref<128xi32, #tpu.memory_space<vmem>>) semaphore(%arg19 : memref<!tpu.dma_semaphore, #tpu.memory_space<semaphore_mem>>)
    %parallel_loop3A = arith.constant 0 : i32
    %parallel_loop3A_85 = arith.constant 128 : i32
    %parallel_loop3A_86 = arith.constant 1 : i32
    scf.for %parallel_loop3A_201 = %parallel_loop3A to %parallel_loop3A_85 step %parallel_loop3A_86  : i32 {
      %parallel_loop3A_202 = arith.constant 0.000000e+00 : f32
      %parallel_loop3A_203 = vector.broadcast %parallel_loop3A_202 : f32 to vector<16xf32>
      %parallel_loop3A_204 = arith.index_cast %parallel_loop3A_201 : i32 to index
      %parallel_loop3A_205 = arith.constant 0 : index
      %parallel_loop3A_206 = tpu.vector_load %arg11[%parallel_loop3A_204, %parallel_loop3A_205] {strides = array<i32>} : memref<128x128xf32, #tpu.memory_space<vmem>>, vector<16xf32>,
      %parallel_loop3A_207 = arith.index_cast %parallel_loop3A_201 : i32 to index
      %parallel_loop3A_208 = arith.constant 64 : index
      %parallel_loop3A_209 = tpu.vector_load %arg11[%parallel_loop3A_207, %parallel_loop3A_208] {strides = array<i32>} : memref<128x128xf32, #tpu.memory_space<vmem>>, vector<16xf32>,
      %parallel_loop3A_210 = arith.index_cast %parallel_loop3A_201 : i32 to index
      %parallel_loop3A_211 = arith.constant 0 : index
      %parallel_loop3A_212 = tpu.vector_load %arg13[%parallel_loop3A_210, %parallel_loop3A_211] {strides = array<i32>} : memref<128x128xf32, #tpu.memory_space<vmem>>, vector<16xf32>,
      %parallel_loop3A_213 = arith.index_cast %parallel_loop3A_201 : i32 to index
      %parallel_loop3A_214 = arith.constant 64 : index
      %parallel_loop3A_215 = tpu.vector_load %arg13[%parallel_loop3A_213, %parallel_loop3A_214] {strides = array<i32>} : memref<128x128xf32, #tpu.memory_space<vmem>>, vector<16xf32>,
      %parallel_loop3A_216 = arith.index_cast %parallel_loop3A_201 : i32 to index
      %parallel_loop3A_217 = arith.constant 0 : index
      %parallel_loop3A_218 = tpu.vector_load %arg15[%parallel_loop3A_216, %parallel_loop3A_217] {strides = array<i32>} : memref<128x128xf32, #tpu.memory_space<vmem>>, vector<16xf32>,
      %parallel_loop3A_219 = arith.index_cast %parallel_loop3A_201 : i32 to index
      %parallel_loop3A_220 = arith.constant 64 : index
      %parallel_loop3A_221 = tpu.vector_load %arg15[%parallel_loop3A_219, %parallel_loop3A_220] {strides = array<i32>} : memref<128x128xf32, #tpu.memory_space<vmem>>, vector<16xf32>,
      %parallel_loop3A_222 = arith.mulf %parallel_loop3A_206, %parallel_loop3A_212 : vector<16xf32>
      %parallel_loop3A_223 = arith.mulf %parallel_loop3A_209, %parallel_loop3A_215 : vector<16xf32>
      %parallel_loop3A_224 = arith.subf %parallel_loop3A_222, %parallel_loop3A_223 : vector<16xf32>
      %parallel_loop3A_225 = arith.mulf %parallel_loop3A_224, %parallel_loop3A_218 : vector<16xf32>
      %parallel_loop3A_226 = arith.addf %parallel_loop3A_203, %parallel_loop3A_225 : vector<16xf32>
      %parallel_loop3A_227 = arith.mulf %parallel_loop3A_206, %parallel_loop3A_215 : vector<16xf32>
      %parallel_loop3A_228 = arith.mulf %parallel_loop3A_209, %parallel_loop3A_212 : vector<16xf32>
      %parallel_loop3A_229 = arith.addf %parallel_loop3A_227, %parallel_loop3A_228 : vector<16xf32>
      %parallel_loop3A_230 = arith.mulf %parallel_loop3A_229, %parallel_loop3A_221 : vector<16xf32>
      %parallel_loop3A_231 = arith.addf %parallel_loop3A_226, %parallel_loop3A_230 : vector<16xf32>
      %parallel_loop3A_232 = arith.index_cast %parallel_loop3A_201 : i32 to index
      %parallel_loop3A_233 = arith.constant 16 : index
      %parallel_loop3A_234 = tpu.vector_load %arg11[%parallel_loop3A_232, %parallel_loop3A_233] {strides = array<i32>} : memref<128x128xf32, #tpu.memory_space<vmem>>, vector<16xf32>,
      %parallel_loop3A_235 = arith.index_cast %parallel_loop3A_201 : i32 to index
      %parallel_loop3A_236 = arith.constant 80 : index
      %parallel_loop3A_237 = tpu.vector_load %arg11[%parallel_loop3A_235, %parallel_loop3A_236] {strides = array<i32>} : memref<128x128xf32, #tpu.memory_space<vmem>>, vector<16xf32>,
      %parallel_loop3A_238 = arith.index_cast %parallel_loop3A_201 : i32 to index
      %parallel_loop3A_239 = arith.constant 16 : index
      %parallel_loop3A_240 = tpu.vector_load %arg13[%parallel_loop3A_238, %parallel_loop3A_239] {strides = array<i32>} : memref<128x128xf32, #tpu.memory_space<vmem>>, vector<16xf32>,
      %parallel_loop3A_241 = arith.index_cast %parallel_loop3A_201 : i32 to index
      %parallel_loop3A_242 = arith.constant 80 : index
      %parallel_loop3A_243 = tpu.vector_load %arg13[%parallel_loop3A_241, %parallel_loop3A_242] {strides = array<i32>} : memref<128x128xf32, #tpu.memory_space<vmem>>, vector<16xf32>,
      %parallel_loop3A_244 = arith.index_cast %parallel_loop3A_201 : i32 to index
      %parallel_loop3A_245 = arith.constant 16 : index
      %parallel_loop3A_246 = tpu.vector_load %arg15[%parallel_loop3A_244, %parallel_loop3A_245] {strides = array<i32>} : memref<128x128xf32, #tpu.memory_space<vmem>>, vector<16xf32>,
      %parallel_loop3A_247 = arith.index_cast %parallel_loop3A_201 : i32 to index
      %parallel_loop3A_248 = arith.constant 80 : index
      %parallel_loop3A_249 = tpu.vector_load %arg15[%parallel_loop3A_247, %parallel_loop3A_248] {strides = array<i32>} : memref<128x128xf32, #tpu.memory_space<vmem>>, vector<16xf32>,
      %parallel_loop3A_250 = arith.mulf %parallel_loop3A_234, %parallel_loop3A_240 : vector<16xf32>
      %parallel_loop3A_251 = arith.mulf %parallel_loop3A_237, %parallel_loop3A_243 : vector<16xf32>
      %parallel_loop3A_252 = arith.subf %parallel_loop3A_250, %parallel_loop3A_251 : vector<16xf32>
      %parallel_loop3A_253 = arith.mulf %parallel_loop3A_252, %parallel_loop3A_246 : vector<16xf32>
      %parallel_loop3A_254 = arith.addf %parallel_loop3A_231, %parallel_loop3A_253 : vector<16xf32>
      %parallel_loop3A_255 = arith.mulf %parallel_loop3A_234, %parallel_loop3A_243 : vector<16xf32>
      %parallel_loop3A_256 = arith.mulf %parallel_loop3A_237, %parallel_loop3A_240 : vector<16xf32>
      %parallel_loop3A_257 = arith.addf %parallel_loop3A_255, %parallel_loop3A_256 : vector<16xf32>
      %parallel_loop3A_258 = arith.mulf %parallel_loop3A_257, %parallel_loop3A_249 : vector<16xf32>
      %parallel_loop3A_259 = arith.addf %parallel_loop3A_254, %parallel_loop3A_258 : vector<16xf32>
      %parallel_loop3A_260 = arith.index_cast %parallel_loop3A_201 : i32 to index
      %parallel_loop3A_261 = arith.constant 32 : index
      %parallel_loop3A_262 = tpu.vector_load %arg11[%parallel_loop3A_260, %parallel_loop3A_261] {strides = array<i32>} : memref<128x128xf32, #tpu.memory_space<vmem>>, vector<16xf32>,
      %parallel_loop3A_263 = arith.index_cast %parallel_loop3A_201 : i32 to index
      %parallel_loop3A_264 = arith.constant 96 : index
      %parallel_loop3A_265 = tpu.vector_load %arg11[%parallel_loop3A_263, %parallel_loop3A_264] {strides = array<i32>} : memref<128x128xf32, #tpu.memory_space<vmem>>, vector<16xf32>,
      %parallel_loop3A_266 = arith.index_cast %parallel_loop3A_201 : i32 to index
      %parallel_loop3A_267 = arith.constant 32 : index
      %parallel_loop3A_268 = tpu.vector_load %arg13[%parallel_loop3A_266, %parallel_loop3A_267] {strides = array<i32>} : memref<128x128xf32, #tpu.memory_space<vmem>>, vector<16xf32>,
      %parallel_loop3A_269 = arith.index_cast %parallel_loop3A_201 : i32 to index
      %parallel_loop3A_270 = arith.constant 96 : index
      %parallel_loop3A_271 = tpu.vector_load %arg13[%parallel_loop3A_269, %parallel_loop3A_270] {strides = array<i32>} : memref<128x128xf32, #tpu.memory_space<vmem>>, vector<16xf32>,
      %parallel_loop3A_272 = arith.index_cast %parallel_loop3A_201 : i32 to index
      %parallel_loop3A_273 = arith.constant 32 : index
      %parallel_loop3A_274 = tpu.vector_load %arg15[%parallel_loop3A_272, %parallel_loop3A_273] {strides = array<i32>} : memref<128x128xf32, #tpu.memory_space<vmem>>, vector<16xf32>,
      %parallel_loop3A_275 = arith.index_cast %parallel_loop3A_201 : i32 to index
      %parallel_loop3A_276 = arith.constant 96 : index
      %parallel_loop3A_277 = tpu.vector_load %arg15[%parallel_loop3A_275, %parallel_loop3A_276] {strides = array<i32>} : memref<128x128xf32, #tpu.memory_space<vmem>>, vector<16xf32>,
      %parallel_loop3A_278 = arith.mulf %parallel_loop3A_262, %parallel_loop3A_268 : vector<16xf32>
      %parallel_loop3A_279 = arith.mulf %parallel_loop3A_265, %parallel_loop3A_271 : vector<16xf32>
      %parallel_loop3A_280 = arith.subf %parallel_loop3A_278, %parallel_loop3A_279 : vector<16xf32>
      %parallel_loop3A_281 = arith.mulf %parallel_loop3A_280, %parallel_loop3A_274 : vector<16xf32>
      %parallel_loop3A_282 = arith.addf %parallel_loop3A_259, %parallel_loop3A_281 : vector<16xf32>
      %parallel_loop3A_283 = arith.mulf %parallel_loop3A_262, %parallel_loop3A_271 : vector<16xf32>
      %parallel_loop3A_284 = arith.mulf %parallel_loop3A_265, %parallel_loop3A_268 : vector<16xf32>
      %parallel_loop3A_285 = arith.addf %parallel_loop3A_283, %parallel_loop3A_284 : vector<16xf32>
      %parallel_loop3A_286 = arith.mulf %parallel_loop3A_285, %parallel_loop3A_277 : vector<16xf32>
      %parallel_loop3A_287 = arith.addf %parallel_loop3A_282, %parallel_loop3A_286 : vector<16xf32>
      %parallel_loop3A_288 = arith.index_cast %parallel_loop3A_201 : i32 to index
      %parallel_loop3A_289 = arith.constant 48 : index
      %parallel_loop3A_290 = tpu.vector_load %arg11[%parallel_loop3A_288, %parallel_loop3A_289] {strides = array<i32>} : memref<128x128xf32, #tpu.memory_space<vmem>>, vector<16xf32>,
      %parallel_loop3A_291 = arith.index_cast %parallel_loop3A_201 : i32 to index
      %parallel_loop3A_292 = arith.constant 112 : index
      %parallel_loop3A_293 = tpu.vector_load %arg11[%parallel_loop3A_291, %parallel_loop3A_292] {strides = array<i32>} : memref<128x128xf32, #tpu.memory_space<vmem>>, vector<16xf32>,
      %parallel_loop3A_294 = arith.index_cast %parallel_loop3A_201 : i32 to index
      %parallel_loop3A_295 = arith.constant 48 : index
      %parallel_loop3A_296 = tpu.vector_load %arg13[%parallel_loop3A_294, %parallel_loop3A_295] {strides = array<i32>} : memref<128x128xf32, #tpu.memory_space<vmem>>, vector<16xf32>,
      %parallel_loop3A_297 = arith.index_cast %parallel_loop3A_201 : i32 to index
      %parallel_loop3A_298 = arith.constant 112 : index
      %parallel_loop3A_299 = tpu.vector_load %arg13[%parallel_loop3A_297, %parallel_loop3A_298] {strides = array<i32>} : memref<128x128xf32, #tpu.memory_space<vmem>>, vector<16xf32>,
      %parallel_loop3A_300 = arith.index_cast %parallel_loop3A_201 : i32 to index
      %parallel_loop3A_301 = arith.constant 48 : index
      %parallel_loop3A_302 = tpu.vector_load %arg15[%parallel_loop3A_300, %parallel_loop3A_301] {strides = array<i32>} : memref<128x128xf32, #tpu.memory_space<vmem>>, vector<16xf32>,
      %parallel_loop3A_303 = arith.index_cast %parallel_loop3A_201 : i32 to index
      %parallel_loop3A_304 = arith.constant 112 : index
      %parallel_loop3A_305 = tpu.vector_load %arg15[%parallel_loop3A_303, %parallel_loop3A_304] {strides = array<i32>} : memref<128x128xf32, #tpu.memory_space<vmem>>, vector<16xf32>,
      %parallel_loop3A_306 = arith.mulf %parallel_loop3A_290, %parallel_loop3A_296 : vector<16xf32>
      %parallel_loop3A_307 = arith.mulf %parallel_loop3A_293, %parallel_loop3A_299 : vector<16xf32>
      %parallel_loop3A_308 = arith.subf %parallel_loop3A_306, %parallel_loop3A_307 : vector<16xf32>
      %parallel_loop3A_309 = arith.mulf %parallel_loop3A_308, %parallel_loop3A_302 : vector<16xf32>
      %parallel_loop3A_310 = arith.addf %parallel_loop3A_287, %parallel_loop3A_309 : vector<16xf32>
      %parallel_loop3A_311 = arith.mulf %parallel_loop3A_290, %parallel_loop3A_299 : vector<16xf32>
      %parallel_loop3A_312 = arith.mulf %parallel_loop3A_293, %parallel_loop3A_296 : vector<16xf32>
      %parallel_loop3A_313 = arith.addf %parallel_loop3A_311, %parallel_loop3A_312 : vector<16xf32>
      %parallel_loop3A_314 = arith.mulf %parallel_loop3A_313, %parallel_loop3A_305 : vector<16xf32>
      %parallel_loop3A_315 = arith.addf %parallel_loop3A_310, %parallel_loop3A_314 : vector<16xf32>
      %parallel_loop3A_316 = arith.constant true
      %parallel_loop3A_317 = vector.broadcast %parallel_loop3A_316 : i1 to vector<16xi1>
      %parallel_loop3A_318 = tpu.scan <sum>, %parallel_loop3A_315 masked %parallel_loop3A_317 : vector<16xf32>, vector<16xi1> -> vector<16xf32>
      %parallel_loop3A_319 = arith.constant 0 : i32
      %parallel_loop3A_320 = arith.addi %parallel_loop3A_319, %parallel_loop3A_201 : i32
      %parallel_loop3A_321 = vector.broadcast %parallel_loop3A_320 : i32 to vector<16xi32>
      tpu.vector_store_idx %arg17[%parallel_loop3A_321], %parallel_loop3A_318 masked %eq3A_4 : memref<512xf32, #tpu.memory_space<vmem>>[vector<16xi32>], vector<16xf32>, vector<16xi1>
    } {sc.loop_unroll_factor = 4 : i64, sc.parallel_access}
    %dma_wait3A_87 = arith.constant 1 : i32
    %dma_wait3A_88 = arith.constant 0 : i32
    %dma_wait3A_89 = tpu.memref_slice %arg8[%dma_wait3A_87, %dma_wait3A_88] : memref<4x128xi32, #tpu.memory_space<vmem>> -> memref<1x128xi32, #tpu.memory_space<vmem>>
    %dma_wait3A_90 = tpu.memref_squeeze %dma_wait3A_89 : memref<1x128xi32, #tpu.memory_space<vmem>> -> memref<128xi32, #tpu.memory_space<vmem>>
    %dma_wait3A_91 = arith.constant 0 : i32
    %dma_wait3A_92 = arith.constant 0 : i32
    %dma_wait3A_93 = tpu.memref_slice %arg5[%dma_wait3A_91, %dma_wait3A_92] : memref<1000000x128xf32, #tpu.memory_space<hbm>> -> memref<1000000x128xf32, #tpu.memory_space<hbm>>
    tpu.wait_indirect_dma semaphore(%arg19 : memref<!tpu.dma_semaphore, #tpu.memory_space<semaphore_mem>>) src(%dma_wait3A_93 : memref<1000000x128xf32, #tpu.memory_space<hbm>>) dst(%arg12 : memref<128x128xf32, #tpu.memory_space<vmem>>)
    %dma_wait3A_94 = arith.constant 1 : i32
    %dma_wait3A_95 = arith.constant 0 : i32
    %dma_wait3A_96 = tpu.memref_slice %arg9[%dma_wait3A_94, %dma_wait3A_95] : memref<4x128xi32, #tpu.memory_space<vmem>> -> memref<1x128xi32, #tpu.memory_space<vmem>>
    %dma_wait3A_97 = tpu.memref_squeeze %dma_wait3A_96 : memref<1x128xi32, #tpu.memory_space<vmem>> -> memref<128xi32, #tpu.memory_space<vmem>>
    %dma_wait3A_98 = arith.constant 0 : i32
    %dma_wait3A_99 = arith.constant 0 : i32
    %dma_wait3A_100 = tpu.memref_slice %arg6[%dma_wait3A_98, %dma_wait3A_99] : memref<1000x128xf32, #tpu.memory_space<hbm>> -> memref<1000x128xf32, #tpu.memory_space<hbm>>
    tpu.wait_indirect_dma semaphore(%arg19 : memref<!tpu.dma_semaphore, #tpu.memory_space<semaphore_mem>>) src(%dma_wait3A_100 : memref<1000x128xf32, #tpu.memory_space<hbm>>) dst(%arg14 : memref<128x128xf32, #tpu.memory_space<vmem>>)
    %dma_wait3A_101 = arith.constant 1 : i32
    %dma_wait3A_102 = arith.constant 0 : i32
    %dma_wait3A_103 = tpu.memref_slice %arg10[%dma_wait3A_101, %dma_wait3A_102] : memref<4x128xi32, #tpu.memory_space<vmem>> -> memref<1x128xi32, #tpu.memory_space<vmem>>
    %dma_wait3A_104 = tpu.memref_squeeze %dma_wait3A_103 : memref<1x128xi32, #tpu.memory_space<vmem>> -> memref<128xi32, #tpu.memory_space<vmem>>
    %dma_wait3A_105 = arith.constant 0 : i32
    %dma_wait3A_106 = arith.constant 0 : i32
    %dma_wait3A_107 = tpu.memref_slice %arg5[%dma_wait3A_105, %dma_wait3A_106] : memref<1000000x128xf32, #tpu.memory_space<hbm>> -> memref<1000000x128xf32, #tpu.memory_space<hbm>>
    tpu.wait_indirect_dma semaphore(%arg19 : memref<!tpu.dma_semaphore, #tpu.memory_space<semaphore_mem>>) src(%dma_wait3A_107 : memref<1000000x128xf32, #tpu.memory_space<hbm>>) dst(%arg16 : memref<128x128xf32, #tpu.memory_space<vmem>>)
    %dma_start3A_108 = arith.constant 2 : i32
    %dma_start3A_109 = arith.constant 0 : i32
    %dma_start3A_110 = tpu.memref_slice %arg8[%dma_start3A_108, %dma_start3A_109] : memref<4x128xi32, #tpu.memory_space<vmem>> -> memref<1x128xi32, #tpu.memory_space<vmem>>
    %dma_start3A_111 = tpu.memref_squeeze %dma_start3A_110 : memref<1x128xi32, #tpu.memory_space<vmem>> -> memref<128xi32, #tpu.memory_space<vmem>>
    %dma_start3A_112 = arith.constant 0 : i32
    %dma_start3A_113 = arith.constant 0 : i32
    %dma_start3A_114 = tpu.memref_slice %arg5[%dma_start3A_112, %dma_start3A_113] : memref<1000000x128xf32, #tpu.memory_space<hbm>> -> memref<1000000x128xf32, #tpu.memory_space<hbm>>
    tpu.enqueue_indirect_dma source(%dma_start3A_114 : memref<1000000x128xf32, #tpu.memory_space<hbm>>) target(%arg11 : memref<128x128xf32, #tpu.memory_space<vmem>>) offsets(%dma_start3A_111 : memref<128xi32, #tpu.memory_space<vmem>>) semaphore(%arg18 : memref<!tpu.dma_semaphore, #tpu.memory_space<semaphore_mem>>)
    %dma_start3A_115 = arith.constant 2 : i32
    %dma_start3A_116 = arith.constant 0 : i32
    %dma_start3A_117 = tpu.memref_slice %arg9[%dma_start3A_115, %dma_start3A_116] : memref<4x128xi32, #tpu.memory_space<vmem>> -> memref<1x128xi32, #tpu.memory_space<vmem>>
    %dma_start3A_118 = tpu.memref_squeeze %dma_start3A_117 : memref<1x128xi32, #tpu.memory_space<vmem>> -> memref<128xi32, #tpu.memory_space<vmem>>
    %dma_start3A_119 = arith.constant 0 : i32
    %dma_start3A_120 = arith.constant 0 : i32
    %dma_start3A_121 = tpu.memref_slice %arg6[%dma_start3A_119, %dma_start3A_120] : memref<1000x128xf32, #tpu.memory_space<hbm>> -> memref<1000x128xf32, #tpu.memory_space<hbm>>
    tpu.enqueue_indirect_dma source(%dma_start3A_121 : memref<1000x128xf32, #tpu.memory_space<hbm>>) target(%arg13 : memref<128x128xf32, #tpu.memory_space<vmem>>) offsets(%dma_start3A_118 : memref<128xi32, #tpu.memory_space<vmem>>) semaphore(%arg18 : memref<!tpu.dma_semaphore, #tpu.memory_space<semaphore_mem>>)
    %dma_start3A_122 = arith.constant 2 : i32
    %dma_start3A_123 = arith.constant 0 : i32
    %dma_start3A_124 = tpu.memref_slice %arg10[%dma_start3A_122, %dma_start3A_123] : memref<4x128xi32, #tpu.memory_space<vmem>> -> memref<1x128xi32, #tpu.memory_space<vmem>>
    %dma_start3A_125 = tpu.memref_squeeze %dma_start3A_124 : memref<1x128xi32, #tpu.memory_space<vmem>> -> memref<128xi32, #tpu.memory_space<vmem>>
    %dma_start3A_126 = arith.constant 0 : i32
    %dma_start3A_127 = arith.constant 0 : i32
    %dma_start3A_128 = tpu.memref_slice %arg5[%dma_start3A_126, %dma_start3A_127] : memref<1000000x128xf32, #tpu.memory_space<hbm>> -> memref<1000000x128xf32, #tpu.memory_space<hbm>>
    tpu.enqueue_indirect_dma source(%dma_start3A_128 : memref<1000000x128xf32, #tpu.memory_space<hbm>>) target(%arg15 : memref<128x128xf32, #tpu.memory_space<vmem>>) offsets(%dma_start3A_125 : memref<128xi32, #tpu.memory_space<vmem>>) semaphore(%arg18 : memref<!tpu.dma_semaphore, #tpu.memory_space<semaphore_mem>>)
    %parallel_loop3A_129 = arith.constant 0 : i32
    %parallel_loop3A_130 = arith.constant 128 : i32
    %parallel_loop3A_131 = arith.constant 1 : i32
    scf.for %parallel_loop3A_201 = %parallel_loop3A_129 to %parallel_loop3A_130 step %parallel_loop3A_131  : i32 {
      %parallel_loop3A_202 = arith.constant 0.000000e+00 : f32
      %parallel_loop3A_203 = vector.broadcast %parallel_loop3A_202 : f32 to vector<16xf32>
      %parallel_loop3A_204 = arith.index_cast %parallel_loop3A_201 : i32 to index
      %parallel_loop3A_205 = arith.constant 0 : index
      %parallel_loop3A_206 = tpu.vector_load %arg12[%parallel_loop3A_204, %parallel_loop3A_205] {strides = array<i32>} : memref<128x128xf32, #tpu.memory_space<vmem>>, vector<16xf32>,
      %parallel_loop3A_207 = arith.index_cast %parallel_loop3A_201 : i32 to index
      %parallel_loop3A_208 = arith.constant 64 : index
      %parallel_loop3A_209 = tpu.vector_load %arg12[%parallel_loop3A_207, %parallel_loop3A_208] {strides = array<i32>} : memref<128x128xf32, #tpu.memory_space<vmem>>, vector<16xf32>,
      %parallel_loop3A_210 = arith.index_cast %parallel_loop3A_201 : i32 to index
      %parallel_loop3A_211 = arith.constant 0 : index
      %parallel_loop3A_212 = tpu.vector_load %arg14[%parallel_loop3A_210, %parallel_loop3A_211] {strides = array<i32>} : memref<128x128xf32, #tpu.memory_space<vmem>>, vector<16xf32>,
      %parallel_loop3A_213 = arith.index_cast %parallel_loop3A_201 : i32 to index
      %parallel_loop3A_214 = arith.constant 64 : index
      %parallel_loop3A_215 = tpu.vector_load %arg14[%parallel_loop3A_213, %parallel_loop3A_214] {strides = array<i32>} : memref<128x128xf32, #tpu.memory_space<vmem>>, vector<16xf32>,
      %parallel_loop3A_216 = arith.index_cast %parallel_loop3A_201 : i32 to index
      %parallel_loop3A_217 = arith.constant 0 : index
      %parallel_loop3A_218 = tpu.vector_load %arg16[%parallel_loop3A_216, %parallel_loop3A_217] {strides = array<i32>} : memref<128x128xf32, #tpu.memory_space<vmem>>, vector<16xf32>,
      %parallel_loop3A_219 = arith.index_cast %parallel_loop3A_201 : i32 to index
      %parallel_loop3A_220 = arith.constant 64 : index
      %parallel_loop3A_221 = tpu.vector_load %arg16[%parallel_loop3A_219, %parallel_loop3A_220] {strides = array<i32>} : memref<128x128xf32, #tpu.memory_space<vmem>>, vector<16xf32>,
      %parallel_loop3A_222 = arith.mulf %parallel_loop3A_206, %parallel_loop3A_212 : vector<16xf32>
      %parallel_loop3A_223 = arith.mulf %parallel_loop3A_209, %parallel_loop3A_215 : vector<16xf32>
      %parallel_loop3A_224 = arith.subf %parallel_loop3A_222, %parallel_loop3A_223 : vector<16xf32>
      %parallel_loop3A_225 = arith.mulf %parallel_loop3A_224, %parallel_loop3A_218 : vector<16xf32>
      %parallel_loop3A_226 = arith.addf %parallel_loop3A_203, %parallel_loop3A_225 : vector<16xf32>
      %parallel_loop3A_227 = arith.mulf %parallel_loop3A_206, %parallel_loop3A_215 : vector<16xf32>
      %parallel_loop3A_228 = arith.mulf %parallel_loop3A_209, %parallel_loop3A_212 : vector<16xf32>
      %parallel_loop3A_229 = arith.addf %parallel_loop3A_227, %parallel_loop3A_228 : vector<16xf32>
      %parallel_loop3A_230 = arith.mulf %parallel_loop3A_229, %parallel_loop3A_221 : vector<16xf32>
      %parallel_loop3A_231 = arith.addf %parallel_loop3A_226, %parallel_loop3A_230 : vector<16xf32>
      %parallel_loop3A_232 = arith.index_cast %parallel_loop3A_201 : i32 to index
      %parallel_loop3A_233 = arith.constant 16 : index
      %parallel_loop3A_234 = tpu.vector_load %arg12[%parallel_loop3A_232, %parallel_loop3A_233] {strides = array<i32>} : memref<128x128xf32, #tpu.memory_space<vmem>>, vector<16xf32>,
      %parallel_loop3A_235 = arith.index_cast %parallel_loop3A_201 : i32 to index
      %parallel_loop3A_236 = arith.constant 80 : index
      %parallel_loop3A_237 = tpu.vector_load %arg12[%parallel_loop3A_235, %parallel_loop3A_236] {strides = array<i32>} : memref<128x128xf32, #tpu.memory_space<vmem>>, vector<16xf32>,
      %parallel_loop3A_238 = arith.index_cast %parallel_loop3A_201 : i32 to index
      %parallel_loop3A_239 = arith.constant 16 : index
      %parallel_loop3A_240 = tpu.vector_load %arg14[%parallel_loop3A_238, %parallel_loop3A_239] {strides = array<i32>} : memref<128x128xf32, #tpu.memory_space<vmem>>, vector<16xf32>,
      %parallel_loop3A_241 = arith.index_cast %parallel_loop3A_201 : i32 to index
      %parallel_loop3A_242 = arith.constant 80 : index
      %parallel_loop3A_243 = tpu.vector_load %arg14[%parallel_loop3A_241, %parallel_loop3A_242] {strides = array<i32>} : memref<128x128xf32, #tpu.memory_space<vmem>>, vector<16xf32>,
      %parallel_loop3A_244 = arith.index_cast %parallel_loop3A_201 : i32 to index
      %parallel_loop3A_245 = arith.constant 16 : index
      %parallel_loop3A_246 = tpu.vector_load %arg16[%parallel_loop3A_244, %parallel_loop3A_245] {strides = array<i32>} : memref<128x128xf32, #tpu.memory_space<vmem>>, vector<16xf32>,
      %parallel_loop3A_247 = arith.index_cast %parallel_loop3A_201 : i32 to index
      %parallel_loop3A_248 = arith.constant 80 : index
      %parallel_loop3A_249 = tpu.vector_load %arg16[%parallel_loop3A_247, %parallel_loop3A_248] {strides = array<i32>} : memref<128x128xf32, #tpu.memory_space<vmem>>, vector<16xf32>,
      %parallel_loop3A_250 = arith.mulf %parallel_loop3A_234, %parallel_loop3A_240 : vector<16xf32>
      %parallel_loop3A_251 = arith.mulf %parallel_loop3A_237, %parallel_loop3A_243 : vector<16xf32>
      %parallel_loop3A_252 = arith.subf %parallel_loop3A_250, %parallel_loop3A_251 : vector<16xf32>
      %parallel_loop3A_253 = arith.mulf %parallel_loop3A_252, %parallel_loop3A_246 : vector<16xf32>
      %parallel_loop3A_254 = arith.addf %parallel_loop3A_231, %parallel_loop3A_253 : vector<16xf32>
      %parallel_loop3A_255 = arith.mulf %parallel_loop3A_234, %parallel_loop3A_243 : vector<16xf32>
      %parallel_loop3A_256 = arith.mulf %parallel_loop3A_237, %parallel_loop3A_240 : vector<16xf32>
      %parallel_loop3A_257 = arith.addf %parallel_loop3A_255, %parallel_loop3A_256 : vector<16xf32>
      %parallel_loop3A_258 = arith.mulf %parallel_loop3A_257, %parallel_loop3A_249 : vector<16xf32>
      %parallel_loop3A_259 = arith.addf %parallel_loop3A_254, %parallel_loop3A_258 : vector<16xf32>
      %parallel_loop3A_260 = arith.index_cast %parallel_loop3A_201 : i32 to index
      %parallel_loop3A_261 = arith.constant 32 : index
      %parallel_loop3A_262 = tpu.vector_load %arg12[%parallel_loop3A_260, %parallel_loop3A_261] {strides = array<i32>} : memref<128x128xf32, #tpu.memory_space<vmem>>, vector<16xf32>,
      %parallel_loop3A_263 = arith.index_cast %parallel_loop3A_201 : i32 to index
      %parallel_loop3A_264 = arith.constant 96 : index
      %parallel_loop3A_265 = tpu.vector_load %arg12[%parallel_loop3A_263, %parallel_loop3A_264] {strides = array<i32>} : memref<128x128xf32, #tpu.memory_space<vmem>>, vector<16xf32>,
      %parallel_loop3A_266 = arith.index_cast %parallel_loop3A_201 : i32 to index
      %parallel_loop3A_267 = arith.constant 32 : index
      %parallel_loop3A_268 = tpu.vector_load %arg14[%parallel_loop3A_266, %parallel_loop3A_267] {strides = array<i32>} : memref<128x128xf32, #tpu.memory_space<vmem>>, vector<16xf32>,
      %parallel_loop3A_269 = arith.index_cast %parallel_loop3A_201 : i32 to index
      %parallel_loop3A_270 = arith.constant 96 : index
      %parallel_loop3A_271 = tpu.vector_load %arg14[%parallel_loop3A_269, %parallel_loop3A_270] {strides = array<i32>} : memref<128x128xf32, #tpu.memory_space<vmem>>, vector<16xf32>,
      %parallel_loop3A_272 = arith.index_cast %parallel_loop3A_201 : i32 to index
      %parallel_loop3A_273 = arith.constant 32 : index
      %parallel_loop3A_274 = tpu.vector_load %arg16[%parallel_loop3A_272, %parallel_loop3A_273] {strides = array<i32>} : memref<128x128xf32, #tpu.memory_space<vmem>>, vector<16xf32>,
      %parallel_loop3A_275 = arith.index_cast %parallel_loop3A_201 : i32 to index
      %parallel_loop3A_276 = arith.constant 96 : index
      %parallel_loop3A_277 = tpu.vector_load %arg16[%parallel_loop3A_275, %parallel_loop3A_276] {strides = array<i32>} : memref<128x128xf32, #tpu.memory_space<vmem>>, vector<16xf32>,
      %parallel_loop3A_278 = arith.mulf %parallel_loop3A_262, %parallel_loop3A_268 : vector<16xf32>
      %parallel_loop3A_279 = arith.mulf %parallel_loop3A_265, %parallel_loop3A_271 : vector<16xf32>
      %parallel_loop3A_280 = arith.subf %parallel_loop3A_278, %parallel_loop3A_279 : vector<16xf32>
      %parallel_loop3A_281 = arith.mulf %parallel_loop3A_280, %parallel_loop3A_274 : vector<16xf32>
      %parallel_loop3A_282 = arith.addf %parallel_loop3A_259, %parallel_loop3A_281 : vector<16xf32>
      %parallel_loop3A_283 = arith.mulf %parallel_loop3A_262, %parallel_loop3A_271 : vector<16xf32>
      %parallel_loop3A_284 = arith.mulf %parallel_loop3A_265, %parallel_loop3A_268 : vector<16xf32>
      %parallel_loop3A_285 = arith.addf %parallel_loop3A_283, %parallel_loop3A_284 : vector<16xf32>
      %parallel_loop3A_286 = arith.mulf %parallel_loop3A_285, %parallel_loop3A_277 : vector<16xf32>
      %parallel_loop3A_287 = arith.addf %parallel_loop3A_282, %parallel_loop3A_286 : vector<16xf32>
      %parallel_loop3A_288 = arith.index_cast %parallel_loop3A_201 : i32 to index
      %parallel_loop3A_289 = arith.constant 48 : index
      %parallel_loop3A_290 = tpu.vector_load %arg12[%parallel_loop3A_288, %parallel_loop3A_289] {strides = array<i32>} : memref<128x128xf32, #tpu.memory_space<vmem>>, vector<16xf32>,
      %parallel_loop3A_291 = arith.index_cast %parallel_loop3A_201 : i32 to index
      %parallel_loop3A_292 = arith.constant 112 : index
      %parallel_loop3A_293 = tpu.vector_load %arg12[%parallel_loop3A_291, %parallel_loop3A_292] {strides = array<i32>} : memref<128x128xf32, #tpu.memory_space<vmem>>, vector<16xf32>,
      %parallel_loop3A_294 = arith.index_cast %parallel_loop3A_201 : i32 to index
      %parallel_loop3A_295 = arith.constant 48 : index
      %parallel_loop3A_296 = tpu.vector_load %arg14[%parallel_loop3A_294, %parallel_loop3A_295] {strides = array<i32>} : memref<128x128xf32, #tpu.memory_space<vmem>>, vector<16xf32>,
      %parallel_loop3A_297 = arith.index_cast %parallel_loop3A_201 : i32 to index
      %parallel_loop3A_298 = arith.constant 112 : index
      %parallel_loop3A_299 = tpu.vector_load %arg14[%parallel_loop3A_297, %parallel_loop3A_298] {strides = array<i32>} : memref<128x128xf32, #tpu.memory_space<vmem>>, vector<16xf32>,
      %parallel_loop3A_300 = arith.index_cast %parallel_loop3A_201 : i32 to index
      %parallel_loop3A_301 = arith.constant 48 : index
      %parallel_loop3A_302 = tpu.vector_load %arg16[%parallel_loop3A_300, %parallel_loop3A_301] {strides = array<i32>} : memref<128x128xf32, #tpu.memory_space<vmem>>, vector<16xf32>,
      %parallel_loop3A_303 = arith.index_cast %parallel_loop3A_201 : i32 to index
      %parallel_loop3A_304 = arith.constant 112 : index
      %parallel_loop3A_305 = tpu.vector_load %arg16[%parallel_loop3A_303, %parallel_loop3A_304] {strides = array<i32>} : memref<128x128xf32, #tpu.memory_space<vmem>>, vector<16xf32>,
      %parallel_loop3A_306 = arith.mulf %parallel_loop3A_290, %parallel_loop3A_296 : vector<16xf32>
      %parallel_loop3A_307 = arith.mulf %parallel_loop3A_293, %parallel_loop3A_299 : vector<16xf32>
      %parallel_loop3A_308 = arith.subf %parallel_loop3A_306, %parallel_loop3A_307 : vector<16xf32>
      %parallel_loop3A_309 = arith.mulf %parallel_loop3A_308, %parallel_loop3A_302 : vector<16xf32>
      %parallel_loop3A_310 = arith.addf %parallel_loop3A_287, %parallel_loop3A_309 : vector<16xf32>
      %parallel_loop3A_311 = arith.mulf %parallel_loop3A_290, %parallel_loop3A_299 : vector<16xf32>
      %parallel_loop3A_312 = arith.mulf %parallel_loop3A_293, %parallel_loop3A_296 : vector<16xf32>
      %parallel_loop3A_313 = arith.addf %parallel_loop3A_311, %parallel_loop3A_312 : vector<16xf32>
      %parallel_loop3A_314 = arith.mulf %parallel_loop3A_313, %parallel_loop3A_305 : vector<16xf32>
      %parallel_loop3A_315 = arith.addf %parallel_loop3A_310, %parallel_loop3A_314 : vector<16xf32>
      %parallel_loop3A_316 = arith.constant true
      %parallel_loop3A_317 = vector.broadcast %parallel_loop3A_316 : i1 to vector<16xi1>
      %parallel_loop3A_318 = tpu.scan <sum>, %parallel_loop3A_315 masked %parallel_loop3A_317 : vector<16xf32>, vector<16xi1> -> vector<16xf32>
      %parallel_loop3A_319 = arith.constant 128 : i32
      %parallel_loop3A_320 = arith.addi %parallel_loop3A_319, %parallel_loop3A_201 : i32
      %parallel_loop3A_321 = vector.broadcast %parallel_loop3A_320 : i32 to vector<16xi32>
      tpu.vector_store_idx %arg17[%parallel_loop3A_321], %parallel_loop3A_318 masked %eq3A_4 : memref<512xf32, #tpu.memory_space<vmem>>[vector<16xi32>], vector<16xf32>, vector<16xi1>
    } {sc.loop_unroll_factor = 4 : i64, sc.parallel_access}
    %dma_wait3A_132 = arith.constant 2 : i32
    %dma_wait3A_133 = arith.constant 0 : i32
    %dma_wait3A_134 = tpu.memref_slice %arg8[%dma_wait3A_132, %dma_wait3A_133] : memref<4x128xi32, #tpu.memory_space<vmem>> -> memref<1x128xi32, #tpu.memory_space<vmem>>
    %dma_wait3A_135 = tpu.memref_squeeze %dma_wait3A_134 : memref<1x128xi32, #tpu.memory_space<vmem>> -> memref<128xi32, #tpu.memory_space<vmem>>
    %dma_wait3A_136 = arith.constant 0 : i32
    %dma_wait3A_137 = arith.constant 0 : i32
    %dma_wait3A_138 = tpu.memref_slice %arg5[%dma_wait3A_136, %dma_wait3A_137] : memref<1000000x128xf32, #tpu.memory_space<hbm>> -> memref<1000000x128xf32, #tpu.memory_space<hbm>>
    tpu.wait_indirect_dma semaphore(%arg18 : memref<!tpu.dma_semaphore, #tpu.memory_space<semaphore_mem>>) src(%dma_wait3A_138 : memref<1000000x128xf32, #tpu.memory_space<hbm>>) dst(%arg11 : memref<128x128xf32, #tpu.memory_space<vmem>>)
    %dma_wait3A_139 = arith.constant 2 : i32
    %dma_wait3A_140 = arith.constant 0 : i32
    %dma_wait3A_141 = tpu.memref_slice %arg9[%dma_wait3A_139, %dma_wait3A_140] : memref<4x128xi32, #tpu.memory_space<vmem>> -> memref<1x128xi32, #tpu.memory_space<vmem>>
    %dma_wait3A_142 = tpu.memref_squeeze %dma_wait3A_141 : memref<1x128xi32, #tpu.memory_space<vmem>> -> memref<128xi32, #tpu.memory_space<vmem>>
    %dma_wait3A_143 = arith.constant 0 : i32
    %dma_wait3A_144 = arith.constant 0 : i32
    %dma_wait3A_145 = tpu.memref_slice %arg6[%dma_wait3A_143, %dma_wait3A_144] : memref<1000x128xf32, #tpu.memory_space<hbm>> -> memref<1000x128xf32, #tpu.memory_space<hbm>>
    tpu.wait_indirect_dma semaphore(%arg18 : memref<!tpu.dma_semaphore, #tpu.memory_space<semaphore_mem>>) src(%dma_wait3A_145 : memref<1000x128xf32, #tpu.memory_space<hbm>>) dst(%arg13 : memref<128x128xf32, #tpu.memory_space<vmem>>)
    %dma_wait3A_146 = arith.constant 2 : i32
    %dma_wait3A_147 = arith.constant 0 : i32
    %dma_wait3A_148 = tpu.memref_slice %arg10[%dma_wait3A_146, %dma_wait3A_147] : memref<4x128xi32, #tpu.memory_space<vmem>> -> memref<1x128xi32, #tpu.memory_space<vmem>>
    %dma_wait3A_149 = tpu.memref_squeeze %dma_wait3A_148 : memref<1x128xi32, #tpu.memory_space<vmem>> -> memref<128xi32, #tpu.memory_space<vmem>>
    %dma_wait3A_150 = arith.constant 0 : i32
    %dma_wait3A_151 = arith.constant 0 : i32
    %dma_wait3A_152 = tpu.memref_slice %arg5[%dma_wait3A_150, %dma_wait3A_151] : memref<1000000x128xf32, #tpu.memory_space<hbm>> -> memref<1000000x128xf32, #tpu.memory_space<hbm>>
    tpu.wait_indirect_dma semaphore(%arg18 : memref<!tpu.dma_semaphore, #tpu.memory_space<semaphore_mem>>) src(%dma_wait3A_152 : memref<1000000x128xf32, #tpu.memory_space<hbm>>) dst(%arg15 : memref<128x128xf32, #tpu.memory_space<vmem>>)
    %dma_start3A_153 = arith.constant 3 : i32
    %dma_start3A_154 = arith.constant 0 : i32
    %dma_start3A_155 = tpu.memref_slice %arg8[%dma_start3A_153, %dma_start3A_154] : memref<4x128xi32, #tpu.memory_space<vmem>> -> memref<1x128xi32, #tpu.memory_space<vmem>>
    %dma_start3A_156 = tpu.memref_squeeze %dma_start3A_155 : memref<1x128xi32, #tpu.memory_space<vmem>> -> memref<128xi32, #tpu.memory_space<vmem>>
    %dma_start3A_157 = arith.constant 0 : i32
    %dma_start3A_158 = arith.constant 0 : i32
    %dma_start3A_159 = tpu.memref_slice %arg5[%dma_start3A_157, %dma_start3A_158] : memref<1000000x128xf32, #tpu.memory_space<hbm>> -> memref<1000000x128xf32, #tpu.memory_space<hbm>>
    tpu.enqueue_indirect_dma source(%dma_start3A_159 : memref<1000000x128xf32, #tpu.memory_space<hbm>>) target(%arg12 : memref<128x128xf32, #tpu.memory_space<vmem>>) offsets(%dma_start3A_156 : memref<128xi32, #tpu.memory_space<vmem>>) semaphore(%arg19 : memref<!tpu.dma_semaphore, #tpu.memory_space<semaphore_mem>>)
    %dma_start3A_160 = arith.constant 3 : i32
    %dma_start3A_161 = arith.constant 0 : i32
    %dma_start3A_162 = tpu.memref_slice %arg9[%dma_start3A_160, %dma_start3A_161] : memref<4x128xi32, #tpu.memory_space<vmem>> -> memref<1x128xi32, #tpu.memory_space<vmem>>
    %dma_start3A_163 = tpu.memref_squeeze %dma_start3A_162 : memref<1x128xi32, #tpu.memory_space<vmem>> -> memref<128xi32, #tpu.memory_space<vmem>>
    %dma_start3A_164 = arith.constant 0 : i32
    %dma_start3A_165 = arith.constant 0 : i32
    %dma_start3A_166 = tpu.memref_slice %arg6[%dma_start3A_164, %dma_start3A_165] : memref<1000x128xf32, #tpu.memory_space<hbm>> -> memref<1000x128xf32, #tpu.memory_space<hbm>>
    tpu.enqueue_indirect_dma source(%dma_start3A_166 : memref<1000x128xf32, #tpu.memory_space<hbm>>) target(%arg14 : memref<128x128xf32, #tpu.memory_space<vmem>>) offsets(%dma_start3A_163 : memref<128xi32, #tpu.memory_space<vmem>>) semaphore(%arg19 : memref<!tpu.dma_semaphore, #tpu.memory_space<semaphore_mem>>)
    %dma_start3A_167 = arith.constant 3 : i32
    %dma_start3A_168 = arith.constant 0 : i32
    %dma_start3A_169 = tpu.memref_slice %arg10[%dma_start3A_167, %dma_start3A_168] : memref<4x128xi32, #tpu.memory_space<vmem>> -> memref<1x128xi32, #tpu.memory_space<vmem>>
    %dma_start3A_170 = tpu.memref_squeeze %dma_start3A_169 : memref<1x128xi32, #tpu.memory_space<vmem>> -> memref<128xi32, #tpu.memory_space<vmem>>
    %dma_start3A_171 = arith.constant 0 : i32
    %dma_start3A_172 = arith.constant 0 : i32
    %dma_start3A_173 = tpu.memref_slice %arg5[%dma_start3A_171, %dma_start3A_172] : memref<1000000x128xf32, #tpu.memory_space<hbm>> -> memref<1000000x128xf32, #tpu.memory_space<hbm>>
    tpu.enqueue_indirect_dma source(%dma_start3A_173 : memref<1000000x128xf32, #tpu.memory_space<hbm>>) target(%arg16 : memref<128x128xf32, #tpu.memory_space<vmem>>) offsets(%dma_start3A_170 : memref<128xi32, #tpu.memory_space<vmem>>) semaphore(%arg19 : memref<!tpu.dma_semaphore, #tpu.memory_space<semaphore_mem>>)
    %parallel_loop3A_174 = arith.constant 0 : i32
    %parallel_loop3A_175 = arith.constant 128 : i32
    %parallel_loop3A_176 = arith.constant 1 : i32
    scf.for %parallel_loop3A_201 = %parallel_loop3A_174 to %parallel_loop3A_175 step %parallel_loop3A_176  : i32 {
      %parallel_loop3A_202 = arith.constant 0.000000e+00 : f32
      %parallel_loop3A_203 = vector.broadcast %parallel_loop3A_202 : f32 to vector<16xf32>
      %parallel_loop3A_204 = arith.index_cast %parallel_loop3A_201 : i32 to index
      %parallel_loop3A_205 = arith.constant 0 : index
      %parallel_loop3A_206 = tpu.vector_load %arg11[%parallel_loop3A_204, %parallel_loop3A_205] {strides = array<i32>} : memref<128x128xf32, #tpu.memory_space<vmem>>, vector<16xf32>,
      %parallel_loop3A_207 = arith.index_cast %parallel_loop3A_201 : i32 to index
      %parallel_loop3A_208 = arith.constant 64 : index
      %parallel_loop3A_209 = tpu.vector_load %arg11[%parallel_loop3A_207, %parallel_loop3A_208] {strides = array<i32>} : memref<128x128xf32, #tpu.memory_space<vmem>>, vector<16xf32>,
      %parallel_loop3A_210 = arith.index_cast %parallel_loop3A_201 : i32 to index
      %parallel_loop3A_211 = arith.constant 0 : index
      %parallel_loop3A_212 = tpu.vector_load %arg13[%parallel_loop3A_210, %parallel_loop3A_211] {strides = array<i32>} : memref<128x128xf32, #tpu.memory_space<vmem>>, vector<16xf32>,
      %parallel_loop3A_213 = arith.index_cast %parallel_loop3A_201 : i32 to index
      %parallel_loop3A_214 = arith.constant 64 : index
      %parallel_loop3A_215 = tpu.vector_load %arg13[%parallel_loop3A_213, %parallel_loop3A_214] {strides = array<i32>} : memref<128x128xf32, #tpu.memory_space<vmem>>, vector<16xf32>,
      %parallel_loop3A_216 = arith.index_cast %parallel_loop3A_201 : i32 to index
      %parallel_loop3A_217 = arith.constant 0 : index
      %parallel_loop3A_218 = tpu.vector_load %arg15[%parallel_loop3A_216, %parallel_loop3A_217] {strides = array<i32>} : memref<128x128xf32, #tpu.memory_space<vmem>>, vector<16xf32>,
      %parallel_loop3A_219 = arith.index_cast %parallel_loop3A_201 : i32 to index
      %parallel_loop3A_220 = arith.constant 64 : index
      %parallel_loop3A_221 = tpu.vector_load %arg15[%parallel_loop3A_219, %parallel_loop3A_220] {strides = array<i32>} : memref<128x128xf32, #tpu.memory_space<vmem>>, vector<16xf32>,
      %parallel_loop3A_222 = arith.mulf %parallel_loop3A_206, %parallel_loop3A_212 : vector<16xf32>
      %parallel_loop3A_223 = arith.mulf %parallel_loop3A_209, %parallel_loop3A_215 : vector<16xf32>
      %parallel_loop3A_224 = arith.subf %parallel_loop3A_222, %parallel_loop3A_223 : vector<16xf32>
      %parallel_loop3A_225 = arith.mulf %parallel_loop3A_224, %parallel_loop3A_218 : vector<16xf32>
      %parallel_loop3A_226 = arith.addf %parallel_loop3A_203, %parallel_loop3A_225 : vector<16xf32>
      %parallel_loop3A_227 = arith.mulf %parallel_loop3A_206, %parallel_loop3A_215 : vector<16xf32>
      %parallel_loop3A_228 = arith.mulf %parallel_loop3A_209, %parallel_loop3A_212 : vector<16xf32>
      %parallel_loop3A_229 = arith.addf %parallel_loop3A_227, %parallel_loop3A_228 : vector<16xf32>
      %parallel_loop3A_230 = arith.mulf %parallel_loop3A_229, %parallel_loop3A_221 : vector<16xf32>
      %parallel_loop3A_231 = arith.addf %parallel_loop3A_226, %parallel_loop3A_230 : vector<16xf32>
      %parallel_loop3A_232 = arith.index_cast %parallel_loop3A_201 : i32 to index
      %parallel_loop3A_233 = arith.constant 16 : index
      %parallel_loop3A_234 = tpu.vector_load %arg11[%parallel_loop3A_232, %parallel_loop3A_233] {strides = array<i32>} : memref<128x128xf32, #tpu.memory_space<vmem>>, vector<16xf32>,
      %parallel_loop3A_235 = arith.index_cast %parallel_loop3A_201 : i32 to index
      %parallel_loop3A_236 = arith.constant 80 : index
      %parallel_loop3A_237 = tpu.vector_load %arg11[%parallel_loop3A_235, %parallel_loop3A_236] {strides = array<i32>} : memref<128x128xf32, #tpu.memory_space<vmem>>, vector<16xf32>,
      %parallel_loop3A_238 = arith.index_cast %parallel_loop3A_201 : i32 to index
      %parallel_loop3A_239 = arith.constant 16 : index
      %parallel_loop3A_240 = tpu.vector_load %arg13[%parallel_loop3A_238, %parallel_loop3A_239] {strides = array<i32>} : memref<128x128xf32, #tpu.memory_space<vmem>>, vector<16xf32>,
      %parallel_loop3A_241 = arith.index_cast %parallel_loop3A_201 : i32 to index
      %parallel_loop3A_242 = arith.constant 80 : index
      %parallel_loop3A_243 = tpu.vector_load %arg13[%parallel_loop3A_241, %parallel_loop3A_242] {strides = array<i32>} : memref<128x128xf32, #tpu.memory_space<vmem>>, vector<16xf32>,
      %parallel_loop3A_244 = arith.index_cast %parallel_loop3A_201 : i32 to index
      %parallel_loop3A_245 = arith.constant 16 : index
      %parallel_loop3A_246 = tpu.vector_load %arg15[%parallel_loop3A_244, %parallel_loop3A_245] {strides = array<i32>} : memref<128x128xf32, #tpu.memory_space<vmem>>, vector<16xf32>,
      %parallel_loop3A_247 = arith.index_cast %parallel_loop3A_201 : i32 to index
      %parallel_loop3A_248 = arith.constant 80 : index
      %parallel_loop3A_249 = tpu.vector_load %arg15[%parallel_loop3A_247, %parallel_loop3A_248] {strides = array<i32>} : memref<128x128xf32, #tpu.memory_space<vmem>>, vector<16xf32>,
      %parallel_loop3A_250 = arith.mulf %parallel_loop3A_234, %parallel_loop3A_240 : vector<16xf32>
      %parallel_loop3A_251 = arith.mulf %parallel_loop3A_237, %parallel_loop3A_243 : vector<16xf32>
      %parallel_loop3A_252 = arith.subf %parallel_loop3A_250, %parallel_loop3A_251 : vector<16xf32>
      %parallel_loop3A_253 = arith.mulf %parallel_loop3A_252, %parallel_loop3A_246 : vector<16xf32>
      %parallel_loop3A_254 = arith.addf %parallel_loop3A_231, %parallel_loop3A_253 : vector<16xf32>
      %parallel_loop3A_255 = arith.mulf %parallel_loop3A_234, %parallel_loop3A_243 : vector<16xf32>
      %parallel_loop3A_256 = arith.mulf %parallel_loop3A_237, %parallel_loop3A_240 : vector<16xf32>
      %parallel_loop3A_257 = arith.addf %parallel_loop3A_255, %parallel_loop3A_256 : vector<16xf32>
      %parallel_loop3A_258 = arith.mulf %parallel_loop3A_257, %parallel_loop3A_249 : vector<16xf32>
      %parallel_loop3A_259 = arith.addf %parallel_loop3A_254, %parallel_loop3A_258 : vector<16xf32>
      %parallel_loop3A_260 = arith.index_cast %parallel_loop3A_201 : i32 to index
      %parallel_loop3A_261 = arith.constant 32 : index
      %parallel_loop3A_262 = tpu.vector_load %arg11[%parallel_loop3A_260, %parallel_loop3A_261] {strides = array<i32>} : memref<128x128xf32, #tpu.memory_space<vmem>>, vector<16xf32>,
      %parallel_loop3A_263 = arith.index_cast %parallel_loop3A_201 : i32 to index
      %parallel_loop3A_264 = arith.constant 96 : index
      %parallel_loop3A_265 = tpu.vector_load %arg11[%parallel_loop3A_263, %parallel_loop3A_264] {strides = array<i32>} : memref<128x128xf32, #tpu.memory_space<vmem>>, vector<16xf32>,
      %parallel_loop3A_266 = arith.index_cast %parallel_loop3A_201 : i32 to index
      %parallel_loop3A_267 = arith.constant 32 : index
      %parallel_loop3A_268 = tpu.vector_load %arg13[%parallel_loop3A_266, %parallel_loop3A_267] {strides = array<i32>} : memref<128x128xf32, #tpu.memory_space<vmem>>, vector<16xf32>,
      %parallel_loop3A_269 = arith.index_cast %parallel_loop3A_201 : i32 to index
      %parallel_loop3A_270 = arith.constant 96 : index
      %parallel_loop3A_271 = tpu.vector_load %arg13[%parallel_loop3A_269, %parallel_loop3A_270] {strides = array<i32>} : memref<128x128xf32, #tpu.memory_space<vmem>>, vector<16xf32>,
      %parallel_loop3A_272 = arith.index_cast %parallel_loop3A_201 : i32 to index
      %parallel_loop3A_273 = arith.constant 32 : index
      %parallel_loop3A_274 = tpu.vector_load %arg15[%parallel_loop3A_272, %parallel_loop3A_273] {strides = array<i32>} : memref<128x128xf32, #tpu.memory_space<vmem>>, vector<16xf32>,
      %parallel_loop3A_275 = arith.index_cast %parallel_loop3A_201 : i32 to index
      %parallel_loop3A_276 = arith.constant 96 : index
      %parallel_loop3A_277 = tpu.vector_load %arg15[%parallel_loop3A_275, %parallel_loop3A_276] {strides = array<i32>} : memref<128x128xf32, #tpu.memory_space<vmem>>, vector<16xf32>,
      %parallel_loop3A_278 = arith.mulf %parallel_loop3A_262, %parallel_loop3A_268 : vector<16xf32>
      %parallel_loop3A_279 = arith.mulf %parallel_loop3A_265, %parallel_loop3A_271 : vector<16xf32>
      %parallel_loop3A_280 = arith.subf %parallel_loop3A_278, %parallel_loop3A_279 : vector<16xf32>
      %parallel_loop3A_281 = arith.mulf %parallel_loop3A_280, %parallel_loop3A_274 : vector<16xf32>
      %parallel_loop3A_282 = arith.addf %parallel_loop3A_259, %parallel_loop3A_281 : vector<16xf32>
      %parallel_loop3A_283 = arith.mulf %parallel_loop3A_262, %parallel_loop3A_271 : vector<16xf32>
      %parallel_loop3A_284 = arith.mulf %parallel_loop3A_265, %parallel_loop3A_268 : vector<16xf32>
      %parallel_loop3A_285 = arith.addf %parallel_loop3A_283, %parallel_loop3A_284 : vector<16xf32>
      %parallel_loop3A_286 = arith.mulf %parallel_loop3A_285, %parallel_loop3A_277 : vector<16xf32>
      %parallel_loop3A_287 = arith.addf %parallel_loop3A_282, %parallel_loop3A_286 : vector<16xf32>
      %parallel_loop3A_288 = arith.index_cast %parallel_loop3A_201 : i32 to index
      %parallel_loop3A_289 = arith.constant 48 : index
      %parallel_loop3A_290 = tpu.vector_load %arg11[%parallel_loop3A_288, %parallel_loop3A_289] {strides = array<i32>} : memref<128x128xf32, #tpu.memory_space<vmem>>, vector<16xf32>,
      %parallel_loop3A_291 = arith.index_cast %parallel_loop3A_201 : i32 to index
      %parallel_loop3A_292 = arith.constant 112 : index
      %parallel_loop3A_293 = tpu.vector_load %arg11[%parallel_loop3A_291, %parallel_loop3A_292] {strides = array<i32>} : memref<128x128xf32, #tpu.memory_space<vmem>>, vector<16xf32>,
      %parallel_loop3A_294 = arith.index_cast %parallel_loop3A_201 : i32 to index
      %parallel_loop3A_295 = arith.constant 48 : index
      %parallel_loop3A_296 = tpu.vector_load %arg13[%parallel_loop3A_294, %parallel_loop3A_295] {strides = array<i32>} : memref<128x128xf32, #tpu.memory_space<vmem>>, vector<16xf32>,
      %parallel_loop3A_297 = arith.index_cast %parallel_loop3A_201 : i32 to index
      %parallel_loop3A_298 = arith.constant 112 : index
      %parallel_loop3A_299 = tpu.vector_load %arg13[%parallel_loop3A_297, %parallel_loop3A_298] {strides = array<i32>} : memref<128x128xf32, #tpu.memory_space<vmem>>, vector<16xf32>,
      %parallel_loop3A_300 = arith.index_cast %parallel_loop3A_201 : i32 to index
      %parallel_loop3A_301 = arith.constant 48 : index
      %parallel_loop3A_302 = tpu.vector_load %arg15[%parallel_loop3A_300, %parallel_loop3A_301] {strides = array<i32>} : memref<128x128xf32, #tpu.memory_space<vmem>>, vector<16xf32>,
      %parallel_loop3A_303 = arith.index_cast %parallel_loop3A_201 : i32 to index
      %parallel_loop3A_304 = arith.constant 112 : index
      %parallel_loop3A_305 = tpu.vector_load %arg15[%parallel_loop3A_303, %parallel_loop3A_304] {strides = array<i32>} : memref<128x128xf32, #tpu.memory_space<vmem>>, vector<16xf32>,
      %parallel_loop3A_306 = arith.mulf %parallel_loop3A_290, %parallel_loop3A_296 : vector<16xf32>
      %parallel_loop3A_307 = arith.mulf %parallel_loop3A_293, %parallel_loop3A_299 : vector<16xf32>
      %parallel_loop3A_308 = arith.subf %parallel_loop3A_306, %parallel_loop3A_307 : vector<16xf32>
      %parallel_loop3A_309 = arith.mulf %parallel_loop3A_308, %parallel_loop3A_302 : vector<16xf32>
      %parallel_loop3A_310 = arith.addf %parallel_loop3A_287, %parallel_loop3A_309 : vector<16xf32>
      %parallel_loop3A_311 = arith.mulf %parallel_loop3A_290, %parallel_loop3A_299 : vector<16xf32>
      %parallel_loop3A_312 = arith.mulf %parallel_loop3A_293, %parallel_loop3A_296 : vector<16xf32>
      %parallel_loop3A_313 = arith.addf %parallel_loop3A_311, %parallel_loop3A_312 : vector<16xf32>
      %parallel_loop3A_314 = arith.mulf %parallel_loop3A_313, %parallel_loop3A_305 : vector<16xf32>
      %parallel_loop3A_315 = arith.addf %parallel_loop3A_310, %parallel_loop3A_314 : vector<16xf32>
      %parallel_loop3A_316 = arith.constant true
      %parallel_loop3A_317 = vector.broadcast %parallel_loop3A_316 : i1 to vector<16xi1>
      %parallel_loop3A_318 = tpu.scan <sum>, %parallel_loop3A_315 masked %parallel_loop3A_317 : vector<16xf32>, vector<16xi1> -> vector<16xf32>
      %parallel_loop3A_319 = arith.constant 256 : i32
      %parallel_loop3A_320 = arith.addi %parallel_loop3A_319, %parallel_loop3A_201 : i32
      %parallel_loop3A_321 = vector.broadcast %parallel_loop3A_320 : i32 to vector<16xi32>
      tpu.vector_store_idx %arg17[%parallel_loop3A_321], %parallel_loop3A_318 masked %eq3A_4 : memref<512xf32, #tpu.memory_space<vmem>>[vector<16xi32>], vector<16xf32>, vector<16xi1>
    } {sc.loop_unroll_factor = 4 : i64, sc.parallel_access}
    %dma_wait3A_177 = arith.constant 3 : i32
    %dma_wait3A_178 = arith.constant 0 : i32
    %dma_wait3A_179 = tpu.memref_slice %arg8[%dma_wait3A_177, %dma_wait3A_178] : memref<4x128xi32, #tpu.memory_space<vmem>> -> memref<1x128xi32, #tpu.memory_space<vmem>>
    %dma_wait3A_180 = tpu.memref_squeeze %dma_wait3A_179 : memref<1x128xi32, #tpu.memory_space<vmem>> -> memref<128xi32, #tpu.memory_space<vmem>>
    %dma_wait3A_181 = arith.constant 0 : i32
    %dma_wait3A_182 = arith.constant 0 : i32
    %dma_wait3A_183 = tpu.memref_slice %arg5[%dma_wait3A_181, %dma_wait3A_182] : memref<1000000x128xf32, #tpu.memory_space<hbm>> -> memref<1000000x128xf32, #tpu.memory_space<hbm>>
    tpu.wait_indirect_dma semaphore(%arg19 : memref<!tpu.dma_semaphore, #tpu.memory_space<semaphore_mem>>) src(%dma_wait3A_183 : memref<1000000x128xf32, #tpu.memory_space<hbm>>) dst(%arg12 : memref<128x128xf32, #tpu.memory_space<vmem>>)
    %dma_wait3A_184 = arith.constant 3 : i32
    %dma_wait3A_185 = arith.constant 0 : i32
    %dma_wait3A_186 = tpu.memref_slice %arg9[%dma_wait3A_184, %dma_wait3A_185] : memref<4x128xi32, #tpu.memory_space<vmem>> -> memref<1x128xi32, #tpu.memory_space<vmem>>
    %dma_wait3A_187 = tpu.memref_squeeze %dma_wait3A_186 : memref<1x128xi32, #tpu.memory_space<vmem>> -> memref<128xi32, #tpu.memory_space<vmem>>
    %dma_wait3A_188 = arith.constant 0 : i32
    %dma_wait3A_189 = arith.constant 0 : i32
    %dma_wait3A_190 = tpu.memref_slice %arg6[%dma_wait3A_188, %dma_wait3A_189] : memref<1000x128xf32, #tpu.memory_space<hbm>> -> memref<1000x128xf32, #tpu.memory_space<hbm>>
    tpu.wait_indirect_dma semaphore(%arg19 : memref<!tpu.dma_semaphore, #tpu.memory_space<semaphore_mem>>) src(%dma_wait3A_190 : memref<1000x128xf32, #tpu.memory_space<hbm>>) dst(%arg14 : memref<128x128xf32, #tpu.memory_space<vmem>>)
    %dma_wait3A_191 = arith.constant 3 : i32
    %dma_wait3A_192 = arith.constant 0 : i32
    %dma_wait3A_193 = tpu.memref_slice %arg10[%dma_wait3A_191, %dma_wait3A_192] : memref<4x128xi32, #tpu.memory_space<vmem>> -> memref<1x128xi32, #tpu.memory_space<vmem>>
    %dma_wait3A_194 = tpu.memref_squeeze %dma_wait3A_193 : memref<1x128xi32, #tpu.memory_space<vmem>> -> memref<128xi32, #tpu.memory_space<vmem>>
    %dma_wait3A_195 = arith.constant 0 : i32
    %dma_wait3A_196 = arith.constant 0 : i32
    %dma_wait3A_197 = tpu.memref_slice %arg5[%dma_wait3A_195, %dma_wait3A_196] : memref<1000000x128xf32, #tpu.memory_space<hbm>> -> memref<1000000x128xf32, #tpu.memory_space<hbm>>
    tpu.wait_indirect_dma semaphore(%arg19 : memref<!tpu.dma_semaphore, #tpu.memory_space<semaphore_mem>>) src(%dma_wait3A_197 : memref<1000000x128xf32, #tpu.memory_space<hbm>>) dst(%arg16 : memref<128x128xf32, #tpu.memory_space<vmem>>)
    %parallel_loop3A_198 = arith.constant 0 : i32
    %parallel_loop3A_199 = arith.constant 128 : i32
    %parallel_loop3A_200 = arith.constant 1 : i32
    scf.for %parallel_loop3A_201 = %parallel_loop3A_198 to %parallel_loop3A_199 step %parallel_loop3A_200  : i32 {
      %parallel_loop3A_202 = arith.constant 0.000000e+00 : f32
      %parallel_loop3A_203 = vector.broadcast %parallel_loop3A_202 : f32 to vector<16xf32>
      %parallel_loop3A_204 = arith.index_cast %parallel_loop3A_201 : i32 to index
      %parallel_loop3A_205 = arith.constant 0 : index
      %parallel_loop3A_206 = tpu.vector_load %arg12[%parallel_loop3A_204, %parallel_loop3A_205] {strides = array<i32>} : memref<128x128xf32, #tpu.memory_space<vmem>>, vector<16xf32>,
      %parallel_loop3A_207 = arith.index_cast %parallel_loop3A_201 : i32 to index
      %parallel_loop3A_208 = arith.constant 64 : index
      %parallel_loop3A_209 = tpu.vector_load %arg12[%parallel_loop3A_207, %parallel_loop3A_208] {strides = array<i32>} : memref<128x128xf32, #tpu.memory_space<vmem>>, vector<16xf32>,
      %parallel_loop3A_210 = arith.index_cast %parallel_loop3A_201 : i32 to index
      %parallel_loop3A_211 = arith.constant 0 : index
      %parallel_loop3A_212 = tpu.vector_load %arg14[%parallel_loop3A_210, %parallel_loop3A_211] {strides = array<i32>} : memref<128x128xf32, #tpu.memory_space<vmem>>, vector<16xf32>,
      %parallel_loop3A_213 = arith.index_cast %parallel_loop3A_201 : i32 to index
      %parallel_loop3A_214 = arith.constant 64 : index
      %parallel_loop3A_215 = tpu.vector_load %arg14[%parallel_loop3A_213, %parallel_loop3A_214] {strides = array<i32>} : memref<128x128xf32, #tpu.memory_space<vmem>>, vector<16xf32>,
      %parallel_loop3A_216 = arith.index_cast %parallel_loop3A_201 : i32 to index
      %parallel_loop3A_217 = arith.constant 0 : index
      %parallel_loop3A_218 = tpu.vector_load %arg16[%parallel_loop3A_216, %parallel_loop3A_217] {strides = array<i32>} : memref<128x128xf32, #tpu.memory_space<vmem>>, vector<16xf32>,
      %parallel_loop3A_219 = arith.index_cast %parallel_loop3A_201 : i32 to index
      %parallel_loop3A_220 = arith.constant 64 : index
      %parallel_loop3A_221 = tpu.vector_load %arg16[%parallel_loop3A_219, %parallel_loop3A_220] {strides = array<i32>} : memref<128x128xf32, #tpu.memory_space<vmem>>, vector<16xf32>,
      %parallel_loop3A_222 = arith.mulf %parallel_loop3A_206, %parallel_loop3A_212 : vector<16xf32>
      %parallel_loop3A_223 = arith.mulf %parallel_loop3A_209, %parallel_loop3A_215 : vector<16xf32>
      %parallel_loop3A_224 = arith.subf %parallel_loop3A_222, %parallel_loop3A_223 : vector<16xf32>
      %parallel_loop3A_225 = arith.mulf %parallel_loop3A_224, %parallel_loop3A_218 : vector<16xf32>
      %parallel_loop3A_226 = arith.addf %parallel_loop3A_203, %parallel_loop3A_225 : vector<16xf32>
      %parallel_loop3A_227 = arith.mulf %parallel_loop3A_206, %parallel_loop3A_215 : vector<16xf32>
      %parallel_loop3A_228 = arith.mulf %parallel_loop3A_209, %parallel_loop3A_212 : vector<16xf32>
      %parallel_loop3A_229 = arith.addf %parallel_loop3A_227, %parallel_loop3A_228 : vector<16xf32>
      %parallel_loop3A_230 = arith.mulf %parallel_loop3A_229, %parallel_loop3A_221 : vector<16xf32>
      %parallel_loop3A_231 = arith.addf %parallel_loop3A_226, %parallel_loop3A_230 : vector<16xf32>
      %parallel_loop3A_232 = arith.index_cast %parallel_loop3A_201 : i32 to index
      %parallel_loop3A_233 = arith.constant 16 : index
      %parallel_loop3A_234 = tpu.vector_load %arg12[%parallel_loop3A_232, %parallel_loop3A_233] {strides = array<i32>} : memref<128x128xf32, #tpu.memory_space<vmem>>, vector<16xf32>,
      %parallel_loop3A_235 = arith.index_cast %parallel_loop3A_201 : i32 to index
      %parallel_loop3A_236 = arith.constant 80 : index
      %parallel_loop3A_237 = tpu.vector_load %arg12[%parallel_loop3A_235, %parallel_loop3A_236] {strides = array<i32>} : memref<128x128xf32, #tpu.memory_space<vmem>>, vector<16xf32>,
      %parallel_loop3A_238 = arith.index_cast %parallel_loop3A_201 : i32 to index
      %parallel_loop3A_239 = arith.constant 16 : index
      %parallel_loop3A_240 = tpu.vector_load %arg14[%parallel_loop3A_238, %parallel_loop3A_239] {strides = array<i32>} : memref<128x128xf32, #tpu.memory_space<vmem>>, vector<16xf32>,
      %parallel_loop3A_241 = arith.index_cast %parallel_loop3A_201 : i32 to index
      %parallel_loop3A_242 = arith.constant 80 : index
      %parallel_loop3A_243 = tpu.vector_load %arg14[%parallel_loop3A_241, %parallel_loop3A_242] {strides = array<i32>} : memref<128x128xf32, #tpu.memory_space<vmem>>, vector<16xf32>,
      %parallel_loop3A_244 = arith.index_cast %parallel_loop3A_201 : i32 to index
      %parallel_loop3A_245 = arith.constant 16 : index
      %parallel_loop3A_246 = tpu.vector_load %arg16[%parallel_loop3A_244, %parallel_loop3A_245] {strides = array<i32>} : memref<128x128xf32, #tpu.memory_space<vmem>>, vector<16xf32>,
      %parallel_loop3A_247 = arith.index_cast %parallel_loop3A_201 : i32 to index
      %parallel_loop3A_248 = arith.constant 80 : index
      %parallel_loop3A_249 = tpu.vector_load %arg16[%parallel_loop3A_247, %parallel_loop3A_248] {strides = array<i32>} : memref<128x128xf32, #tpu.memory_space<vmem>>, vector<16xf32>,
      %parallel_loop3A_250 = arith.mulf %parallel_loop3A_234, %parallel_loop3A_240 : vector<16xf32>
      %parallel_loop3A_251 = arith.mulf %parallel_loop3A_237, %parallel_loop3A_243 : vector<16xf32>
      %parallel_loop3A_252 = arith.subf %parallel_loop3A_250, %parallel_loop3A_251 : vector<16xf32>
      %parallel_loop3A_253 = arith.mulf %parallel_loop3A_252, %parallel_loop3A_246 : vector<16xf32>
      %parallel_loop3A_254 = arith.addf %parallel_loop3A_231, %parallel_loop3A_253 : vector<16xf32>
      %parallel_loop3A_255 = arith.mulf %parallel_loop3A_234, %parallel_loop3A_243 : vector<16xf32>
      %parallel_loop3A_256 = arith.mulf %parallel_loop3A_237, %parallel_loop3A_240 : vector<16xf32>
      %parallel_loop3A_257 = arith.addf %parallel_loop3A_255, %parallel_loop3A_256 : vector<16xf32>
      %parallel_loop3A_258 = arith.mulf %parallel_loop3A_257, %parallel_loop3A_249 : vector<16xf32>
      %parallel_loop3A_259 = arith.addf %parallel_loop3A_254, %parallel_loop3A_258 : vector<16xf32>
      %parallel_loop3A_260 = arith.index_cast %parallel_loop3A_201 : i32 to index
      %parallel_loop3A_261 = arith.constant 32 : index
      %parallel_loop3A_262 = tpu.vector_load %arg12[%parallel_loop3A_260, %parallel_loop3A_261] {strides = array<i32>} : memref<128x128xf32, #tpu.memory_space<vmem>>, vector<16xf32>,
      %parallel_loop3A_263 = arith.index_cast %parallel_loop3A_201 : i32 to index
      %parallel_loop3A_264 = arith.constant 96 : index
      %parallel_loop3A_265 = tpu.vector_load %arg12[%parallel_loop3A_263, %parallel_loop3A_264] {strides = array<i32>} : memref<128x128xf32, #tpu.memory_space<vmem>>, vector<16xf32>,
      %parallel_loop3A_266 = arith.index_cast %parallel_loop3A_201 : i32 to index
      %parallel_loop3A_267 = arith.constant 32 : index
      %parallel_loop3A_268 = tpu.vector_load %arg14[%parallel_loop3A_266, %parallel_loop3A_267] {strides = array<i32>} : memref<128x128xf32, #tpu.memory_space<vmem>>, vector<16xf32>,
      %parallel_loop3A_269 = arith.index_cast %parallel_loop3A_201 : i32 to index
      %parallel_loop3A_270 = arith.constant 96 : index
      %parallel_loop3A_271 = tpu.vector_load %arg14[%parallel_loop3A_269, %parallel_loop3A_270] {strides = array<i32>} : memref<128x128xf32, #tpu.memory_space<vmem>>, vector<16xf32>,
      %parallel_loop3A_272 = arith.index_cast %parallel_loop3A_201 : i32 to index
      %parallel_loop3A_273 = arith.constant 32 : index
      %parallel_loop3A_274 = tpu.vector_load %arg16[%parallel_loop3A_272, %parallel_loop3A_273] {strides = array<i32>} : memref<128x128xf32, #tpu.memory_space<vmem>>, vector<16xf32>,
      %parallel_loop3A_275 = arith.index_cast %parallel_loop3A_201 : i32 to index
      %parallel_loop3A_276 = arith.constant 96 : index
      %parallel_loop3A_277 = tpu.vector_load %arg16[%parallel_loop3A_275, %parallel_loop3A_276] {strides = array<i32>} : memref<128x128xf32, #tpu.memory_space<vmem>>, vector<16xf32>,
      %parallel_loop3A_278 = arith.mulf %parallel_loop3A_262, %parallel_loop3A_268 : vector<16xf32>
      %parallel_loop3A_279 = arith.mulf %parallel_loop3A_265, %parallel_loop3A_271 : vector<16xf32>
      %parallel_loop3A_280 = arith.subf %parallel_loop3A_278, %parallel_loop3A_279 : vector<16xf32>
      %parallel_loop3A_281 = arith.mulf %parallel_loop3A_280, %parallel_loop3A_274 : vector<16xf32>
      %parallel_loop3A_282 = arith.addf %parallel_loop3A_259, %parallel_loop3A_281 : vector<16xf32>
      %parallel_loop3A_283 = arith.mulf %parallel_loop3A_262, %parallel_loop3A_271 : vector<16xf32>
      %parallel_loop3A_284 = arith.mulf %parallel_loop3A_265, %parallel_loop3A_268 : vector<16xf32>
      %parallel_loop3A_285 = arith.addf %parallel_loop3A_283, %parallel_loop3A_284 : vector<16xf32>
      %parallel_loop3A_286 = arith.mulf %parallel_loop3A_285, %parallel_loop3A_277 : vector<16xf32>
      %parallel_loop3A_287 = arith.addf %parallel_loop3A_282, %parallel_loop3A_286 : vector<16xf32>
      %parallel_loop3A_288 = arith.index_cast %parallel_loop3A_201 : i32 to index
      %parallel_loop3A_289 = arith.constant 48 : index
      %parallel_loop3A_290 = tpu.vector_load %arg12[%parallel_loop3A_288, %parallel_loop3A_289] {strides = array<i32>} : memref<128x128xf32, #tpu.memory_space<vmem>>, vector<16xf32>,
      %parallel_loop3A_291 = arith.index_cast %parallel_loop3A_201 : i32 to index
      %parallel_loop3A_292 = arith.constant 112 : index
      %parallel_loop3A_293 = tpu.vector_load %arg12[%parallel_loop3A_291, %parallel_loop3A_292] {strides = array<i32>} : memref<128x128xf32, #tpu.memory_space<vmem>>, vector<16xf32>,
      %parallel_loop3A_294 = arith.index_cast %parallel_loop3A_201 : i32 to index
      %parallel_loop3A_295 = arith.constant 48 : index
      %parallel_loop3A_296 = tpu.vector_load %arg14[%parallel_loop3A_294, %parallel_loop3A_295] {strides = array<i32>} : memref<128x128xf32, #tpu.memory_space<vmem>>, vector<16xf32>,
      %parallel_loop3A_297 = arith.index_cast %parallel_loop3A_201 : i32 to index
      %parallel_loop3A_298 = arith.constant 112 : index
      %parallel_loop3A_299 = tpu.vector_load %arg14[%parallel_loop3A_297, %parallel_loop3A_298] {strides = array<i32>} : memref<128x128xf32, #tpu.memory_space<vmem>>, vector<16xf32>,
      %parallel_loop3A_300 = arith.index_cast %parallel_loop3A_201 : i32 to index
      %parallel_loop3A_301 = arith.constant 48 : index
      %parallel_loop3A_302 = tpu.vector_load %arg16[%parallel_loop3A_300, %parallel_loop3A_301] {strides = array<i32>} : memref<128x128xf32, #tpu.memory_space<vmem>>, vector<16xf32>,
      %parallel_loop3A_303 = arith.index_cast %parallel_loop3A_201 : i32 to index
      %parallel_loop3A_304 = arith.constant 112 : index
      %parallel_loop3A_305 = tpu.vector_load %arg16[%parallel_loop3A_303, %parallel_loop3A_304] {strides = array<i32>} : memref<128x128xf32, #tpu.memory_space<vmem>>, vector<16xf32>,
      %parallel_loop3A_306 = arith.mulf %parallel_loop3A_290, %parallel_loop3A_296 : vector<16xf32>
      %parallel_loop3A_307 = arith.mulf %parallel_loop3A_293, %parallel_loop3A_299 : vector<16xf32>
      %parallel_loop3A_308 = arith.subf %parallel_loop3A_306, %parallel_loop3A_307 : vector<16xf32>
      %parallel_loop3A_309 = arith.mulf %parallel_loop3A_308, %parallel_loop3A_302 : vector<16xf32>
      %parallel_loop3A_310 = arith.addf %parallel_loop3A_287, %parallel_loop3A_309 : vector<16xf32>
      %parallel_loop3A_311 = arith.mulf %parallel_loop3A_290, %parallel_loop3A_299 : vector<16xf32>
      %parallel_loop3A_312 = arith.mulf %parallel_loop3A_293, %parallel_loop3A_296 : vector<16xf32>
      %parallel_loop3A_313 = arith.addf %parallel_loop3A_311, %parallel_loop3A_312 : vector<16xf32>
      %parallel_loop3A_314 = arith.mulf %parallel_loop3A_313, %parallel_loop3A_305 : vector<16xf32>
      %parallel_loop3A_315 = arith.addf %parallel_loop3A_310, %parallel_loop3A_314 : vector<16xf32>
      %parallel_loop3A_316 = arith.constant true
      %parallel_loop3A_317 = vector.broadcast %parallel_loop3A_316 : i1 to vector<16xi1>
      %parallel_loop3A_318 = tpu.scan <sum>, %parallel_loop3A_315 masked %parallel_loop3A_317 : vector<16xf32>, vector<16xi1> -> vector<16xf32>
      %parallel_loop3A_319 = arith.constant 384 : i32
      %parallel_loop3A_320 = arith.addi %parallel_loop3A_319, %parallel_loop3A_201 : i32
      %parallel_loop3A_321 = vector.broadcast %parallel_loop3A_320 : i32 to vector<16xi32>
      tpu.vector_store_idx %arg17[%parallel_loop3A_321], %parallel_loop3A_318 masked %eq3A_4 : memref<512xf32, #tpu.memory_space<vmem>>[vector<16xi32>], vector<16xf32>, vector<16xi1>
    } {sc.loop_unroll_factor = 4 : i64, sc.parallel_access}
    "tpu.region"() ({
      %run_scoped3A_201 = tpu.sem_alloc : memref<!tpu.dma_semaphore, #tpu.memory_space<semaphore_mem>>
      %dma_start3A_202 = tpu.memref_slice %arg7[%mul3A_2] : memref<16384xf32, #tpu.memory_space<hbm>> -> memref<512xf32, #tpu.memory_space<hbm>>
      %dma_start3A_203 = tpu.memref_slice %arg7[%mul3A_2] : memref<16384xf32, #tpu.memory_space<hbm>> -> memref<512xf32, #tpu.memory_space<hbm>>
      tpu.enqueue_dma source(%arg17 : memref<512xf32, #tpu.memory_space<vmem>>) target(%dma_start3A_203 : memref<512xf32, #tpu.memory_space<hbm>>) target_semaphore(%run_scoped3A_201 : memref<!tpu.dma_semaphore, #tpu.memory_space<semaphore_mem>>)
      %dma_wait3A_204 = tpu.memref_slice %arg7[%mul3A_2] : memref<16384xf32, #tpu.memory_space<hbm>> -> memref<512xf32, #tpu.memory_space<hbm>>
      %dma_wait3A_205 = tpu.memref_slice %arg7[%mul3A_2] : memref<16384xf32, #tpu.memory_space<hbm>> -> memref<512xf32, #tpu.memory_space<hbm>>
      tpu.wait_dma2 semaphore(%run_scoped3A_201 : memref<!tpu.dma_semaphore, #tpu.memory_space<semaphore_mem>>) src(%arg17 : memref<512xf32, #tpu.memory_space<vmem>>) dst(%dma_wait3A_205 : memref<512xf32, #tpu.memory_space<hbm>>)
      tpu.yield
    }) : () -> ()
    return
  }
}

</mosaic_0001>

<sc_bundles>
// kernel: kernel.3.cloned.1.call-start
scs
__scs_entry_jumppad:
0x0: {  	(pc) =	sbr.rel $0x88, $3  }
0x1: {  	(tag) =	ssettag $0x0;
	lr =	simm.s32 $0x1  }
0x2: {  	[smem:$0x3F9E] =	sst lr;
	_ =	strace $0xD0000000  }
0x3: {  	_ = 	snop  }
0x4: {  	_ = 	snop  }
0x5: {  	_ = 	snop  }
0x6: {  	_ = 	snop  }
0x7: {  	_ = 	snop  }
__scs_overlays_trampoline_lowered:
0x8: {  	[smem:$0x3FAD] =	sst s0  }
0x9: {  	[smem:$0x3FAE] =	sst s1  }
0xa: {  	[smem:$0x3FAF] =	sst s2  }
0xb: {  	[smem:$0x3FB0] =	sst s3  }
0xc: {  	[smem:$0x3FB1] =	sst s4  }
0xd: {  	[smem:$0x3FB2] =	sst s5  }
0xe: {  	[smem:$0x3FB3] =	sst s6  }
0xf: {  	[smem:$0x3FB4] =	sst s7  }
0x10: {  	[smem:$0x3FB5] =	sst s8  }
0x11: {  	[smem:$0x3FB6] =	sst s9;
	s0 =	simm.s32 @!p0 $0x0  }
0x12: {  	s1 =	sld [smem:$0x3F9C];
	s0 =	simm.s32 @p0 $0x1  }
0x13: {  	[smem:$0x3FB7] =	sst s0;
	s0 =	simm.s32 @!p1 $0x0  }
0x14: {  	s2 =	sld [smem:$0x3F9B];
	s0 =	simm.s32 @p1 $0x1  }
0x15: {  	[smem:$0x3FB8] =	sst s0;
	s0 =	simm.s32 @!p2 $0x0  }
0x16: {  	s3 =	sld [smem:$0x3FDB];
	s0 =	simm.s32 @p2 $0x1  }
0x17: {  	s4 =	simm.s32 $0x1BF5;
	[smem:$0x3FBA] =	sst s0  }
0x18: {  	s0 =	sld [smem:$0x3F9D];
	_ =	swait.ge [sflag:s4], $0x0  }
0x19: {  	s7 =	sld [smem:$0x3F9E]  }
0x1a: {  	s8 =	sadd.s32 $0xFFFFE003, lr  }
0x1b: {  	s9 =	sadd.s32 $0xFFFFFEF7, lr;
	s5 =	simm.s32 $0xFFFFFFFF;
	p2 =	slt.u32 s8, $0xFFFFF086  }
0x1c: {  	p1 =	slt.u32 s9, $0xF7A;
	s5 =	simm.s32 @!p2 $0x0  }
0x1d: {  	s5 =	simm.s32 @p1 $0x1;
	p0 =	seq.s32 s7, s2  }
0x1e: {  	s7 =	smul.u32 @!p0 $0xF7A, s2;
	p2 =	seq.s32 @!p0 s5, $0x0  }
0x1f: {  	s9 =	smul.u32 $0xF7A, s1;
	s8 =	simm.s32 @!p0 $0x1BF5;
	p2 =	por !p2, p0  }
0x20: {  	[sflag:s8] =	ssyncset.s32 @!p0 $0xFFFFF086;
	s6 =	sadd.s32 @!p0 s3, s7;
	s7 =	simm.s32 @!p0 $0x108  }
0x21: {  	s3 =	sadd.s32 s3, s9;
	s6 =	sadd.s32 @!p0 $0x88, s6;
	s7 =	simm.s32 @p2 $0x1082  }
0x22: {  	[simem:s7], [sflag:s8] =	dma.local @!p0 [hbm:s6], $0xF7A  }
0x23: {  	s9 =	sor.u32 $0xD0000000, s2;
	s6 =	simm.s32 $0x108;
	_ =	swait.ge @!p0 [sflag:s8], $0x0  }
0x24: {  	s3 =	sadd.s32 $0x88, s3;
	s6 =	simm.s32 @!p1 $0x1082;
	[sflag:s4] =	ssyncset.s32 $0xFFFFF086  }
0x25: {  	[simem:s6], [sflag:s4] =	dma.local [hbm:s3], $0xF7A  }
0x26: {  	[smem:$0x3F9E] =	sst s1;
	(tag) =	ssettag s2;
	_ =	strace s9  }
0x27: {  	s1 =	sld [smem:$0x3FAE]  }
0x28: {  	s2 =	sld [smem:$0x3FAF]  }
0x29: {  	s4 =	sld [smem:$0x3FB1]  }
0x2a: {  	p0 =	seq.s32 s5, $0x0;
	s5 =	sld [smem:$0x3FB2]  }
0x2b: {  	s6 =	sld [smem:$0x3FB3]  }
0x2c: {  	s7 =	sld [smem:$0x3FB4]  }
0x2d: {  	s3 =	simm.s32 $0x108;
	s8 =	sld [smem:$0x3FB5]  }
0x2e: {  	s3 =	simm.s32 @!p0 $0x1082;
	s9 =	sld [smem:$0x3FB6]  }
0x2f: {  	lr =	sadd.s32 s0, s3;
	s0 =	sld [smem:$0x3FAD]  }
0x30: {  	s3 =	sld [smem:$0x3FB0]  }
0x31: {  	[smem:$0x3FB9] =	sst s10  }
0x32: {  	s10 =	sld [smem:$0x3FB7];
	_ =	sdelay $0x3  }
0x33: {  	p0 =	seq.s32 s10, $0x1;
	s10 =	sld [smem:$0x3FB9];
	_ =	sdelay $0x3  }
0x34: {  	[smem:$0x3FB9] =	sst s10  }
0x35: {  	s10 =	sld [smem:$0x3FB8];
	_ =	sdelay $0x3  }
0x36: {  	p1 =	seq.s32 s10, $0x1;
	s10 =	sld [smem:$0x3FB9];
	_ =	sdelay $0x3  }
0x37: {  	[smem:$0x3FB9] =	sst s10  }
0x38: {  	s10 =	sld [smem:$0x3FBA]  }
0x39: {  	_ = 	snop;
	(pc) =	sbr.ind lr, $3  }
0x3a: {  	_ = 	snop  }
0x3b: {  	_ = 	snop  }
0x3c: {  	p2 =	seq.s32 s10, $0x1;
	s10 =	sld [smem:$0x3FB9]  }
0x3d: {  	_ =	shalt  }
0x3e: {  	_ =	shalt  }
0x3f: {  	_ =	shalt  }
0x40: {  	_ =	shalt  }
0x41: {  	_ =	shalt  }
0x42: {  	_ =	shalt  }
0x43: {  	_ =	shalt  }
0x44: {  	_ =	shalt  }
0x45: {  	_ =	shalt  }
0x46: {  	_ =	shalt  }
0x47: {  	_ =	shalt  }
0x48: {  	_ =	shalt  }
0x49: {  	_ =	shalt  }
0x4a: {  	_ =	shalt  }
0x4b: {  	_ =	shalt  }
0x4c: {  	_ =	shalt  }
0x4d: {  	_ =	shalt  }
0x4e: {  	_ =	shalt  }
0x4f: {  	_ =	shalt  }
0x50: {  	_ =	shalt  }
0x51: {  	_ =	shalt  }
0x52: {  	_ =	shalt  }
0x53: {  	_ =	shalt  }
0x54: {  	_ =	shalt  }
0x55: {  	_ =	shalt  }
0x56: {  	_ =	shalt  }
0x57: {  	_ =	shalt  }
0x58: {  	_ =	shalt  }
0x59: {  	_ =	shalt  }
0x5a: {  	_ =	shalt  }
0x5b: {  	_ =	shalt  }
0x5c: {  	_ =	shalt  }
0x5d: {  	_ =	shalt  }
0x5e: {  	_ =	shalt  }
0x5f: {  	_ =	shalt  }
0x60: {  	_ =	shalt  }
0x61: {  	_ =	shalt  }
0x62: {  	_ =	shalt  }
0x63: {  	_ =	shalt  }
0x64: {  	_ =	shalt  }
0x65: {  	_ =	shalt  }
0x66: {  	_ =	shalt  }
0x67: {  	_ =	shalt  }
0x68: {  	_ =	shalt  }
0x69: {  	_ =	shalt  }
0x6a: {  	_ =	shalt  }
0x6b: {  	_ =	shalt  }
0x6c: {  	_ =	shalt  }
0x6d: {  	_ =	shalt  }
0x6e: {  	_ =	shalt  }
0x6f: {  	_ =	shalt  }
0x70: {  	_ =	shalt  }
0x71: {  	_ =	shalt  }
0x72: {  	_ =	shalt  }
0x73: {  	_ =	shalt  }
0x74: {  	_ =	shalt  }
0x75: {  	_ =	shalt  }
0x76: {  	_ =	shalt  }
0x77: {  	_ =	shalt  }
0x78: {  	_ =	shalt  }
0x79: {  	_ =	shalt  }
0x7a: {  	_ =	shalt  }
0x7b: {  	_ =	shalt  }
0x7c: {  	_ =	shalt  }
0x7d: {  	_ =	shalt  }
0x7e: {  	_ =	shalt  }
0x7f: {  	_ =	shalt  }
0x80: {  	_ =	shalt  }
0x81: {  	_ =	shalt  }
0x82: {  	_ =	shalt  }
0x83: {  	_ =	shalt  }
0x84: {  	_ =	shalt  }
0x85: {  	_ =	shalt  }
0x86: {  	_ =	shalt  }
0x87: {  	_ =	shalt  }
.Lfunc_end0:
.L_simem_size_0:
called_computation_lowered:
.L_overlay_start_0:
0x88: {  	s2 =	sld [smem:$0x3FD9]  }
0x89: {  	s3 =	sld [smem:$0x3FFE];
	_ =	sdelay $0x1  }
0x8a: {  	s1 =	srdreg.scid  }
0x8b: {  	s0 =	sand.u32 $0x1, s1  }
0x8c: {  	s14 =	sshll.u32 s0, $0xA;
	s2 =	sadd.s32 s3, s2  }
0x8d: {  	s2 =	sadd.s32 s2, s14  }
0x8e: {  	[smem:$0x3FC5] =	sst s2  }
0x8f: {  	_ = 	snop  }
0x90: {  	s2 =	sld [smem:$0x3FD0];
	_ =	sdelay $0x1  }
0x91: {  	s15 =	sld [smem:$0x3FC8]  }
0x92: {  	s5 =	simm.s32 $0xA;
	s6 =	simm.s32 $0x10;
	s4 =	sld [smem:$0x3FC7]  }
0x93: {  	[smem:s6], [sflag:s5] =	dma.local [hbm:s2], $0x1  }
0x94: {  	_ =	swait.eq [sflag:s5], $0x1  }
0x95: {  	[sflag:s5] =	ssyncset.done $0x0  }
0x96: {  	[sflag:s5] =	ssyncadd.s32 $0xFFFFFFFF  }
0x97: {  	s16 =	sld [smem:$0x10];
	(tm) =	ssettm $0x1  }
0x98: {  	s17 =	sld [smem:$0x3FFB];
	_ =	sdelay $0x3  }
0x99: {  	_ =	strace s17  }
0x9a: {  	s5 =	sld [smem:$0x3FFC];
	_ =	sdelay $0x3  }
0x9b: {  	_ =	strace s5  }
0x9c: {  	s5 =	sld [smem:$0x3FFD];
	_ =	sdelay $0x3  }
0x9d: {  	_ =	strace s5  }
0x9e: {  	_ =	strace $0x8FFFFFFF  }
0x9f: {  	s18 =	sld [smem:$0x3FDB];
	_ =	sdelay $0x1  }
0xa0: {  	s19 =	simm.s32 $_scs_section_size  }
0xa1: {  	s7 =	simm.s32 $_size__tile_overlayer_lowered;
	s8 =	simm.s32 $_tile_overlayer_lowered  }
0xa2: {  	s22 =	simm.s32 $0x1BFF;
	s21 =	sshll.u32 s8, $0x1;
	s5 =	sadd.s32 s19, s18  }
0xa3: {  	s9 =	simm.s32 $0x0;
	s20 =	sshll.u32 s7, $0x1;
	s7 =	sadd.s32 s21, s5  }
0xa4: {  	[timem:s9], [sflag:s22] =	dma.local [hbm:s7], s20  }
0xa5: {  	_ =	swait.ge [sflag:s22], s20  }
0xa6: {  	s6 =	ssub.s32 $0x0, s20;
	[sflag:s22] =	ssyncset.done $0x0  }
0xa7: {  	[sflag:s22] =	ssyncadd.s32 s6;
	_ =	sdelay $0x1  }
0xa8: {  	s23 =	simm.s32 $0x1B8B  }
0xa9: {  	_ =	swait.ge [sflag:s23], $0x1  }
0xaa: {  	[sflag:s23] =	ssyncset.done $0x0  }
0xab: {  	s25 =	simm.s32 $0x1B8E;
	s24 =	sld [smem:$0x3FFE];
	[sflag:s23] =	ssyncadd.s32 $0xFFFFFFFF  }
0xac: {  	s26 =	simm.s32 $execute0_lowered;
	[smem:$0x3FD2] =	sst s25  }
0xad: {  	s7 =	sshll.u32 s26, $0x1;
	_ =	strace $0x80000046;
	[dreg:$0x1] =	wrdreg $0xFFFFFFFF  }
0xae: {  	s28 =	simm.s32 $_size_execute0_lowered;
	s5 =	sadd.s32 s5, s7;
	[dreg:$0x0] =	wrdreg $0x0  }
0xaf: {  	s7 =	sshll.u32 s28, $0x1;
	[dreg:$0x2] =	wrdreg s5  }
0xb0: {  	[dreg:$0x3] =	wrdreg s7  }
0xb1: {  	[dreg:$0x4] =	wrdreg $0xC0  }
0xb2: {  	_ =	task [dreg:s9], $0x5FFFF  }
0xb3: {  	[dreg:$0x1] =	wrdreg $0xFFFFFFFF  }
0xb4: {  	[dreg:$0x0] =	wrdreg $0x60  }
0xb5: {  	[dreg:$0x2] =	wrdreg s24  }
0xb6: {  	[dreg:$0x3] =	wrdreg s15  }
0xb7: {  	[dreg:$0x4] =	wrdreg s4  }
0xb8: {  	[dreg:$0x5] =	wrdreg s16  }
0xb9: {  	[dreg:$0x6] =	wrdreg $0x9  }
0xba: {  	_ =	task.clear_ibuf [dreg:s9], $0x7FFFF;
	_ =	strace $0x90000046  }
0xbb: {  	s29 =	simm.s32 $0x9;
	_ =	strace $0x80000048  }
0xbc: {  	_ =	swait.ge [sflag:s29], $0x1  }
0xbd: {  	[sflag:s29] =	ssyncadd.s32 $0xFFFFFFFF  }
0xbe: {  	_ =	strace $0x90000048  }
0xbf: {  	_ =	sfence  }
0xc0: {  	s30 =	sld [smem:$0x0];
	_ =	sdelay $0x2  }
0xc1: {  	s31 =	sshll.u32 s1, $0xD;
	s1 =	sshrl.u32 s1, $0x2  }
0xc2: {  	s3 =	sand.u32 $0x4000, s31;
	s1 =	sadd.s32 s1, s30  }
0xc3: {  	s0 =	sor.u32 s3, s0;
	s1 =	sshll.u32 s1, $0x11  }
0xc4: {  	s0 =	sor.u32 s1, s0  }
0xc5: {  	s0 =	sadd.s32 $0x8F2B, s0  }
0xc6: {  	[sflag:s0] =	ssyncadd.remote.s32 $0x1  }
0xc7: {  	_ =	sfence.sel $0xFFFF  }
0xc8: {  	[dreg:$0x0] =	wrdreg $0xFFFFFFFF;
	(pc) =	sbr.abs _section_cstart, $3  }
0xc9: {  	[dreg:$0x1] =	wrdreg $0xFFFFFFFF  }
0xca: {  	_ =	task.clear_ibuf [dreg:s9], $0x2FFFF;
	_ =	strace $0x9FFFFFFF  }
0xcb: {  	(tm) =	ssettm $0x7FFFFFFF  }
tec
execute0_lowered:
.L_overlay_start_1:
0x0: {  	(tag) =	ssettag $0x1  }
0x1: {  	s0 =	rddreg [dreg:$0x0]  }
0x2: {  	s1 =	rddreg [dreg:$0x1]  }
0x3: {  	s2 =	rddreg [dreg:$0x2]  }
0x4: {  	s4 =	rddreg [dreg:$0x3];
	s3 =	simm.s32 $0x0;
	s5 =	srdreg.scid  }
0x5: {  	s8 =	stileid.u32;
	s19 =	simm.s32 $0x3;
	s22 =	simm.s32 $0x80  }
0x6: {  	s21 =	simm.s32 $0x1;
	s26 =	simm.s32 $0x18600;
	s28 =	simm.s32 $0x2  }
0x7: {  	s29 =	simm.s32 $0x0;
	[smem:$0x7FF] =	sst s3;
	s14 =	sadd.s32 $0x1600, s0  }
0x8: {  	s5 =	sand.u32 $0x1, s5;
	s15 =	sadd.s32 $0xE00, s0;
	s8 =	sshll.u32 s8, $0x7  }
0x9: {  	s0 =	sadd.s32 $0x600, s0;
	s6 =	ssub.s32 $0x2, s5;
	s5 =	sshll.u32 s5, $0x6  }
0xa: {  	_ =	strace $0x80000047;
	s7 =	sshrl.u32 s6, $0x1;
	s17 =	sor.u32 s5, s8  }
0xb: {  	s18 =	ssub.s32 s6, s7;
	s5 =	sadd.s32 s14, s17;
	s6 =	sadd.s32 s15, s17  }
0xc: {  	s10 =	sor.u32 $0x10, s17;
	s7 =	sadd.s32 s0, s17;
	s13 =	sor.u32 $0x20, s17  }
0xd: {  	s16 =	sor.u32 $0x30, s17;
	s17 =	sadd.s32 s4, s17;
	s8 =	sadd.s32 s14, s10  }
0xe: {  	s9 =	sadd.s32 s15, s10;
	s10 =	sadd.s32 s0, s10;
	s11 =	sadd.s32 s14, s13  }
0xf: {  	s12 =	sadd.s32 s15, s13;
	s13 =	sadd.s32 s0, s13;
	s14 =	sadd.s32 s14, s16  }
0x10: {  	vm0 =	vcmask $0x3F3C;
	s15 =	sadd.s32 s15, s16;
	s16 =	sadd.s32 s0, s16;
	s18 =	smax.u32 s18, $0x1  }
.LBB2_1:
0x11: {  	[tilespmem:s3], [sflag:$0x3] =	stream.linear.gather [hbm4b:s5+s3], $0x80, $0x38;
	[tilespmem:$0x18800] =	vst v63  }
0x12: {  	_ =	swait.ge [sflag:s19], $0x80  }
0x13: {  	[sflag:s19] =	ssyncset.done $0x0  }
0x14: {  	s0 =	simm.s32 $0x200;
	[sflag:s19] =	ssyncadd.s32 $0xFFFFFF80  }
0x15: {  	[tilespmem:s0], [sflag:$0x3] =	stream.linear.gather [hbm4b:s6+s3], $0x80, $0x38;
	[tilespmem:$0x18800] =	vst v63  }
0x16: {  	_ =	swait.ge [sflag:s19], $0x80  }
0x17: {  	[sflag:s19] =	ssyncset.done $0x0  }
0x18: {  	s4 =	simm.s32 $0x400;
	[sflag:s19] =	ssyncadd.s32 $0xFFFFFF80  }
0x19: {  	[tilespmem:s4], [sflag:$0x3] =	stream.linear.gather [hbm4b:s7+s3], $0x80, $0x38;
	[tilespmem:$0x18800] =	vst v63  }
0x1a: {  	_ =	swait.ge [sflag:s19], $0x80  }
0x1b: {  	[sflag:s19] =	ssyncset.done $0x0  }
0x1c: {  	[sflag:s19] =	ssyncadd.s32 $0xFFFFFF80  }
0x1d: {  	[tilespmem:s22], [sflag:$0x3] =	stream.linear.gather [hbm4b:s8+s3], $0x80, $0x38;
	[tilespmem:$0x18800] =	vst v63  }
0x1e: {  	_ =	swait.ge [sflag:s19], $0x80  }
0x1f: {  	[sflag:s19] =	ssyncset.done $0x0  }
0x20: {  	s20 =	simm.s32 $0x280;
	[sflag:s19] =	ssyncadd.s32 $0xFFFFFF80  }
0x21: {  	[tilespmem:s20], [sflag:$0x3] =	stream.linear.gather [hbm4b:s9+s3], $0x80, $0x38;
	[tilespmem:$0x18800] =	vst v63  }
0x22: {  	_ =	swait.ge [sflag:s19], $0x80  }
0x23: {  	[sflag:s19] =	ssyncset.done $0x0  }
0x24: {  	s23 =	simm.s32 $0x480;
	[sflag:s19] =	ssyncadd.s32 $0xFFFFFF80  }
0x25: {  	[tilespmem:s23], [sflag:$0x3] =	stream.linear.gather [hbm4b:s10+s3], $0x80, $0x38;
	[tilespmem:$0x18800] =	vst v63  }
0x26: {  	_ =	swait.ge [sflag:s19], $0x80  }
0x27: {  	[sflag:s19] =	ssyncset.done $0x0  }
0x28: {  	s24 =	simm.s32 $0x100;
	[sflag:s19] =	ssyncadd.s32 $0xFFFFFF80  }
0x29: {  	[tilespmem:s24], [sflag:$0x3] =	stream.linear.gather [hbm4b:s11+s3], $0x80, $0x38;
	[tilespmem:$0x18800] =	vst v63  }
0x2a: {  	_ =	swait.ge [sflag:s19], $0x80  }
0x2b: {  	[sflag:s19] =	ssyncset.done $0x0  }
0x2c: {  	s25 =	simm.s32 $0x300;
	[sflag:s19] =	ssyncadd.s32 $0xFFFFFF80  }
0x2d: {  	[tilespmem:s25], [sflag:$0x3] =	stream.linear.gather [hbm4b:s12+s3], $0x80, $0x38;
	[tilespmem:$0x18800] =	vst v63  }
0x2e: {  	_ =	swait.ge [sflag:s19], $0x80  }
0x2f: {  	[sflag:s19] =	ssyncset.done $0x0  }
0x30: {  	s25 =	simm.s32 $0x500;
	[sflag:s19] =	ssyncadd.s32 $0xFFFFFF80  }
0x31: {  	[tilespmem:s25], [sflag:$0x3] =	stream.linear.gather [hbm4b:s13+s3], $0x80, $0x38;
	[tilespmem:$0x18800] =	vst v63  }
0x32: {  	_ =	swait.ge [sflag:s19], $0x80  }
0x33: {  	[sflag:s19] =	ssyncset.done $0x0  }
0x34: {  	s25 =	simm.s32 $0x180;
	[sflag:s19] =	ssyncadd.s32 $0xFFFFFF80  }
0x35: {  	[tilespmem:s25], [sflag:$0x3] =	stream.linear.gather [hbm4b:s14+s3], $0x80, $0x38;
	[tilespmem:$0x18800] =	vst v63  }
0x36: {  	_ =	swait.ge [sflag:s19], $0x80  }
0x37: {  	[sflag:s19] =	ssyncset.done $0x0  }
0x38: {  	s25 =	simm.s32 $0x380;
	[sflag:s19] =	ssyncadd.s32 $0xFFFFFF80  }
0x39: {  	[tilespmem:s25], [sflag:$0x3] =	stream.linear.gather [hbm4b:s15+s3], $0x80, $0x38;
	[tilespmem:$0x18800] =	vst v63  }
0x3a: {  	_ =	swait.ge [sflag:s19], $0x80  }
0x3b: {  	[sflag:s19] =	ssyncset.done $0x0  }
0x3c: {  	s25 =	simm.s32 $0x580;
	[sflag:s19] =	ssyncadd.s32 $0xFFFFFF80  }
0x3d: {  	[tilespmem:s25], [sflag:$0x3] =	stream.linear.gather [hbm4b:s16+s3], $0x80, $0x38;
	[tilespmem:$0x18800] =	vst v63  }
0x3e: {  	_ =	swait.ge [sflag:s19], $0x80  }
0x3f: {  	[sflag:s19] =	ssyncset.done $0x0  }
0x40: {  	s25 =	simm.s32 $0x600;
	[sflag:s19] =	ssyncadd.s32 $0xFFFFFF80  }
0x41: {  	[tilespmem:s25], [sflag:$0x1] =	stream.indirect.gather [hbm4b:s1+s22], $0x80, s3, s22, $0xb8;
	[tilespmem:$0x18800] =	vst v63  }
0x42: {  	s25 =	simm.s32 $0x8600  }
0x43: {  	[tilespmem:s25], [sflag:$0x1] =	stream.indirect.gather [hbm4b:s2+s22], $0x80, s0, s22, $0xb8;
	[tilespmem:$0x18800] =	vst v63  }
0x44: {  	s25 =	simm.s32 $0x10600  }
0x45: {  	[tilespmem:s25], [sflag:$0x1] =	stream.indirect.gather [hbm4b:s1+s22], $0x80, s4, s22, $0xb8;
	[tilespmem:$0x18800] =	vst v63  }
0x46: {  	_ =	swait.ge [sflag:s21], $0x4000  }
0x47: {  	[sflag:s21] =	ssyncset.done $0x0  }
0x48: {  	[sflag:s21] =	ssyncadd.s32 $0xFFFFC000  }
0x49: {  	_ =	swait.ge [sflag:s21], $0x4000  }
0x4a: {  	[sflag:s21] =	ssyncset.done $0x0  }
0x4b: {  	[sflag:s21] =	ssyncadd.s32 $0xFFFFC000  }
0x4c: {  	_ =	swait.ge [sflag:s21], $0x4000  }
0x4d: {  	[sflag:s21] =	ssyncset.done $0x0  }
0x4e: {  	s24 =	simm.s32 $0x4600;
	[sflag:s21] =	ssyncadd.s32 $0xFFFFC000  }
0x4f: {  	[tilespmem:s24], [sflag:$0x2] =	stream.indirect.gather [hbm4b:s1+s22], $0x80, s22, s22, $0xb8;
	[tilespmem:$0x18800] =	vst v63  }
0x50: {  	s25 =	simm.s32 $0xC600  }
0x51: {  	[tilespmem:s25], [sflag:$0x2] =	stream.indirect.gather [hbm4b:s2+s22], $0x80, s20, s22, $0xb8;
	[tilespmem:$0x18800] =	vst v63  }
0x52: {  	s4 =	simm.s32 $0x14600;
	s20 =	simm.s32 $0x700  }
0x53: {  	[tilespmem:s4], [sflag:$0x2] =	stream.indirect.gather [hbm4b:s1+s22], $0x80, s23, s22, $0xb8;
	[tilespmem:$0x18800] =	vst v63  }
0x54: {  	v0 =	vld [tilespmem:s20+$0xB0]  }
0x55: {  	v1 =	vld [tilespmem:s20+$0xF0]  }
0x56: {  	v2 =	vld [tilespmem:s20+$0xA0]  }
0x57: {  	s23 =	simm.s32 $0x10700;
	v3 =	vld [tilespmem:s20+$0xE0]  }
0x58: {  	v4 =	vld [tilespmem:s23+$0x80]  }
0x59: {  	v5 =	vld [tilespmem:s20+$0x80]  }
0x5a: {  	s24 =	simm.s32 $0x8700;
	v6 =	vld [tilespmem:s20+$0xC0]  }
0x5b: {  	v7 =	vld [tilespmem:s24+$0x80]  }
0x5c: {  	v8 =	vld [tilespmem:s24+$0xC0]  }
0x5d: {  	v9 =	vld [tilespmem:s20+$0x90]  }
0x5e: {  	v10 =	vld [tilespmem:s20+$0xD0]  }
0x5f: {  	v11 =	vld [tilespmem:s24+$0x90]  }
0x60: {  	v12 =	vld [tilespmem:s24+$0xD0]  }
0x61: {  	v13 =	vld [tilespmem:s24+$0xA0]  }
0x62: {  	v14 =	vld [tilespmem:s23+$0xC0]  }
0x63: {  	v15 =	vld [tilespmem:s24+$0xE0]  }
0x64: {  	v16 =	vld [tilespmem:s23+$0x90]  }
0x65: {  	v17 =	vld [tilespmem:s24+$0xB0]  }
0x66: {  	v18 =	vld [tilespmem:s23+$0xD0]  }
0x67: {  	v19 =	vld [tilespmem:s24+$0xF0]  }
0x68: {  	v20 =	vld [tilespmem:s23+$0xA0]  }
0x69: {  	v21 =	vld [tilespmem:s20+$0xFFFFFF40]  }
0x6a: {  	v22 =	vld [tilespmem:s23+$0xE0]  }
0x6b: {  	v23 =	vld [tilespmem:s24+$0xFFFFFF00]  }
0x6c: {  	v24 =	vld [tilespmem:s23+$0xB0]  }
0x6d: {  	v25 =	vld [tilespmem:s24+$0xFFFFFF40]  }
0x6e: {  	v26 =	vld [tilespmem:s23+$0xF0]  }
0x6f: {  	v27 =	vld [tilespmem:s20+$0xFFFFFF80]  }
0x70: {  	v28 =	vld [tilespmem:s20+$0xFFFFFFC0]  }
0x71: {  	v29 =	vld [tilespmem:s24+$0xFFFFFF80]  }
0x72: {  	v30 =	vld [tilespmem:s24+$0xFFFFFFC0]  }
0x73: {  	v31 =	vld [tilespmem:s20+$0x0]  }
0x74: {  	v32 =	vld [tilespmem:s20+$0x40]  }
0x75: {  	v33 =	vld [tilespmem:s24+$0x0]  }
0x76: {  	v34 =	vld [tilespmem:s24+$0x40]  }
0x77: {  	v35 =	vld [tilespmem:s20+$0xFFFFFF00]  }
0x78: {  	v36 =	vld [tilespmem:s23+$0xFFFFFF00]  }
0x79: {  	v37 =	vld [tilespmem:s20+$0xFFFFFF10]  }
0x7a: {  	v38 =	vld [tilespmem:s20+$0xFFFFFF50]  }
0x7b: {  	v39 =	vld [tilespmem:s24+$0xFFFFFF10]  }
0x7c: {  	v40 =	vld [tilespmem:s24+$0xFFFFFF50]  }
0x7d: {  	v41 =	vld [tilespmem:s23+$0xFFFFFF80]  }
0x7e: {  	v42 =	vld [tilespmem:s20+$0xFFFFFF90]  }
0x7f: {  	v45 =	vld [tilespmem:s20+$0xFFFFFFD0]  }
0x80: {  	v46 =	vld [tilespmem:s24+$0xFFFFFF90];
	v43 =	vmul.f32 v7, v5  }
0x81: {  	v47 =	vld [tilespmem:s23+$0x50];
	v44 =	vmul.f32 v8, v6;
	v5 =	vmul.f32 v8, v5  }
0x82: {  	v6 =	vmul.f32 v7, v6;
	v7 =	vld [tilespmem:s24+$0xFFFFFFD0];
	v50 =	vmul.f32 v17, v0  }
0x83: {  	v51 =	vmul.f32 v19, v1;
	v1 =	vmul.f32 v17, v1;
	v17 =	vld [tilespmem:s24+$0xFFFFFF20]  }
0x84: {  	v53 =	vmul.f32 v29, v27;
	v55 =	vmul.f32 v30, v27;
	v27 =	vld [tilespmem:s20+$0x20]  }
0x85: {  	v8 =	vmul.f32 v11, v9;
	v54 =	vmul.f32 v30, v28;
	v30 =	vld [tilespmem:s24+$0x20]  }
0x86: {  	v56 =	vmul.f32 v33, v31;
	v59 =	vmul.f32 v34, v31;
	v31 =	vld [tilespmem:s24+$0x60]  }
0x87: {  	v57 =	vmul.f32 v33, v32;
	v58 =	vmul.f32 v34, v32;
	v33 =	vld [tilespmem:s23+$0xFFFFFF50]  }
0x88: {  	v61 =	vmul.f32 v40, v38;
	v62 =	vmul.f32 v40, v37;
	v34 =	vld [tilespmem:s23+$0xFFFFFFD0]  }
0x89: {  	v40 =	vmul.f32 v46, v42;
	v48 =	vmul.f32 v46, v45;
	v46 =	vld [tilespmem:s23+$0xFFFFFF60];
	v43 =	vsub.f32 v43, v44  }
0x8a: {  	v0 =	vmul.f32 v19, v0;
	v44 =	vld [tilespmem:s23+$0x0];
	v5 =	vadd.f32 v5, v6;
	v6 =	vmul.f32 v12, v10  }
0x8b: {  	v10 =	vmul.f32 v11, v10;
	v11 =	vld [tilespmem:s20+$0x50];
	v4 =	vmul.f32 v43, v4  }
0x8c: {  	v9 =	vmul.f32 v12, v9;
	v12 =	vld [tilespmem:s24+$0x50]  }
0x8d: {  	v0 =	vadd.f32 v0, v1;
	v1 =	vld [tilespmem:s20+$0xFFFFFFA0];
	v5 =	vmul.f32 v14, v5;
	v4 =	vadd.f32 $0.0e+00, v4  }
0x8e: {  	v49 =	vmul.f32 v15, v3;
	v3 =	vmul.f32 v13, v3;
	v43 =	vld [tilespmem:s20+$0x10];
	v6 =	vsub.f32 v8, v6  }
0x8f: {  	v52 =	vmul.f32 v25, v21;
	v25 =	vmul.f32 v25, v35;
	v8 =	vld [tilespmem:s24+$0x10];
	v4 =	vadd.f32 v4, v5  }
0x90: {  	v14 =	vld [tilespmem:s24+$0xFFFFFF60];
	v5 =	vmul.f32 v6, v16;
	v6 =	vadd.f32 v9, v10;
	v10 =	vmul.f32 v13, v2  }
0x91: {  	v0 =	vmul.f32 v26, v0;
	v26 =	vadd.f32 v59, v57;
	v57 =	vld [tilespmem:s20+$0xFFFFFFB0];
	v2 =	vmul.f32 v15, v2  }
0x92: {  	v9 =	vld [tilespmem:s23+$0xFFFFFF40];
	v4 =	vadd.f32 v5, v4;
	v5 =	vmul.f32 v18, v6;
	v10 =	vsub.f32 v10, v49  }
0x93: {  	v60 =	vmul.f32 v39, v37;
	v63 =	vmul.f32 v39, v38;
	v16 =	vld [tilespmem:s23+$0xFFFFFFC0];
	v2 =	vadd.f32 v2, v3  }
0x94: {  	v6 =	vld [tilespmem:s23+$0x40];
	v4 =	vadd.f32 v4, v5;
	v10 =	vmul.f32 v10, v20;
	v20 =	vsub.f32 v53, v54  }
0x95: {  	v39 =	vmul.f32 v30, v27;
	v3 =	vld [tilespmem:s20+$0xFFFFFF60];
	v2 =	vmul.f32 v22, v2  }
0x96: {  	v13 =	vld [tilespmem:s23+$0xFFFFFF10];
	v4 =	vadd.f32 v10, v4;
	v20 =	vmul.f32 v20, v41;
	v41 =	vmul.f32 v7, v45  }
0x97: {  	v15 =	vld [tilespmem:s23+$0xFFFFFF90];
	v10 =	vsub.f32 v50, v51;
	v7 =	vmul.f32 v7, v42;
	v50 =	vmul.f32 v8, v43  }
0x98: {  	v18 =	vld [tilespmem:s20+$0xFFFFFFE0];
	v8 =	vmul.f32 v8, v11;
	v11 =	vmul.f32 v12, v11  }
0x99: {  	v5 =	vld [tilespmem:s20+$0xFFFFFF20];
	v12 =	vmul.f32 v12, v43;
	v42 =	vmul.f32 v31, v27  }
0x9a: {  	v49 =	vld [tilespmem:s23+$0xFFFFFF20];
	v6 =	vmul.f32 v6, v26;
	v59 =	vmul.f32 v14, v3;
	v2 =	vadd.f32 v4, v2  }
0x9b: {  	v22 =	vld [tilespmem:s24+$0xFFFFFFE0];
	v4 =	vmul.f32 v10, v24;
	v10 =	vmul.f32 v23, v21;
	v21 =	vsub.f32 v56, v58  }
0x9c: {  	v54 =	vld [tilespmem:s24+$0xFFFFFF70];
	v3 =	vmul.f32 v17, v3;
	v7 =	vadd.f32 v7, v48;
	v53 =	vadd.f32 $0.0e+00, v20  }
0x9d: {  	v23 =	vmul.f32 v23, v35;
	v24 =	vld [tilespmem:s23+$0x10];
	v11 =	vsub.f32 v50, v11;
	v8 =	vadd.f32 v12, v8  }
0x9e: {  	v35 =	vld [tilespmem:s20+$0x30];
	v58 =	vmul.f32 v17, v5;
	v5 =	vmul.f32 v14, v5;
	v2 =	vadd.f32 v4, v2  }
0x9f: {  	v4 =	vld [tilespmem:s24+$0xFFFFFFA0];
	v19 =	vsub.f32 v23, v52;
	v10 =	vadd.f32 v25, v10;
	v21 =	vmul.f32 v21, v44  }
0xa0: {  	v23 =	vld [tilespmem:s20+$0x60];
	v7 =	vmul.f32 v34, v7;
	v8 =	vmul.f32 v47, v8;
	v3 =	vadd.f32 v5, v3  }
0xa1: {  	v52 =	vld [tilespmem:s20+$0xFFFFFF70];
	v5 =	vmul.f32 v22, v18;
	v0 =	vadd.f32 v2, v0;
	v2 =	vmul.f32 v29, v28  }
0xa2: {  	v44 =	vld [tilespmem:s24+$0x70];
	v19 =	vmul.f32 v19, v36;
	v28 =	vsub.f32 v60, v61;
	v29 =	vsub.f32 v40, v41  }
0xa3: {  	v51 =	vld [tilespmem:s20+$0xFFFFFF30];
	v25 =	vadd.f32 v62, v63;
	v9 =	vmul.f32 v9, v10;
	v11 =	vmul.f32 v11, v24  }
0xa4: {  	v43 =	vld [tilespmem:s24+$0x30];
	v2 =	vadd.f32 v55, v2;
	v13 =	vmul.f32 v28, v13;
	v62 =	vmul.f32 v29, v15  }
0xa5: {  	v61 =	vld [tilespmem:s24+$0xFFFFFFB0];
	v19 =	vadd.f32 $0.0e+00, v19;
	v63 =	vmul.f32 v4, v1;
	v4 =	vmul.f32 v4, v18  }
0xa6: {  	v56 =	vld [tilespmem:s23+$0xFFFFFFA0];
	v55 =	vadd.f32 $0.0e+00, v21;
	v1 =	vmul.f32 v22, v1;
	v40 =	vmul.f32 v30, v23  }
0xa7: {  	v12 =	vsub.f32 v58, v59;
	v41 =	vld [tilespmem:s20+$0x70];
	v47 =	vmul.f32 v54, v52;
	v14 =	vmul.f32 v44, v35  }
0xa8: {  	v48 =	vld [tilespmem:s23+$0x60];
	v2 =	vmul.f32 v16, v2;
	v9 =	vadd.f32 v19, v9;
	v6 =	vadd.f32 v55, v6  }
0xa9: {  	v10 =	vld [tilespmem:s24+$0xFFFFFF30];
	v55 =	vmul.f32 v43, v35;
	v5 =	vsub.f32 v63, v5;
	v1 =	vadd.f32 v1, v4  }
0xaa: {  	v29 =	vld [tilespmem:s23+$0x20];
	v4 =	vmul.f32 v31, v23;
	v50 =	vmul.f32 v61, v57;
	v2 =	vadd.f32 v53, v2  }
0xab: {  	v60 =	vld [tilespmem:s20+$0xFFFFFFF0];
	v9 =	vadd.f32 v13, v9;
	v6 =	vadd.f32 v11, v6;
	v11 =	vmul.f32 v33, v25  }
0xac: {  	v28 =	vld [tilespmem:s24+$0xFFFFFFF0];
	v58 =	vmul.f32 v44, v41;
	v4 =	vsub.f32 v39, v4;
	v5 =	vmul.f32 v5, v56  }
0xad: {  	v59 =	vld [tilespmem:s23+$0x70];
	v56 =	vmul.f32 v43, v41;
	v2 =	vadd.f32 v62, v2;
	v9 =	vadd.f32 v9, v11  }
0xae: {  	v53 =	vld [tilespmem:s23+$0x30];
	v11 =	vmul.f32 v12, v49;
	v6 =	vadd.f32 v6, v8;
	v8 =	vmul.f32 v10, v51  }
0xaf: {  	v45 =	vadd.f32 v42, v40;
	v10 =	vmul.f32 v10, v52;
	v49 =	vld [tilespmem:s23+$0xFFFFFF30];
	v4 =	vmul.f32 v4, v29  }
0xb0: {  	s25 =	simm.s32 $0x3;
	(xrf2) =	vadd.scan.msk.f32 $0xffff, v0;
	v2 =	vadd.f32 v2, v7;
	v7 =	vld [tilespmem:s23+$0xFFFFFFE0];
	v9 =	vadd.f32 v11, v9;
	v11 =	vmul.f32 v54, v51  }
0xb1: {  	v52 =	vmul.f32 v28, v60;
	v62 =	vmov s25;
	v8 =	vsub.f32 v8, v47;
	v54 =	vld [tilespmem:s23+$0xFFFFFF70]  }
0xb2: {  	s4 =	simm.s32 $0x900;
	v51 =	vld [tilespmem:s23+$0xFFFFFFB0];
	v6 =	vadd.f32 v4, v6;
	v4 =	vmul.f32 v46, v3;
	v10 =	vadd.f32 v11, v10  }
0xb3: {  	v3 =	vld [tilespmem:s4+$0xF0];
	v11 =	vmul.f32 v61, v60;
	v0 =	vadd.f32 v5, v2;
	v2 =	vmul.f32 v28, v57  }
0xb4: {  	v5 =	vsub.f32 v50, v52;
	v57 =	vld [tilespmem:s23+$0xFFFFFFF0];
	v9 =	vadd.f32 v9, v4;
	v8 =	vmul.f32 v8, v49  }
0xb5: {  	v61 =	vmul.f32 v48, v45;
	v4 =	vld [tilespmem:s4+$0xA0];
	v11 =	vadd.f32 v2, v11;
	v1 =	vmul.f32 v7, v1  }
0xb6: {  	s0 =	simm.s32 $0x10900;
	v2 =	vld [tilespmem:s4+$0xB0];
	v7 =	vsub.f32 v55, v58;
	v8 =	vadd.f32 v8, v9;
	v10 =	vmul.f32 v54, v10  }
0xb7: {  	v13 =	vadd.f32 v6, v61;
	v6 =	vld [tilespmem:s0+$0x80];
	v0 =	vadd.f32 v0, v1;
	v1 =	vmul.f32 v5, v51  }
0xb8: {  	v60 =	vadd.f32 v14, v56;
	v5 =	vld [tilespmem:s4+$0xE0];
	v9 =	vmul.f32 v7, v53;
	v10 =	vadd.f32 v8, v10  }
0xb9: {  	v7 =	vld [tilespmem:s4+$0x80];
	v0 =	vadd.f32 v1, v0;
	v1 =	vmul.f32 v57, v11  }
0xba: {  	s20 =	simm.s32 $0x8900;
	v63, _, _ =	vpop (xrf2);
	v12 =	vmul.f32 v59, v60;
	v8 =	vld [tilespmem:s4+$0xC0];
	v11 =	vadd.f32 v9, v13;
	(xrf2) =	vadd.scan.msk.f32 $0xffff, v10  }
0xbb: {  	v9 =	vld [tilespmem:s20+$0x80];
	v1 =	vadd.f32 v0, v1  }
0xbc: {  	s30 =	simm.s32 $0x4;
	s31 =	simm.s32 $0x0;
	s23 =	simm.s32 $0x8;
	[tilespmem:v62+s26+$0x0] =	vst.idx.msk vm0, v63;
	v10 =	vld [tilespmem:s20+$0xC0];
	v0 =	vadd.f32 v11, v12  }
.LBB2_2:
0xbd: {  	p0 =	slt.u32 s23, $0x7C;
	v11 =	vld [tilespmem:s4+$0x90];
	(xrf2) =	vadd.scan.msk.f32 $0xffff, v1  }
0xbe: {  	v12 =	vmov s31;
	v1 =	vld [tilespmem:s4+$0xD0]  }
0xbf: {  	s24 =	sadd.s32 $0x1, s31;
	s25 =	sadd.s32 $0x2, s31;
	s31 =	smov.u32 s30;
	v12 =	vand.u32 $0xFFFFFFFC, v12;
	v13 =	vld [tilespmem:s20+$0x90]  }
0xc0: {  	s30 =	smov.u32 s23;
	v15 =	vmov s24;
	v16 =	vmov s25;
	v12 =	vbroadcast v12, $0x0;
	v14 =	vld [tilespmem:s20+$0xD0];
	(xrf2) =	vadd.scan.msk.f32 $0xffff, v0  }
0xc1: {  	v15 =	vand.u32 $0xFFFFFFFD, v15;
	v0 =	vmul.f32 v9, v7;
	v17 =	vmul.f32 v10, v8;
	v18 =	vld [tilespmem:s20+$0xA0]  }
0xc2: {  	v16 =	vand.u32 $0xFFFFFFFE, v16;
	v15 =	vbroadcast v15, $0x0;
	v19 =	vld [tilespmem:s0+$0xC0]  }
0xc3: {  	v7 =	vmul.f32 v10, v7;
	v8 =	vmul.f32 v9, v8;
	v0 =	vsub.f32 v0, v17;
	v9 =	vld [tilespmem:s20+$0xE0]  }
0xc4: {  	v16 =	vbroadcast v16, $0x0;
	v10 =	vld [tilespmem:s0+$0x90];
	v17 =	vmul.f32 v13, v11;
	v20, _, _ =	vpop (xrf2)  }
0xc5: {  	v0 =	vmul.f32 v0, v6;
	v6 =	vadd.f32 v7, v8;
	v7 =	vmul.f32 v14, v1;
	v8 =	vld [tilespmem:s20+$0xB0]  }
0xc6: {  	v11 =	vmul.f32 v14, v11;
	v1 =	vmul.f32 v13, v1;
	v21 =	vld [tilespmem:s0+$0xD0];
	[tilespmem:v12+s26+$0x0] =	vst.idx.msk vm0, v20  }
0xc7: {  	v0 =	vadd.f32 $0.0e+00, v0;
	v6 =	vmul.f32 v19, v6;
	v7 =	vsub.f32 v17, v7;
	v12 =	vld [tilespmem:s20+$0xF0];
	v13, _, _ =	vpop (xrf2)  }
0xc8: {  	v17 =	vmul.f32 v18, v4;
	v14 =	vld [tilespmem:s0+$0xA0];
	v19 =	vmul.f32 v9, v5;
	[tilespmem:v15+s26+$0x0] =	vst.idx.msk vm0, v13  }
0xc9: {  	v1 =	vadd.f32 v11, v1;
	v13 =	vld [tilespmem:s4+$0xFFFFFF40];
	v0 =	vadd.f32 v0, v6;
	v6 =	vmul.f32 v7, v10  }
0xca: {  	v4 =	vmul.f32 v9, v4;
	v5 =	vmul.f32 v18, v5;
	v7 =	vld [tilespmem:s0+$0xE0];
	v9, _, _ =	vpop (xrf2)  }
0xcb: {  	v10 =	vld [tilespmem:s20+$0xFFFFFF00];
	v0 =	vadd.f32 v6, v0;
	v1 =	vmul.f32 v21, v1;
	v6 =	vsub.f32 v17, v19  }
0xcc: {  	v15 =	vmul.f32 v8, v2;
	v11 =	vld [tilespmem:s0+$0xB0];
	v17 =	vmul.f32 v12, v3;
	[tilespmem:v16+s26+$0x0] =	vst.idx.msk vm0, v9  }
0xcd: {  	v4 =	vadd.f32 v4, v5;
	v9 =	vld [tilespmem:s20+$0xFFFFFF40];
	v0 =	vadd.f32 v0, v1;
	v1 =	vmul.f32 v6, v14  }
0xce: {  	v2 =	vmul.f32 v12, v2;
	v3 =	vmul.f32 v8, v3;
	v5 =	vld [tilespmem:s0+$0xF0]  }
0xcf: {  	v6 =	vld [tilespmem:s4+$0xFFFFFF80];
	v0 =	vadd.f32 v1, v0;
	v1 =	vmul.f32 v7, v4;
	v4 =	vsub.f32 v15, v17  }
0xd0: {  	v7 =	vmul.f32 v10, v13;
	v8 =	vld [tilespmem:s4+$0xFFFFFFC0]  }
0xd1: {  	v2 =	vadd.f32 v2, v3;
	v12 =	vld [tilespmem:s20+$0xFFFFFF80];
	v0 =	vadd.f32 v0, v1;
	v1 =	vmul.f32 v4, v11  }
0xd2: {  	v3 =	vmul.f32 v9, v13;
	v4 =	vld [tilespmem:s20+$0xFFFFFFC0]  }
0xd3: {  	v11 =	vld [tilespmem:s4+$0x0];
	v0 =	vadd.f32 v1, v0;
	v1 =	vmul.f32 v5, v2  }
0xd4: {  	v2 =	vld [tilespmem:s4+$0x40]  }
0xd5: {  	v5 =	vld [tilespmem:s20+$0x0];
	v0 =	vadd.f32 v0, v1  }
0xd6: {  	v1 =	vmul.f32 v12, v6;
	v12 =	vmul.f32 v12, v8;
	v13 =	vld [tilespmem:s20+$0x40]  }
0xd7: {  	v14 =	vld [tilespmem:s4+$0xFFFFFF00];
	v8 =	vmul.f32 v4, v8;
	v4 =	vmul.f32 v4, v6;
	(xrf2) =	vadd.scan.msk.f32 $0xffff, v0  }
0xd8: {  	v0 =	vld [tilespmem:s0+$0xFFFFFF00]  }
0xd9: {  	v6 =	vld [tilespmem:s4+$0xFFFFFF10];
	v1 =	vsub.f32 v1, v8;
	v4 =	vadd.f32 v4, v12  }
0xda: {  	v8 =	vld [tilespmem:s4+$0xFFFFFF50];
	v12 =	vmul.f32 v5, v11;
	v5 =	vmul.f32 v5, v2  }
0xdb: {  	v15 =	vld [tilespmem:s20+$0xFFFFFF10];
	v2 =	vmul.f32 v13, v2;
	v11 =	vmul.f32 v13, v11  }
0xdc: {  	s24 =	sadd.s32 $0x3, s31;
	v10 =	vmul.f32 v10, v14;
	v9 =	vmul.f32 v9, v14;
	v13 =	vld [tilespmem:s20+$0xFFFFFF50]  }
0xdd: {  	v14 =	vld [tilespmem:s0+$0xFFFFFF80];
	v2 =	vsub.f32 v12, v2;
	v5 =	vadd.f32 v11, v5;
	v11 =	vmov s24  }
0xde: {  	v3 =	vsub.f32 v10, v3;
	v7 =	vadd.f32 v9, v7;
	v9 =	vld [tilespmem:s4+$0xFFFFFF90]  }
0xdf: {  	v10 =	vld [tilespmem:s4+$0xFFFFFFD0]  }
0xe0: {  	v0 =	vmul.f32 v3, v0;
	v3 =	vmul.f32 v15, v6;
	v12 =	vld [tilespmem:s20+$0xFFFFFF90]  }
0xe1: {  	v16 =	vmul.f32 v13, v8;
	v6 =	vmul.f32 v13, v6;
	v13 =	vld [tilespmem:s20+$0xFFFFFFD0];
	v17, _, _ =	vpop (xrf2)  }
0xe2: {  	v8 =	vmul.f32 v15, v8;
	v0 =	vadd.f32 $0.0e+00, v0;
	v1 =	vmul.f32 v1, v14;
	v14 =	vld [tilespmem:s0+$0x0];
	[tilespmem:v11+s26+$0x0] =	vst.idx.msk vm0, v17  }
0xe3: {  	v3 =	vsub.f32 v3, v16;
	v11 =	vld [tilespmem:s4+$0x10]  }
0xe4: {  	v6 =	vadd.f32 v6, v8;
	v1 =	vadd.f32 $0.0e+00, v1;
	v8 =	vld [tilespmem:s4+$0x50]  }
0xe5: {  	v15 =	vmul.f32 v12, v9;
	v12 =	vmul.f32 v12, v10;
	v16 =	vld [tilespmem:s20+$0x10]  }
0xe6: {  	v10 =	vmul.f32 v13, v10;
	v9 =	vmul.f32 v13, v9;
	v13 =	vld [tilespmem:s20+$0x50]  }
0xe7: {  	v17 =	vld [tilespmem:s0+$0xFFFFFF40];
	v2 =	vmul.f32 v2, v14  }
0xe8: {  	v14 =	vld [tilespmem:s0+$0xFFFFFFC0];
	v10 =	vsub.f32 v15, v10;
	v9 =	vadd.f32 v9, v12  }
0xe9: {  	v12 =	vld [tilespmem:s0+$0x40];
	v2 =	vadd.f32 $0.0e+00, v2  }
0xea: {  	v15 =	vld [tilespmem:s0+$0xFFFFFF10];
	v18 =	vmul.f32 v16, v11;
	v16 =	vmul.f32 v16, v8  }
0xeb: {  	v19 =	vld [tilespmem:s4+$0xFFFFFF20];
	v8 =	vmul.f32 v13, v8;
	v11 =	vmul.f32 v13, v11  }
0xec: {  	v7 =	vmul.f32 v17, v7;
	v13 =	vld [tilespmem:s4+$0xFFFFFF60]  }
0xed: {  	v17 =	vld [tilespmem:s20+$0xFFFFFF20];
	v4 =	vmul.f32 v14, v4;
	v8 =	vsub.f32 v18, v8;
	v11 =	vadd.f32 v11, v16  }
0xee: {  	v0 =	vadd.f32 v0, v7;
	v7 =	vld [tilespmem:s20+$0xFFFFFF60];
	v5 =	vmul.f32 v12, v5  }
0xef: {  	v3 =	vmul.f32 v3, v15;
	v1 =	vadd.f32 v1, v4;
	v4 =	vld [tilespmem:s0+$0xFFFFFF90]  }
0xf0: {  	v12 =	vld [tilespmem:s4+$0xFFFFFFA0];
	v2 =	vadd.f32 v2, v5  }
0xf1: {  	v0 =	vadd.f32 v3, v0;
	v3 =	vld [tilespmem:s4+$0xFFFFFFE0]  }
0xf2: {  	v5 =	vmul.f32 v17, v19;
	v14 =	vmul.f32 v17, v13;
	v15 =	vld [tilespmem:s20+$0xFFFFFFA0]  }
0xf3: {  	v13 =	vmul.f32 v7, v13;
	v7 =	vmul.f32 v7, v19;
	v16 =	vld [tilespmem:s20+$0xFFFFFFE0]  }
0xf4: {  	v4 =	vmul.f32 v10, v4;
	v10 =	vld [tilespmem:s0+$0x10]  }
0xf5: {  	v5 =	vsub.f32 v5, v13;
	v7 =	vadd.f32 v7, v14;
	v13 =	vld [tilespmem:s4+$0x20]  }
0xf6: {  	v1 =	vadd.f32 v4, v1;
	v4 =	vld [tilespmem:s4+$0x60]  }
0xf7: {  	v14 =	vmul.f32 v15, v12;
	v15 =	vmul.f32 v15, v3;
	v17 =	vld [tilespmem:s20+$0x20]  }
0xf8: {  	v3 =	vmul.f32 v16, v3;
	v12 =	vmul.f32 v16, v12;
	v16 =	vld [tilespmem:s20+$0x60]  }
0xf9: {  	v18 =	vld [tilespmem:s0+$0xFFFFFF50];
	v8 =	vmul.f32 v8, v10  }
0xfa: {  	v10 =	vld [tilespmem:s0+$0xFFFFFFD0];
	v3 =	vsub.f32 v14, v3;
	v12 =	vadd.f32 v12, v15  }
0xfb: {  	v14 =	vld [tilespmem:s0+$0x50];
	v2 =	vadd.f32 v8, v2  }
0xfc: {  	v8 =	vld [tilespmem:s0+$0xFFFFFF20];
	v15 =	vmul.f32 v17, v13;
	v17 =	vmul.f32 v17, v4  }
0xfd: {  	v19 =	vld [tilespmem:s4+$0xFFFFFF30];
	v4 =	vmul.f32 v16, v4;
	v13 =	vmul.f32 v16, v13  }
0xfe: {  	v6 =	vmul.f32 v18, v6;
	v16 =	vld [tilespmem:s4+$0xFFFFFF70]  }
0xff: {  	v18 =	vld [tilespmem:s20+$0xFFFFFF30];
	v9 =	vmul.f32 v10, v9;
	v4 =	vsub.f32 v15, v4;
	v10 =	vadd.f32 v13, v17  }
0x100: {  	v0 =	vadd.f32 v0, v6;
	v6 =	vld [tilespmem:s20+$0xFFFFFF70];
	v11 =	vmul.f32 v14, v11  }
0x101: {  	v5 =	vmul.f32 v5, v8;
	v1 =	vadd.f32 v1, v9;
	v8 =	vld [tilespmem:s0+$0xFFFFFFA0]  }
0x102: {  	v9 =	vld [tilespmem:s4+$0xFFFFFFB0];
	v2 =	vadd.f32 v2, v11  }
0x103: {  	v0 =	vadd.f32 v5, v0;
	v5 =	vld [tilespmem:s4+$0xFFFFFFF0]  }
0x104: {  	v11 =	vmul.f32 v18, v19;
	v13 =	vmul.f32 v18, v16;
	v14 =	vld [tilespmem:s20+$0xFFFFFFB0]  }
0x105: {  	v15 =	vmul.f32 v6, v16;
	v6 =	vmul.f32 v6, v19;
	v16 =	vld [tilespmem:s20+$0xFFFFFFF0]  }
0x106: {  	v3 =	vmul.f32 v3, v8;
	v8 =	vld [tilespmem:s0+$0x20]  }
0x107: {  	v11 =	vsub.f32 v11, v15;
	v6 =	vadd.f32 v6, v13;
	v13 =	vld [tilespmem:s4+$0x30]  }
0x108: {  	v1 =	vadd.f32 v3, v1;
	v3 =	vld [tilespmem:s4+$0x70]  }
0x109: {  	v15 =	vmul.f32 v14, v9;
	v14 =	vmul.f32 v14, v5;
	v17 =	vld [tilespmem:s20+$0x30]  }
0x10a: {  	v5 =	vmul.f32 v16, v5;
	v9 =	vmul.f32 v16, v9;
	v16 =	vld [tilespmem:s20+$0x70]  }
0x10b: {  	v18 =	vld [tilespmem:s0+$0xFFFFFF60];
	v4 =	vmul.f32 v4, v8  }
0x10c: {  	v8 =	vld [tilespmem:s0+$0xFFFFFFE0];
	v5 =	vsub.f32 v15, v5;
	v9 =	vadd.f32 v9, v14  }
0x10d: {  	v14 =	vld [tilespmem:s0+$0x60];
	v4 =	vadd.f32 v4, v2  }
0x10e: {  	v2 =	vld [tilespmem:s0+$0xFFFFFF30];
	v15 =	vmul.f32 v17, v13;
	v17 =	vmul.f32 v17, v3  }
0x10f: {  	v19 =	vld [tilespmem:s0+$0xFFFFFFB0];
	v3 =	vmul.f32 v16, v3;
	v13 =	vmul.f32 v16, v13  }
0x110: {  	v7 =	vmul.f32 v18, v7;
	v16 =	vld [tilespmem:s0+$0x30]  }
0x111: {  	v18 =	vld [tilespmem:s0+$0xFFFFFF70];
	v8 =	vmul.f32 v8, v12;
	v12 =	vsub.f32 v15, v3;
	v13 =	vadd.f32 v13, v17  }
0x112: {  	v0 =	vadd.f32 v0, v7;
	v7 =	vld [tilespmem:s0+$0xFFFFFFF0];
	v3 =	vmul.f32 v14, v10  }
0x113: {  	s4 =	sadd.s32 $0x200, s4;
	v10 =	vmul.f32 v11, v2;
	v1 =	vadd.f32 v1, v8;
	v8 =	vld [tilespmem:s0+$0x70]  }
0x114: {  	v2 =	vld [tilespmem:s4+$0xB0];
	v5 =	vmul.f32 v5, v19;
	v11 =	vadd.f32 v4, v3  }
0x115: {  	v3 =	vld [tilespmem:s4+$0xF0];
	v0 =	vadd.f32 v10, v0;
	v10 =	vmul.f32 v12, v16  }
0x116: {  	v4 =	vld [tilespmem:s4+$0xA0];
	v12 =	vmul.f32 v18, v6;
	v1 =	vadd.f32 v5, v1  }
0x117: {  	s0 =	sadd.s32 $0x200, s0;
	v5 =	vld [tilespmem:s4+$0xE0];
	v9 =	vmul.f32 v7, v9;
	v10 =	vadd.f32 v10, v11  }
.Ltmp0:
0x118: {  	v6 =	vld [tilespmem:s0+$0x80];
	v11 =	vadd.f32 v0, v12;
	v0 =	vmul.f32 v8, v13;
	(pc) =	sbr.rel @p0 .LBB2_2-.Ltmp0, $4  }
0x119: {  	v7 =	vld [tilespmem:s4+$0x80];
	v1 =	vadd.f32 v1, v9  }
0x11a: {  	s20 =	sadd.s32 $0x200, s20;
	v8 =	vld [tilespmem:s4+$0xC0];
	v0 =	vadd.f32 v10, v0;
	(xrf2) =	vadd.scan.msk.f32 $0xffff, v11  }
0x11b: {  	v9 =	vld [tilespmem:s20+$0x80]  }
0x11c: {  	s23 =	sadd.s32 $0x4, s23;
	v10 =	vld [tilespmem:s20+$0xC0]  }
0x11d: {  	v11 =	vld [tilespmem:s4+$0x90]  }
0x11e: {  	v12 =	vld [tilespmem:s4+$0xD0]  }
0x11f: {  	v13 =	vld [tilespmem:s20+$0x90]  }
0x120: {  	v14 =	vld [tilespmem:s20+$0xD0]  }
0x121: {  	v15 =	vld [tilespmem:s20+$0xA0]  }
0x122: {  	v16 =	vld [tilespmem:s0+$0xC0]  }
0x123: {  	v17 =	vld [tilespmem:s20+$0xE0]  }
0x124: {  	v18 =	vld [tilespmem:s0+$0x90]  }
0x125: {  	v19 =	vld [tilespmem:s20+$0xB0]  }
0x126: {  	v20 =	vld [tilespmem:s0+$0xD0]  }
0x127: {  	v21 =	vld [tilespmem:s20+$0xF0]  }
0x128: {  	v22 =	vld [tilespmem:s0+$0xA0]  }
0x129: {  	v23 =	vld [tilespmem:s4+$0xFFFFFF40]  }
0x12a: {  	v24 =	vld [tilespmem:s0+$0xE0]  }
0x12b: {  	v25 =	vld [tilespmem:s20+$0xFFFFFF00]  }
0x12c: {  	v26 =	vld [tilespmem:s0+$0xB0]  }
0x12d: {  	v27 =	vld [tilespmem:s20+$0xFFFFFF40]  }
0x12e: {  	v28 =	vld [tilespmem:s0+$0xF0]  }
0x12f: {  	v29 =	vld [tilespmem:s4+$0xFFFFFF80]  }
0x130: {  	v30 =	vld [tilespmem:s4+$0xFFFFFFC0]  }
0x131: {  	v31 =	vld [tilespmem:s20+$0xFFFFFF80]  }
0x132: {  	v32 =	vld [tilespmem:s20+$0xFFFFFFC0]  }
0x133: {  	v33 =	vld [tilespmem:s4+$0x0]  }
0x134: {  	v34 =	vld [tilespmem:s4+$0x40]  }
0x135: {  	v35 =	vld [tilespmem:s20+$0x0]  }
0x136: {  	v36 =	vld [tilespmem:s20+$0x40]  }
0x137: {  	v37 =	vld [tilespmem:s4+$0xFFFFFF00]  }
0x138: {  	v38 =	vld [tilespmem:s0+$0xFFFFFF00]  }
0x139: {  	v39 =	vld [tilespmem:s4+$0xFFFFFF10]  }
0x13a: {  	v40 =	vld [tilespmem:s4+$0xFFFFFF50]  }
0x13b: {  	v41 =	vld [tilespmem:s20+$0xFFFFFF10]  }
0x13c: {  	v42 =	vld [tilespmem:s20+$0xFFFFFF50]  }
0x13d: {  	v43 =	vld [tilespmem:s0+$0xFFFFFF80]  }
0x13e: {  	v46 =	vld [tilespmem:s4+$0xFFFFFF90]  }
0x13f: {  	v47 =	vld [tilespmem:s4+$0xFFFFFFD0]  }
0x140: {  	v48 =	vld [tilespmem:s4+$0x10];
	v44 =	vmul.f32 v9, v7;
	v45 =	vmul.f32 v10, v8  }
0x141: {  	v7 =	vmul.f32 v10, v7;
	v8 =	vmul.f32 v9, v8;
	v9 =	vld [tilespmem:s20+$0xFFFFFF90]  }
0x142: {  	v10 =	vld [tilespmem:s20+$0xFFFFFFD0];
	v61 =	vmul.f32 v13, v11;
	v62 =	vmul.f32 v14, v12  }
0x143: {  	v11 =	vmul.f32 v14, v11;
	v14 =	vld [tilespmem:s20+$0x10];
	v63 =	vmul.f32 v15, v4  }
0x144: {  	v49 =	vmul.f32 v17, v5;
	v5 =	vmul.f32 v15, v5;
	v15 =	vld [tilespmem:s0+$0xFFFFFFC0]  }
0x145: {  	v12 =	vmul.f32 v13, v12;
	v4 =	vmul.f32 v17, v4;
	v17 =	vld [tilespmem:s0+$0x40]  }
0x146: {  	v51 =	vmul.f32 v25, v23;
	v52 =	vmul.f32 v27, v23;
	v23 =	vld [tilespmem:s4+$0xFFFFFFA0]  }
0x147: {  	v54 =	vmul.f32 v32, v30;
	v56 =	vmul.f32 v32, v29;
	v32 =	vld [tilespmem:s4+$0x20]  }
0x148: {  	v50 =	vmul.f32 v21, v3;
	v55 =	vmul.f32 v31, v30;
	v30 =	vld [tilespmem:s4+$0x60]  }
0x149: {  	v58 =	vmul.f32 v36, v34;
	v59 =	vmul.f32 v35, v34;
	v34 =	vld [tilespmem:s20+$0x20]  }
0x14a: {  	v3 =	vmul.f32 v19, v3;
	v57 =	vmul.f32 v35, v33;
	v35 =	vld [tilespmem:s20+$0xFFFFFFB0]  }
0x14b: {  	v53 =	vmul.f32 v31, v29;
	v60 =	vmul.f32 v36, v33;
	v7 =	vadd.f32 v7, v8;
	v8 =	vld [tilespmem:s0+$0x0]  }
0x14c: {  	v27 =	vmul.f32 v27, v37;
	v44 =	vsub.f32 v44, v45;
	v45 =	vld [tilespmem:s20+$0x60];
	v13 =	vsub.f32 v61, v62  }
0x14d: {  	v11 =	vadd.f32 v11, v12;
	v12 =	vld [tilespmem:s0+$0xFFFFFF40];
	v61 =	vmul.f32 v41, v39;
	v62 =	vmul.f32 v42, v40  }
0x14e: {  	v4 =	vadd.f32 v4, v5;
	v6 =	vmul.f32 v44, v6;
	v7 =	vmul.f32 v16, v7;
	v16 =	vld [tilespmem:s4+$0x50]  }
0x14f: {  	v5 =	vld [tilespmem:s4+$0xFFFFFF20];
	v29 =	vsub.f32 v57, v58;
	v13 =	vmul.f32 v13, v18;
	v11 =	vmul.f32 v20, v11  }
0x150: {  	v58 =	vld [tilespmem:s20+$0xFFFFFF70];
	v4 =	vmul.f32 v24, v4;
	v24 =	vsub.f32 v53, v54;
	v6 =	vadd.f32 $0.0e+00, v6  }
0x151: {  	v18 =	vld [tilespmem:s0+$0xFFFFFF10];
	v20 =	vadd.f32 v27, v51;
	v51 =	vmul.f32 v10, v47;
	v10 =	vmul.f32 v10, v46  }
0x152: {  	v44 =	vld [tilespmem:s4+$0xFFFFFFE0];
	v54 =	vmul.f32 v14, v48;
	v24 =	vmul.f32 v24, v43;
	v6 =	vadd.f32 v6, v7  }
0x153: {  	v31 =	vsub.f32 v61, v62;
	v53 =	vld [tilespmem:s0+$0x50];
	v8 =	vmul.f32 v29, v8;
	v14 =	vmul.f32 v14, v16  }
0x154: {  	v7 =	vld [tilespmem:s20+$0x50];
	v6 =	vadd.f32 v13, v6;
	v13 =	vsub.f32 v63, v49;
	v63 =	vmul.f32 v42, v39  }
0x155: {  	v61 =	vld [tilespmem:s4+$0xFFFFFFB0];
	v42 =	vmul.f32 v41, v40;
	v49 =	vmul.f32 v9, v46  }
0x156: {  	v9 =	vmul.f32 v9, v47;
	v57 =	vmul.f32 v31, v18;
	v41 =	vld [tilespmem:s20+$0xFFFFFFF0]  }
0x157: {  	v6 =	vadd.f32 v6, v11;
	v11 =	vmul.f32 v13, v22;
	v13 =	vmul.f32 v19, v2;
	v22 =	vld [tilespmem:s4+$0xFFFFFF60]  }
0x158: {  	v2 =	vmul.f32 v21, v2;
	v21 =	vld [tilespmem:s0+$0x10];
	v27 =	vadd.f32 v63, v42;
	v33 =	vsub.f32 v49, v51  }
0x159: {  	v9 =	vadd.f32 v10, v9;
	v10 =	vmul.f32 v12, v20;
	v63 =	vld [tilespmem:s4+$0xFFFFFFF0];
	v16 =	vmul.f32 v7, v16  }
0x15a: {  	v7 =	vmul.f32 v7, v48;
	v6 =	vadd.f32 v11, v6;
	v11 =	vld [tilespmem:s20+$0xFFFFFF20];
	v13 =	vsub.f32 v13, v50  }
0x15b: {  	v19 =	vld [tilespmem:s20+$0xFFFFFF60];
	v42 =	vmul.f32 v34, v30;
	v3 =	vadd.f32 v2, v3;
	v16 =	vsub.f32 v54, v16  }
0x15c: {  	v7 =	vadd.f32 v7, v14;
	v4 =	vadd.f32 v6, v4;
	v6 =	vld [tilespmem:s0+$0xFFFFFF90];
	v13 =	vmul.f32 v13, v26  }
0x15d: {  	v3 =	vmul.f32 v28, v3;
	v26 =	vld [tilespmem:s20+$0xFFFFFFE0];
	v28 =	vadd.f32 v60, v59;
	v16 =	vmul.f32 v16, v21  }
0x15e: {  	v7 =	vmul.f32 v53, v7;
	v53 =	vmul.f32 v41, v63;
	v2 =	vadd.f32 v13, v4;
	v13 =	vld [tilespmem:s20+$0xFFFFFFA0]  }
0x15f: {  	v43 =	vld [tilespmem:s0+$0x20];
	v4 =	vmul.f32 v25, v37;
	v25 =	vadd.f32 v56, v55;
	v59 =	vmul.f32 v11, v5  }
0x160: {  	v24 =	vadd.f32 $0.0e+00, v24;
	v51 =	vld [tilespmem:s0+$0xFFFFFF60];
	v11 =	vmul.f32 v11, v22;
	v5 =	vmul.f32 v19, v5  }
0x161: {  	v46 =	vld [tilespmem:s4+$0x30];
	v4 =	vsub.f32 v4, v52;
	v15 =	vmul.f32 v15, v25;
	v6 =	vmul.f32 v33, v6  }
0x162: {  	v50 =	vld [tilespmem:s0+$0xFFFFFF50];
	v33 =	vmul.f32 v26, v44;
	v5 =	vadd.f32 v5, v11;
	v11 =	vmul.f32 v26, v23  }
0x163: {  	v8 =	vadd.f32 $0.0e+00, v8;
	v52 =	vld [tilespmem:s0+$0xFFFFFFD0];
	v4 =	vmul.f32 v4, v38;
	v62 =	vmul.f32 v13, v23  }
0x164: {  	v12 =	vld [tilespmem:s4+$0xFFFFFF70];
	v15 =	vadd.f32 v24, v15;
	v13 =	vmul.f32 v13, v44;
	v44 =	vmul.f32 v45, v30  }
0x165: {  	v14 =	vld [tilespmem:s20+$0xFFFFFF30];
	v45 =	vmul.f32 v45, v32;
	v5 =	vmul.f32 v51, v5;
	v4 =	vadd.f32 $0.0e+00, v4  }
0x166: {  	v56 =	vld [tilespmem:s4+$0xFFFFFF30];
	v6 =	vadd.f32 v6, v15;
	v15 =	vmul.f32 v34, v32;
	v11 =	vadd.f32 v11, v13  }
0x167: {  	v47 =	vld [tilespmem:s4+$0x70];
	v13 =	vmul.f32 v50, v27;
	v4 =	vadd.f32 v4, v10;
	v10 =	vmul.f32 v17, v28  }
0x168: {  	v55 =	vld [tilespmem:s0+$0xFFFFFF20];
	v9 =	vmul.f32 v52, v9;
	v48 =	vadd.f32 v45, v42;
	v17 =	vsub.f32 v62, v33  }
0x169: {  	v49 =	vld [tilespmem:s20+$0x30];
	v15 =	vsub.f32 v15, v44;
	v8 =	vadd.f32 v8, v10;
	v10 =	vmul.f32 v19, v22  }
0x16a: {  	v60 =	vld [tilespmem:s0+$0xFFFFFFA0];
	v50 =	vmul.f32 v58, v12;
	v6 =	vadd.f32 v6, v9;
	v4 =	vadd.f32 v57, v4  }
0x16b: {  	v52 =	vld [tilespmem:s0+$0x60];
	v9 =	vmul.f32 v14, v56;
	v10 =	vsub.f32 v59, v10;
	v8 =	vadd.f32 v16, v8  }
0x16c: {  	v19 =	vmul.f32 v41, v61;
	v15 =	vmul.f32 v15, v43;
	v4 =	vadd.f32 v4, v13;
	v13 =	vld [tilespmem:s20+$0x70]  }
0x16d: {  	v54 =	vld [tilespmem:s0+$0xFFFFFF30];
	v10 =	vmul.f32 v10, v55;
	v7 =	vadd.f32 v8, v7;
	v8 =	vmul.f32 v14, v12  }
0x16e: {  	v9 =	vsub.f32 v9, v50;
	v12 =	vmul.f32 v58, v56;
	v14 =	vld [tilespmem:s0+$0xFFFFFFE0];
	v56 =	vmul.f32 v49, v46  }
0x16f: {  	v59 =	vld [tilespmem:s0+$0xFFFFFF70];
	v58 =	vmul.f32 v49, v47;
	v4 =	vadd.f32 v10, v4;
	v10 =	vmul.f32 v17, v60  }
0x170: {  	v55 =	vld [tilespmem:s0+$0xFFFFFFB0];
	v8 =	vadd.f32 v12, v8;
	v12 =	vmul.f32 v35, v61;
	v60 =	vmul.f32 v52, v48  }
0x171: {  	v57 =	vld [tilespmem:s0+$0x30];
	v7 =	vadd.f32 v15, v7;
	v16 =	vmul.f32 v13, v47;
	v13 =	vmul.f32 v13, v46  }
0x172: {  	v15 =	vld [tilespmem:s0+$0xFFFFFFF0];
	v6 =	vadd.f32 v10, v6;
	v10 =	vmul.f32 v35, v63;
	v12 =	vsub.f32 v12, v53  }
0x173: {  	v61 =	vld [tilespmem:s0+$0x70];
	v4 =	vadd.f32 v4, v5;
	v5 =	vmul.f32 v9, v54;
	v11 =	vmul.f32 v14, v11  }
0x174: {  	v7 =	vadd.f32 v7, v60;
	v8 =	vmul.f32 v59, v8;
	v14 =	vsub.f32 v56, v16  }
0x175: {  	v10 =	vadd.f32 v19, v10;
	v9 =	vmul.f32 v12, v55;
	v6 =	vadd.f32 v6, v11  }
0x176: {  	v13 =	vadd.f32 v13, v58;
	v4 =	vadd.f32 v5, v4;
	v5 =	vmul.f32 v14, v57  }
0x177: {  	(xrf2) =	vadd.scan.msk.f32 $0xffff, v1;
	v1 =	vadd.f32 v2, v3;
	v3 =	vmul.f32 v15, v10;
	v2 =	vadd.f32 v9, v6  }
0x178: {  	(xrf2) =	vadd.scan.msk.f32 $0xffff, v0;
	v4 =	vadd.f32 v4, v8;
	v0 =	vadd.f32 v5, v7;
	v5 =	vmul.f32 v61, v13  }
0x179: {  	s25 =	sadd.s32 $0x1, s31;
	(xrf2) =	vadd.scan.msk.f32 $0xffff, v1;
	v6 =	vmov s31;
	v1 =	vadd.f32 v2, v3  }
0x17a: {  	s31 =	sadd.s32 $0x2, s31;
	(xrf2) =	vadd.scan.msk.f32 $0xffff, v4;
	v2 =	vand.u32 $0xFFFFFFFC, v6;
	v3 =	vmov s25;
	v0 =	vadd.f32 v0, v5  }
0x17b: {  	v4 =	vmov s31;
	v2 =	vbroadcast v2, $0x0;
	v3 =	vand.u32 $0xFFFFFFFD, v3;
	(xrf2) =	vadd.scan.msk.f32 $0xffff, v1  }
0x17c: {  	s23 =	sadd.s32 $0x1, s30;
	v1 =	vbroadcast v3, $0x0;
	v3 =	vand.u32 $0xFFFFFFFE, v4;
	(xrf2) =	vadd.scan.msk.f32 $0xffff, v0  }
0x17d: {  	s24 =	sadd.s32 $0x2, s30;
	v5 =	vmov s23;
	v0 =	vbroadcast v3, $0x0;
	v3 =	vmov s30  }
0x17e: {  	s20 =	sadd.s32 $0x3, s30;
	v6 =	vmov s24;
	v5 =	vand.u32 $0xFFFFFFFD, v5;
	v3 =	vand.u32 $0xFFFFFFFC, v3  }
0x17f: {  	v6 =	vand.u32 $0xFFFFFFFE, v6;
	v4 =	vmov s20;
	v3 =	vbroadcast v3, $0x0  }
0x180: {  	v7, _, _ =	vpop (xrf2);
	v5 =	vbroadcast v5, $0x0  }
0x181: {  	v8, _, _ =	vpop (xrf2);
	[tilespmem:v2+s26+$0x0] =	vst.idx.msk vm0, v7;
	v2 =	vbroadcast v6, $0x0  }
0x182: {  	v6, _, _ =	vpop (xrf2);
	[tilespmem:v1+s26+$0x0] =	vst.idx.msk vm0, v8  }
0x183: {  	v1, _, _ =	vpop (xrf2);
	[tilespmem:v0+s26+$0x0] =	vst.idx.msk vm0, v6  }
0x184: {  	[tilespmem:v4+s26+$0x0] =	vst.idx.msk vm0, v1;
	v0, _, _ =	vpop (xrf2)  }
0x185: {  	[tilespmem:v3+s26+$0x0] =	vst.idx.msk vm0, v0;
	v0, _, _ =	vpop (xrf2)  }
0x186: {  	[tilespmem:v5+s26+$0x0] =	vst.idx.msk vm0, v0;
	v0, _, _ =	vpop (xrf2)  }
0x187: {  	[tilespmem:v2+s26+$0x0] =	vst.idx.msk vm0, v0  }
0x188: {  	_ =	swait.ge [sflag:s28], $0x4000  }
0x189: {  	[sflag:s28] =	ssyncset.done $0x0  }
0x18a: {  	[sflag:s28] =	ssyncadd.s32 $0xFFFFC000  }
0x18b: {  	_ =	swait.ge [sflag:s28], $0x4000  }
0x18c: {  	[sflag:s28] =	ssyncset.done $0x0  }
0x18d: {  	[sflag:s28] =	ssyncadd.s32 $0xFFFFC000  }
0x18e: {  	_ =	swait.ge [sflag:s28], $0x4000  }
0x18f: {  	[sflag:s28] =	ssyncset.done $0x0  }
0x190: {  	s31 =	simm.s32 $0x600;
	s25 =	simm.s32 $0x100;
	[sflag:s28] =	ssyncadd.s32 $0xFFFFC000  }
0x191: {  	[tilespmem:s31], [sflag:$0x1] =	stream.indirect.gather [hbm4b:s1+s22], $0x80, s25, s22, $0xb8;
	[tilespmem:$0x18800] =	vst v63  }
0x192: {  	s4 =	simm.s32 $0x300;
	s20 =	simm.s32 $0x8600  }
0x193: {  	[tilespmem:s20], [sflag:$0x1] =	stream.indirect.gather [hbm4b:s2+s22], $0x80, s4, s22, $0xb8;
	[tilespmem:$0x18800] =	vst v63  }
0x194: {  	s23 =	simm.s32 $0x500;
	s24 =	simm.s32 $0x10600;
	s25 =	simm.s32 $0x4700  }
0x195: {  	[tilespmem:s24], [sflag:$0x1] =	stream.indirect.gather [hbm4b:s1+s22], $0x80, s23, s22, $0xb8;
	[tilespmem:$0x18800] =	vst v63  }
0x196: {  	v0 =	vld [tilespmem:s25+$0xB0]  }
0x197: {  	v1 =	vld [tilespmem:s25+$0xF0]  }
0x198: {  	v2 =	vld [tilespmem:s25+$0xA0]  }
0x199: {  	s0 =	simm.s32 $0x14700;
	v3 =	vld [tilespmem:s25+$0xE0]  }
0x19a: {  	v4 =	vld [tilespmem:s0+$0x80]  }
0x19b: {  	v5 =	vld [tilespmem:s25+$0x80]  }
0x19c: {  	s30 =	simm.s32 $0xC700;
	v6 =	vld [tilespmem:s25+$0xC0]  }
0x19d: {  	v7 =	vld [tilespmem:s30+$0x80]  }
0x19e: {  	v8 =	vld [tilespmem:s30+$0xC0]  }
0x19f: {  	v9 =	vld [tilespmem:s25+$0x90]  }
0x1a0: {  	v10 =	vld [tilespmem:s25+$0xD0]  }
0x1a1: {  	v11 =	vld [tilespmem:s30+$0x90]  }
0x1a2: {  	v12 =	vld [tilespmem:s30+$0xD0]  }
0x1a3: {  	v13 =	vld [tilespmem:s30+$0xA0]  }
0x1a4: {  	v14 =	vld [tilespmem:s0+$0xC0]  }
0x1a5: {  	v15 =	vld [tilespmem:s30+$0xE0]  }
0x1a6: {  	v16 =	vld [tilespmem:s0+$0x90]  }
0x1a7: {  	v17 =	vld [tilespmem:s30+$0xB0]  }
0x1a8: {  	v18 =	vld [tilespmem:s0+$0xD0]  }
0x1a9: {  	v19 =	vld [tilespmem:s30+$0xF0]  }
0x1aa: {  	v20 =	vld [tilespmem:s0+$0xA0]  }
0x1ab: {  	v21 =	vld [tilespmem:s25+$0xFFFFFF40]  }
0x1ac: {  	v22 =	vld [tilespmem:s0+$0xE0]  }
0x1ad: {  	v23 =	vld [tilespmem:s30+$0xFFFFFF00]  }
0x1ae: {  	v62 =	vld [tilespmem:s0+$0xB0]  }
0x1af: {  	v25 =	vld [tilespmem:s30+$0xFFFFFF40]  }
0x1b0: {  	v63 =	vld [tilespmem:s0+$0xF0]  }
0x1b1: {  	v45 =	vld [tilespmem:s25+$0xFFFFFF80]  }
0x1b2: {  	v46 =	vld [tilespmem:s25+$0xFFFFFFC0]  }
0x1b3: {  	v47 =	vld [tilespmem:s30+$0xFFFFFF80]  }
0x1b4: {  	v48 =	vld [tilespmem:s30+$0xFFFFFFC0]  }
0x1b5: {  	v49 =	vld [tilespmem:s25+$0x0]  }
0x1b6: {  	v50 =	vld [tilespmem:s25+$0x40]  }
0x1b7: {  	v51 =	vld [tilespmem:s30+$0x0]  }
0x1b8: {  	v52 =	vld [tilespmem:s30+$0x40]  }
0x1b9: {  	v53 =	vld [tilespmem:s25+$0xFFFFFF00]  }
0x1ba: {  	v54 =	vld [tilespmem:s0+$0xFFFFFF00]  }
0x1bb: {  	v55 =	vld [tilespmem:s25+$0xFFFFFF10]  }
0x1bc: {  	v38 =	vld [tilespmem:s25+$0xFFFFFF50]  }
0x1bd: {  	v56 =	vld [tilespmem:s30+$0xFFFFFF10]  }
0x1be: {  	v59 =	vld [tilespmem:s30+$0xFFFFFF50]  }
0x1bf: {  	v60 =	vld [tilespmem:s0+$0xFFFFFF80]  }
0x1c0: {  	v41 =	vld [tilespmem:s25+$0xFFFFFFD0];
	v57 =	vmul.f32 v7, v5;
	v58 =	vmul.f32 v8, v6  }
0x1c1: {  	v61 =	vld [tilespmem:s30+$0xFFFFFF90]  }
0x1c2: {  	v24 =	vld [tilespmem:s25+$0xFFFFFFA0];
	v5 =	vmul.f32 v8, v5;
	v6 =	vmul.f32 v7, v6;
	v40 =	vsub.f32 v57, v58  }
0x1c3: {  	v27 =	vld [tilespmem:s25+$0xFFFFFFE0];
	v8 =	vmul.f32 v11, v9  }
0x1c4: {  	v42 =	vld [tilespmem:s30+$0xFFFFFF30];
	v5 =	vadd.f32 v5, v6;
	v6 =	vmul.f32 v12, v10;
	v4 =	vmul.f32 v40, v4  }
0x1c5: {  	v7 =	vld [tilespmem:s25+$0xFFFFFF90];
	v9 =	vmul.f32 v12, v9;
	v10 =	vmul.f32 v11, v10  }
0x1c6: {  	v11 =	vld [tilespmem:s30+$0xFFFFFFD0];
	v5 =	vmul.f32 v14, v5;
	v6 =	vsub.f32 v8, v6;
	v4 =	vadd.f32 $0.0e+00, v4  }
0x1c7: {  	v44 =	vmul.f32 v48, v46;
	v12 =	vld [tilespmem:s25+$0x10];
	v14 =	vmul.f32 v15, v3  }
0x1c8: {  	v57 =	vld [tilespmem:s25+$0x60];
	v3 =	vmul.f32 v13, v3;
	v4 =	vadd.f32 v4, v5;
	v5 =	vmul.f32 v6, v16  }
0x1c9: {  	v8 =	vld [tilespmem:s0+$0x0];
	v6 =	vadd.f32 v9, v10;
	v10 =	vmul.f32 v13, v2;
	v2 =	vmul.f32 v15, v2  }
0x1ca: {  	v40 =	vld [tilespmem:s0+$0xFFFFFF20];
	v15 =	vmul.f32 v19, v1;
	v1 =	vmul.f32 v17, v1  }
0x1cb: {  	v9 =	vld [tilespmem:s25+$0x50];
	v4 =	vadd.f32 v5, v4;
	v5 =	vmul.f32 v18, v6;
	v10 =	vsub.f32 v10, v14  }
0x1cc: {  	v16 =	vld [tilespmem:s30+$0x10];
	v14 =	vmul.f32 v17, v0;
	v2 =	vadd.f32 v2, v3;
	v0 =	vmul.f32 v19, v0  }
0x1cd: {  	v58 =	vmul.f32 v61, v7;
	v13 =	vld [tilespmem:s0+$0xFFFFFF40];
	v4 =	vadd.f32 v4, v5;
	v10 =	vmul.f32 v10, v20  }
0x1ce: {  	v7 =	vmul.f32 v11, v7;
	v6 =	vld [tilespmem:s30+$0x50];
	v2 =	vmul.f32 v22, v2;
	v0 =	vadd.f32 v0, v1  }
0x1cf: {  	v3 =	vld [tilespmem:s0+$0x40];
	v4 =	vadd.f32 v10, v4;
	v10 =	vsub.f32 v14, v15;
	v15 =	vmul.f32 v23, v21  }
0x1d0: {  	v17 =	vld [tilespmem:s0+$0xFFFFFF10];
	v0 =	vmul.f32 v63, v0;
	v63 =	vmul.f32 v47, v46  }
0x1d1: {  	v19 =	vld [tilespmem:s30+$0xFFFFFF60];
	v23 =	vmul.f32 v23, v53;
	v46 =	vmul.f32 v51, v50  }
0x1d2: {  	v5 =	vld [tilespmem:s0+$0xFFFFFFC0];
	v2 =	vadd.f32 v4, v2;
	v4 =	vmul.f32 v10, v62;
	v62 =	vmul.f32 v25, v21  }
0x1d3: {  	v1 =	vld [tilespmem:s25+$0xFFFFFF60];
	v25 =	vmul.f32 v25, v53;
	v53 =	vmul.f32 v59, v38  }
0x1d4: {  	v14 =	vld [tilespmem:s25+$0xFFFFFF20];
	v2 =	vadd.f32 v4, v2;
	v4 =	vmul.f32 v47, v45;
	v47 =	vmul.f32 v52, v50  }
0x1d5: {  	v10 =	vld [tilespmem:s30+$0xFFFFFF20];
	v18 =	vsub.f32 v23, v62;
	v62 =	vmul.f32 v16, v12;
	v16 =	vmul.f32 v16, v9  }
0x1d6: {  	v21 =	vld [tilespmem:s0+$0xFFFFFF90];
	v9 =	vmul.f32 v6, v9;
	v6 =	vmul.f32 v6, v12  }
0x1d7: {  	v50 =	vld [tilespmem:s30+$0xFFFFFFE0];
	v0 =	vadd.f32 v2, v0;
	v2 =	vmul.f32 v48, v45;
	v45 =	vmul.f32 v51, v49  }
0x1d8: {  	v12 =	vld [tilespmem:s0+$0xFFFFFFD0];
	v49 =	vmul.f32 v52, v49;
	v18 =	vmul.f32 v18, v54  }
0x1d9: {  	v15 =	vadd.f32 v25, v15;
	v48 =	vld [tilespmem:s30+$0xFFFFFFA0];
	v51 =	vmul.f32 v56, v55;
	v54 =	vmul.f32 v59, v55  }
0x1da: {  	v4 =	vsub.f32 v4, v44;
	v52 =	vld [tilespmem:s0+$0x10];
	v56 =	vmul.f32 v56, v38;
	v59 =	vmul.f32 v61, v41  }
0x1db: {  	v55 =	vld [tilespmem:s25+$0x20];
	v61 =	vmul.f32 v11, v41;
	v9 =	vsub.f32 v62, v9;
	v6 =	vadd.f32 v6, v16  }
0x1dc: {  	v11 =	vld [tilespmem:s30+$0x60];
	v13 =	vmul.f32 v13, v15;
	v2 =	vadd.f32 v2, v63;
	v26 =	vsub.f32 v45, v47  }
0x1dd: {  	v15 =	vld [tilespmem:s0+$0x50];
	v22 =	vadd.f32 v49, v46;
	v4 =	vmul.f32 v4, v60;
	v20 =	vsub.f32 v51, v53  }
0x1de: {  	v41 =	vld [tilespmem:s25+$0xFFFFFF70];
	v28 =	vadd.f32 v54, v56;
	v25 =	vsub.f32 v58, v61;
	v46 =	vmul.f32 v50, v27  }
0x1df: {  	v60 =	vld [tilespmem:s30+$0x20];
	v7 =	vadd.f32 v7, v59;
	v8 =	vmul.f32 v26, v8;
	v2 =	vmul.f32 v5, v2  }
0x1e0: {  	v18 =	vadd.f32 $0.0e+00, v18;
	v47 =	vld [tilespmem:s25+$0xFFFFFFB0];
	v3 =	vmul.f32 v3, v22;
	v17 =	vmul.f32 v20, v17  }
0x1e1: {  	v53 =	vld [tilespmem:s30+$0xFFFFFFF0];
	(xrf2) =	vadd.scan.msk.f32 $0xffff, v0;
	v4 =	vadd.f32 $0.0e+00, v4;
	v43 =	vmul.f32 v25, v21;
	v0 =	vmul.f32 v12, v7  }
0x1e2: {  	v63 =	vld [tilespmem:s0+$0xFFFFFF50];
	v5 =	vadd.f32 v18, v13;
	v44 =	vmul.f32 v48, v24;
	v9 =	vmul.f32 v9, v52  }
0x1e3: {  	v45 =	vld [tilespmem:s0+$0xFFFFFFA0];
	v52 =	vmul.f32 v11, v57;
	v11 =	vmul.f32 v11, v55;
	v8 =	vadd.f32 $0.0e+00, v8  }
0x1e4: {  	v51 =	vld [tilespmem:s30+$0xFFFFFFB0];
	v2 =	vadd.f32 v4, v2;
	v4 =	vmul.f32 v10, v14;
	v10 =	vmul.f32 v10, v1  }
0x1e5: {  	v13 =	vld [tilespmem:s25+$0xFFFFFF30];
	v1 =	vmul.f32 v19, v1;
	v5 =	vadd.f32 v17, v5;
	v49 =	vmul.f32 v60, v55  }
0x1e6: {  	v59 =	vmul.f32 v53, v47;
	v3 =	vadd.f32 v8, v3;
	v8 =	vmul.f32 v19, v14;
	v14 =	vld [tilespmem:s30+$0xFFFFFF70]  }
0x1e7: {  	v1 =	vsub.f32 v4, v1;
	v4 =	vmul.f32 v48, v27;
	v48 =	vld [tilespmem:s25+$0xFFFFFFF0];
	v2 =	vadd.f32 v43, v2  }
0x1e8: {  	v56 =	vld [tilespmem:s0+$0xFFFFFFE0];
	v19 =	vsub.f32 v44, v46;
	v8 =	vadd.f32 v8, v10;
	v10 =	vmul.f32 v50, v24  }
0x1e9: {  	v54 =	vld [tilespmem:s30+$0x30];
	v50 =	vmul.f32 v60, v57;
	v3 =	vadd.f32 v9, v3;
	v1 =	vmul.f32 v1, v40  }
0x1ea: {  	v9 =	vld [tilespmem:s0+$0x20];
	v2 =	vadd.f32 v2, v0;
	v10 =	vadd.f32 v10, v4;
	v4 =	vmul.f32 v63, v28  }
0x1eb: {  	v0 =	vmul.f32 v42, v13;
	v12 =	vadd.f32 v11, v50;
	v11 =	vld [tilespmem:s25+$0x30];
	v13 =	vmul.f32 v14, v13  }
0x1ec: {  	v58 =	vmul.f32 v53, v48;
	v4 =	vadd.f32 v5, v4;
	v5 =	vmul.f32 v15, v6;
	v6 =	vld [tilespmem:s25+$0x70]  }
0x1ed: {  	v7 =	vsub.f32 v49, v52;
	v15 =	vmul.f32 v14, v41;
	v14 =	vld [tilespmem:s30+$0x70];
	v10 =	vmul.f32 v56, v10  }
0x1ee: {  	s31 =	simm.s32 $0x83;
	v3 =	vadd.f32 v3, v5;
	v5 =	vmul.f32 v42, v41;
	v55 =	vadd.f32 v1, v4;
	v4 =	vld [tilespmem:s0+$0xFFFFFF60]  }
0x1ef: {  	v57 =	vmov s31;
	v60 =	vld [tilespmem:s0+$0x60];
	v7 =	vmul.f32 v7, v9;
	v1 =	vmul.f32 v19, v45  }
0x1f0: {  	v15 =	vsub.f32 v0, v15;
	v0 =	vadd.f32 v13, v5;
	v5 =	vmul.f32 v51, v47  }
0x1f1: {  	v62 =	vld [tilespmem:s0+$0xFFFFFF30];
	v9 =	vmul.f32 v54, v11;
	v13 =	vmul.f32 v51, v48;
	v61 =	vadd.f32 v1, v2  }
0x1f2: {  	v16 =	vmul.f32 v54, v6;
	v63 =	vmul.f32 v14, v6;
	v2 =	vsub.f32 v5, v58;
	v5 =	vld [tilespmem:s0+$0xFFFFFFB0]  }
0x1f3: {  	v11 =	vmul.f32 v14, v11;
	v6 =	vld [tilespmem:s0+$0x30];
	v1 =	vadd.f32 v59, v13;
	v8 =	vmul.f32 v4, v8  }
0x1f4: {  	v14 =	vmul.f32 v60, v12;
	v12 =	vadd.f32 v61, v10;
	v4 =	vadd.f32 v7, v3;
	v7 =	vld [tilespmem:s0+$0xFFFFFF70]  }
0x1f5: {  	v3 =	vadd.f32 v11, v16;
	v13, _, _ =	vpop (xrf2);
	v11 =	vadd.f32 v55, v8;
	v8 =	vld [tilespmem:s0+$0xFFFFFFF0]  }
0x1f6: {  	s4 =	simm.s32 $0xFFFFFFFC;
	s20 =	simm.s32 $0x0;
	s23 =	simm.s32 $0x4900;
	v10 =	vld [tilespmem:s0+$0x70];
	v9 =	vsub.f32 v9, v63;
	[tilespmem:v57+s26+$0x0] =	vst.idx.msk vm0, v13;
	v13 =	vmul.f32 v15, v62  }
.LBB2_4:
0x1f7: {  	v15 =	vld [tilespmem:s23+$0xB0];
	v2 =	vmul.f32 v2, v5;
	v4 =	vadd.f32 v4, v14;
	s24 =	smov.u32 s20  }
0x1f8: {  	v5 =	vld [tilespmem:s23+$0xF0];
	v11 =	vadd.f32 v13, v11;
	v6 =	vmul.f32 v9, v6  }
0x1f9: {  	v9 =	vld [tilespmem:s23+$0xA0];
	v0 =	vmul.f32 v7, v0;
	v2 =	vadd.f32 v2, v12  }
0x1fa: {  	s0 =	sadd.s32 $0x200, s0;
	v7 =	vld [tilespmem:s23+$0xE0];
	v1 =	vmul.f32 v8, v1;
	v4 =	vadd.f32 v6, v4  }
0x1fb: {  	v6 =	vld [tilespmem:s0+$0x80];
	v0 =	vadd.f32 v11, v0;
	v3 =	vmul.f32 v10, v3  }
0x1fc: {  	v8 =	vld [tilespmem:s23+$0x80];
	v1 =	vadd.f32 v2, v1  }
0x1fd: {  	s30 =	sadd.s32 $0x200, s30;
	v2 =	vld [tilespmem:s23+$0xC0];
	v3 =	vadd.f32 v4, v3;
	(xrf2) =	vadd.scan.msk.f32 $0xffff, v0  }
0x1fe: {  	v0 =	vld [tilespmem:s30+$0x80]  }
0x1ff: {  	s20 =	sadd.s32 $0x4, s20;
	v4 =	vld [tilespmem:s30+$0xC0]  }
0x200: {  	s25 =	sadd.s32 $0x84, s4;
	p0 =	slt.u32 s20, $0x7C;
	v10 =	vld [tilespmem:s23+$0x90];
	(xrf2) =	vadd.scan.msk.f32 $0xffff, v1  }
0x201: {  	v11 =	vmov s25;
	v1 =	vld [tilespmem:s23+$0xD0]  }
0x202: {  	s31 =	sadd.s32 $0x86, s4;
	s25 =	sadd.s32 $0x85, s4;
	s4 =	smov.u32 s24;
	v11 =	vand.u32 $0xFFFFFFFC, v11;
	v12 =	vld [tilespmem:s30+$0x90]  }
0x203: {  	v16 =	vmov s31;
	v14 =	vmov s25;
	v11 =	vbroadcast v11, $0x0;
	v13 =	vld [tilespmem:s30+$0xD0];
	(xrf2) =	vadd.scan.msk.f32 $0xffff, v3  }
0x204: {  	v14 =	vand.u32 $0xFFFFFFFD, v14;
	v3 =	vmul.f32 v0, v8;
	v17 =	vmul.f32 v4, v2;
	v18 =	vld [tilespmem:s30+$0xA0]  }
0x205: {  	v16 =	vand.u32 $0xFFFFFFFE, v16;
	v14 =	vbroadcast v14, $0x0;
	v19 =	vld [tilespmem:s0+$0xC0]  }
0x206: {  	v0 =	vmul.f32 v0, v2;
	v4 =	vmul.f32 v4, v8;
	v3 =	vsub.f32 v3, v17;
	v2 =	vld [tilespmem:s30+$0xE0]  }
0x207: {  	v16 =	vbroadcast v16, $0x0;
	v8 =	vld [tilespmem:s0+$0x90];
	v17 =	vmul.f32 v12, v10;
	v20, _, _ =	vpop (xrf2)  }
0x208: {  	v0 =	vadd.f32 v4, v0;
	v3 =	vmul.f32 v3, v6;
	v4 =	vmul.f32 v13, v1;
	v6 =	vld [tilespmem:s30+$0xB0]  }
0x209: {  	v10 =	vmul.f32 v13, v10;
	v1 =	vmul.f32 v12, v1;
	v21 =	vld [tilespmem:s0+$0xD0];
	[tilespmem:v11+s26+$0x0] =	vst.idx.msk vm0, v20  }
0x20a: {  	v3 =	vadd.f32 $0.0e+00, v3;
	v0 =	vmul.f32 v19, v0;
	v4 =	vsub.f32 v17, v4;
	v11 =	vld [tilespmem:s30+$0xF0];
	v12, _, _ =	vpop (xrf2)  }
0x20b: {  	v17 =	vmul.f32 v18, v9;
	v13 =	vld [tilespmem:s0+$0xA0];
	v19 =	vmul.f32 v2, v7;
	[tilespmem:v14+s26+$0x0] =	vst.idx.msk vm0, v12  }
0x20c: {  	v1 =	vadd.f32 v10, v1;
	v12 =	vld [tilespmem:s23+$0xFFFFFF40];
	v0 =	vadd.f32 v3, v0;
	v3 =	vmul.f32 v4, v8  }
0x20d: {  	v2 =	vmul.f32 v2, v9;
	v7 =	vmul.f32 v18, v7;
	v4 =	vld [tilespmem:s0+$0xE0];
	v8, _, _ =	vpop (xrf2)  }
0x20e: {  	v9 =	vld [tilespmem:s30+$0xFFFFFF00];
	v0 =	vadd.f32 v3, v0;
	v1 =	vmul.f32 v21, v1;
	v3 =	vsub.f32 v17, v19  }
0x20f: {  	v14 =	vmul.f32 v6, v15;
	v10 =	vld [tilespmem:s0+$0xB0];
	v17 =	vmul.f32 v11, v5;
	[tilespmem:v16+s26+$0x0] =	vst.idx.msk vm0, v8  }
0x210: {  	v2 =	vadd.f32 v2, v7;
	v8 =	vld [tilespmem:s30+$0xFFFFFF40];
	v0 =	vadd.f32 v0, v1;
	v1 =	vmul.f32 v3, v13  }
0x211: {  	v7 =	vmul.f32 v11, v15;
	v5 =	vmul.f32 v6, v5;
	v3 =	vld [tilespmem:s0+$0xF0]  }
0x212: {  	v6 =	vld [tilespmem:s23+$0xFFFFFF80];
	v0 =	vadd.f32 v1, v0;
	v1 =	vmul.f32 v4, v2;
	v2 =	vsub.f32 v14, v17  }
0x213: {  	v4 =	vmul.f32 v9, v12;
	v11 =	vld [tilespmem:s23+$0xFFFFFFC0]  }
0x214: {  	v13 =	vld [tilespmem:s30+$0xFFFFFF80];
	v0 =	vadd.f32 v0, v1;
	v1 =	vmul.f32 v2, v10;
	v2 =	vadd.f32 v7, v5  }
0x215: {  	v5 =	vmul.f32 v8, v12;
	v7 =	vld [tilespmem:s30+$0xFFFFFFC0]  }
0x216: {  	v10 =	vld [tilespmem:s23+$0x0];
	v0 =	vadd.f32 v1, v0;
	v1 =	vmul.f32 v3, v2  }
0x217: {  	v2 =	vld [tilespmem:s23+$0x40]  }
0x218: {  	v3 =	vld [tilespmem:s30+$0x0];
	v0 =	vadd.f32 v0, v1  }
0x219: {  	v1 =	vmul.f32 v13, v6;
	v12 =	vmul.f32 v13, v11;
	v13 =	vld [tilespmem:s30+$0x40]  }
0x21a: {  	v14 =	vld [tilespmem:s23+$0xFFFFFF00];
	v11 =	vmul.f32 v7, v11;
	v6 =	vmul.f32 v7, v6;
	(xrf2) =	vadd.scan.msk.f32 $0xffff, v0  }
0x21b: {  	v0 =	vld [tilespmem:s0+$0xFFFFFF00]  }
0x21c: {  	v7 =	vld [tilespmem:s23+$0xFFFFFF10];
	v1 =	vsub.f32 v1, v11;
	v6 =	vadd.f32 v6, v12  }
0x21d: {  	v11 =	vld [tilespmem:s23+$0xFFFFFF50];
	v12 =	vmul.f32 v3, v10;
	v3 =	vmul.f32 v3, v2  }
0x21e: {  	v15 =	vld [tilespmem:s30+$0xFFFFFF10];
	v2 =	vmul.f32 v13, v2;
	v10 =	vmul.f32 v13, v10  }
0x21f: {  	s24 =	sadd.s32 $0x87, s4;
	v9 =	vmul.f32 v9, v14;
	v8 =	vmul.f32 v8, v14;
	v13 =	vld [tilespmem:s30+$0xFFFFFF50]  }
0x220: {  	v14 =	vld [tilespmem:s0+$0xFFFFFF80];
	v2 =	vsub.f32 v12, v2;
	v3 =	vadd.f32 v10, v3;
	v10 =	vmov s24  }
0x221: {  	v5 =	vsub.f32 v9, v5;
	v4 =	vadd.f32 v8, v4;
	v8 =	vld [tilespmem:s23+$0xFFFFFF90]  }
0x222: {  	v9 =	vld [tilespmem:s23+$0xFFFFFFD0]  }
0x223: {  	v0 =	vmul.f32 v5, v0;
	v5 =	vmul.f32 v15, v7;
	v12 =	vld [tilespmem:s30+$0xFFFFFF90]  }
0x224: {  	v16 =	vmul.f32 v13, v11;
	v7 =	vmul.f32 v13, v7;
	v13 =	vld [tilespmem:s30+$0xFFFFFFD0];
	v17, _, _ =	vpop (xrf2)  }
0x225: {  	v11 =	vmul.f32 v15, v11;
	v0 =	vadd.f32 $0.0e+00, v0;
	v1 =	vmul.f32 v1, v14;
	v14 =	vld [tilespmem:s0+$0x0];
	[tilespmem:v10+s26+$0x0] =	vst.idx.msk vm0, v17  }
0x226: {  	v5 =	vsub.f32 v5, v16;
	v10 =	vld [tilespmem:s23+$0x10]  }
0x227: {  	v7 =	vadd.f32 v7, v11;
	v1 =	vadd.f32 $0.0e+00, v1;
	v11 =	vld [tilespmem:s23+$0x50]  }
0x228: {  	v15 =	vmul.f32 v12, v8;
	v12 =	vmul.f32 v12, v9;
	v16 =	vld [tilespmem:s30+$0x10]  }
0x229: {  	v9 =	vmul.f32 v13, v9;
	v8 =	vmul.f32 v13, v8;
	v13 =	vld [tilespmem:s30+$0x50]  }
0x22a: {  	v17 =	vld [tilespmem:s0+$0xFFFFFF40];
	v2 =	vmul.f32 v2, v14  }
0x22b: {  	v14 =	vld [tilespmem:s0+$0xFFFFFFC0];
	v9 =	vsub.f32 v15, v9;
	v8 =	vadd.f32 v8, v12  }
0x22c: {  	v12 =	vld [tilespmem:s0+$0x40];
	v2 =	vadd.f32 $0.0e+00, v2  }
0x22d: {  	v15 =	vld [tilespmem:s0+$0xFFFFFF10];
	v18 =	vmul.f32 v16, v10;
	v16 =	vmul.f32 v16, v11  }
0x22e: {  	v19 =	vld [tilespmem:s23+$0xFFFFFF20];
	v11 =	vmul.f32 v13, v11;
	v10 =	vmul.f32 v13, v10  }
0x22f: {  	v4 =	vmul.f32 v17, v4;
	v13 =	vld [tilespmem:s23+$0xFFFFFF60]  }
0x230: {  	v17 =	vld [tilespmem:s30+$0xFFFFFF20];
	v6 =	vmul.f32 v14, v6;
	v11 =	vsub.f32 v18, v11;
	v10 =	vadd.f32 v10, v16  }
0x231: {  	v0 =	vadd.f32 v0, v4;
	v4 =	vld [tilespmem:s30+$0xFFFFFF60];
	v3 =	vmul.f32 v12, v3  }
0x232: {  	v5 =	vmul.f32 v5, v15;
	v1 =	vadd.f32 v1, v6;
	v6 =	vld [tilespmem:s0+$0xFFFFFF90]  }
0x233: {  	v12 =	vld [tilespmem:s23+$0xFFFFFFA0];
	v2 =	vadd.f32 v2, v3  }
0x234: {  	v0 =	vadd.f32 v5, v0;
	v3 =	vld [tilespmem:s23+$0xFFFFFFE0]  }
0x235: {  	v5 =	vmul.f32 v17, v19;
	v14 =	vmul.f32 v17, v13;
	v15 =	vld [tilespmem:s30+$0xFFFFFFA0]  }
0x236: {  	v13 =	vmul.f32 v4, v13;
	v4 =	vmul.f32 v4, v19;
	v16 =	vld [tilespmem:s30+$0xFFFFFFE0]  }
0x237: {  	v6 =	vmul.f32 v9, v6;
	v9 =	vld [tilespmem:s0+$0x10]  }
0x238: {  	v5 =	vsub.f32 v5, v13;
	v13 =	vadd.f32 v4, v14;
	v4 =	vld [tilespmem:s23+$0x20]  }
0x239: {  	v1 =	vadd.f32 v6, v1;
	v6 =	vld [tilespmem:s23+$0x60]  }
0x23a: {  	v14 =	vmul.f32 v15, v12;
	v15 =	vmul.f32 v15, v3;
	v17 =	vld [tilespmem:s30+$0x20]  }
0x23b: {  	v3 =	vmul.f32 v16, v3;
	v12 =	vmul.f32 v16, v12;
	v16 =	vld [tilespmem:s30+$0x60]  }
0x23c: {  	v18 =	vld [tilespmem:s0+$0xFFFFFF50];
	v9 =	vmul.f32 v11, v9  }
0x23d: {  	v11 =	vld [tilespmem:s0+$0xFFFFFFD0];
	v3 =	vsub.f32 v14, v3;
	v12 =	vadd.f32 v12, v15  }
0x23e: {  	v14 =	vld [tilespmem:s0+$0x50];
	v2 =	vadd.f32 v9, v2  }
0x23f: {  	v9 =	vld [tilespmem:s0+$0xFFFFFF20];
	v15 =	vmul.f32 v17, v4;
	v17 =	vmul.f32 v17, v6  }
0x240: {  	v19 =	vld [tilespmem:s23+$0xFFFFFF30];
	v6 =	vmul.f32 v16, v6;
	v4 =	vmul.f32 v16, v4  }
0x241: {  	v7 =	vmul.f32 v18, v7;
	v16 =	vld [tilespmem:s23+$0xFFFFFF70]  }
0x242: {  	v18 =	vld [tilespmem:s30+$0xFFFFFF30];
	v8 =	vmul.f32 v11, v8;
	v6 =	vsub.f32 v15, v6;
	v15 =	vadd.f32 v4, v17  }
0x243: {  	v0 =	vadd.f32 v0, v7;
	v4 =	vld [tilespmem:s30+$0xFFFFFF70];
	v7 =	vmul.f32 v14, v10  }
0x244: {  	v5 =	vmul.f32 v5, v9;
	v1 =	vadd.f32 v1, v8;
	v8 =	vld [tilespmem:s0+$0xFFFFFFA0]  }
0x245: {  	v9 =	vld [tilespmem:s23+$0xFFFFFFB0];
	v7 =	vadd.f32 v2, v7  }
0x246: {  	v10 =	vadd.f32 v5, v0;
	v2 =	vld [tilespmem:s23+$0xFFFFFFF0]  }
0x247: {  	v0 =	vmul.f32 v18, v19;
	v5 =	vmul.f32 v18, v16;
	v11 =	vld [tilespmem:s30+$0xFFFFFFB0]  }
0x248: {  	v14 =	vmul.f32 v4, v16;
	v4 =	vmul.f32 v4, v19;
	v16 =	vld [tilespmem:s30+$0xFFFFFFF0]  }
0x249: {  	v3 =	vmul.f32 v3, v8;
	v8 =	vld [tilespmem:s0+$0x20]  }
0x24a: {  	v17 =	vsub.f32 v0, v14;
	v0 =	vadd.f32 v4, v5;
	v14 =	vld [tilespmem:s23+$0x30]  }
0x24b: {  	v18 =	vadd.f32 v3, v1;
	v3 =	vld [tilespmem:s23+$0x70]  }
0x24c: {  	v1 =	vmul.f32 v11, v9;
	v4 =	vmul.f32 v11, v2;
	v5 =	vld [tilespmem:s30+$0x30]  }
0x24d: {  	v2 =	vmul.f32 v16, v2;
	v9 =	vmul.f32 v16, v9;
	v11 =	vld [tilespmem:s30+$0x70]  }
0x24e: {  	v16 =	vld [tilespmem:s0+$0xFFFFFF60];
	v6 =	vmul.f32 v6, v8  }
0x24f: {  	v8 =	vld [tilespmem:s0+$0xFFFFFFE0];
	v2 =	vsub.f32 v1, v2;
	v1 =	vadd.f32 v9, v4  }
0x250: {  	v19 =	vld [tilespmem:s0+$0x60];
	v4 =	vadd.f32 v6, v7  }
0x251: {  	v20 =	vld [tilespmem:s0+$0xFFFFFF30];
	v9 =	vmul.f32 v5, v14;
	v21 =	vmul.f32 v5, v3  }
.Ltmp1:
0x252: {  	v5 =	vld [tilespmem:s0+$0xFFFFFFB0];
	v3 =	vmul.f32 v11, v3;
	v11 =	vmul.f32 v11, v14;
	(pc) =	sbr.rel @p0 .LBB2_4-.Ltmp1, $4  }
0x253: {  	v13 =	vmul.f32 v16, v13;
	v6 =	vld [tilespmem:s0+$0x30]  }
0x254: {  	v7 =	vld [tilespmem:s0+$0xFFFFFF70];
	v12 =	vmul.f32 v8, v12;
	v9 =	vsub.f32 v9, v3;
	v3 =	vadd.f32 v11, v21  }
0x255: {  	v11 =	vadd.f32 v10, v13;
	v8 =	vld [tilespmem:s0+$0xFFFFFFF0];
	v14 =	vmul.f32 v19, v15  }
0x256: {  	s23 =	sadd.s32 $0x200, s23;
	v13 =	vmul.f32 v17, v20;
	v12 =	vadd.f32 v18, v12;
	v10 =	vld [tilespmem:s0+$0x70]  }
0x257: {  	_ = 	snop  }
0x258: {  	v2 =	vmul.f32 v2, v5;
	v4 =	vadd.f32 v4, v14  }
0x259: {  	v5 =	vadd.f32 v13, v11;
	v6 =	vmul.f32 v9, v6;
	v0 =	vmul.f32 v7, v0  }
0x25a: {  	v2 =	vadd.f32 v2, v12;
	v1 =	vmul.f32 v8, v1  }
0x25b: {  	v4 =	vadd.f32 v6, v4;
	v0 =	vadd.f32 v5, v0;
	v3 =	vmul.f32 v10, v3  }
0x25c: {  	v1 =	vadd.f32 v2, v1  }
0x25d: {  	v2 =	vadd.f32 v4, v3;
	(xrf2) =	vadd.scan.msk.f32 $0xffff, v0  }
0x25e: {  	(xrf2) =	vadd.scan.msk.f32 $0xffff, v1  }
0x25f: {  	s0 =	sadd.s32 $0x84, s4;
	(xrf2) =	vadd.scan.msk.f32 $0xffff, v2  }
0x260: {  	s23 =	sadd.s32 $0x85, s4;
	v0 =	vmov s0  }
0x261: {  	s24 =	sadd.s32 $0x86, s4;
	v0 =	vand.u32 $0xFFFFFFFC, v0;
	v1 =	vmov s23  }
0x262: {  	v0 =	vbroadcast v0, $0x0;
	v2 =	vmov s24;
	v1 =	vand.u32 $0xFFFFFFFD, v1  }
0x263: {  	v1 =	vbroadcast v1, $0x0;
	v2 =	vand.u32 $0xFFFFFFFE, v2  }
0x264: {  	v2 =	vbroadcast v2, $0x0;
	_ =	sdelay $0x2  }
0x265: {  	v3, _, _ =	vpop (xrf2)  }
0x266: {  	[tilespmem:v0+s26+$0x0] =	vst.idx.msk vm0, v3;
	v0, _, _ =	vpop (xrf2)  }
0x267: {  	[tilespmem:v1+s26+$0x0] =	vst.idx.msk vm0, v0;
	v0, _, _ =	vpop (xrf2)  }
0x268: {  	[tilespmem:v2+s26+$0x0] =	vst.idx.msk vm0, v0  }
0x269: {  	_ =	swait.ge [sflag:s21], $0x4000  }
0x26a: {  	[sflag:s21] =	ssyncset.done $0x0  }
0x26b: {  	[sflag:s21] =	ssyncadd.s32 $0xFFFFC000  }
0x26c: {  	_ =	swait.ge [sflag:s21], $0x4000  }
0x26d: {  	[sflag:s21] =	ssyncset.done $0x0  }
0x26e: {  	[sflag:s21] =	ssyncadd.s32 $0xFFFFC000  }
0x26f: {  	_ =	swait.ge [sflag:s21], $0x4000  }
0x270: {  	[sflag:s21] =	ssyncset.done $0x0  }
0x271: {  	s25 =	simm.s32 $0x180;
	s31 =	simm.s32 $0x4600;
	[sflag:s21] =	ssyncadd.s32 $0xFFFFC000  }
0x272: {  	[tilespmem:s31], [sflag:$0x2] =	stream.indirect.gather [hbm4b:s1+s22], $0x80, s25, s22, $0xb8;
	[tilespmem:$0x18800] =	vst v63  }
0x273: {  	s4 =	simm.s32 $0x380;
	s20 =	simm.s32 $0xC600  }
0x274: {  	[tilespmem:s20], [sflag:$0x2] =	stream.indirect.gather [hbm4b:s2+s22], $0x80, s4, s22, $0xb8;
	[tilespmem:$0x18800] =	vst v63  }
0x275: {  	s23 =	simm.s32 $0x580;
	s24 =	simm.s32 $0x14600;
	s25 =	simm.s32 $0x700  }
0x276: {  	[tilespmem:s24], [sflag:$0x2] =	stream.indirect.gather [hbm4b:s1+s22], $0x80, s23, s22, $0xb8;
	[tilespmem:$0x18800] =	vst v63  }
0x277: {  	v0 =	vld [tilespmem:s25+$0xB0]  }
0x278: {  	v1 =	vld [tilespmem:s25+$0xF0]  }
0x279: {  	v2 =	vld [tilespmem:s25+$0xA0]  }
0x27a: {  	s0 =	simm.s32 $0x10700;
	v3 =	vld [tilespmem:s25+$0xE0]  }
0x27b: {  	v4 =	vld [tilespmem:s0+$0x80]  }
0x27c: {  	v5 =	vld [tilespmem:s25+$0x80]  }
0x27d: {  	s30 =	simm.s32 $0x8700;
	v6 =	vld [tilespmem:s25+$0xC0]  }
0x27e: {  	v7 =	vld [tilespmem:s30+$0x80]  }
0x27f: {  	v8 =	vld [tilespmem:s30+$0xC0]  }
0x280: {  	v9 =	vld [tilespmem:s25+$0x90]  }
0x281: {  	v10 =	vld [tilespmem:s25+$0xD0]  }
0x282: {  	v11 =	vld [tilespmem:s30+$0x90]  }
0x283: {  	v12 =	vld [tilespmem:s30+$0xD0]  }
0x284: {  	v13 =	vld [tilespmem:s30+$0xA0]  }
0x285: {  	v14 =	vld [tilespmem:s0+$0xC0]  }
0x286: {  	v15 =	vld [tilespmem:s30+$0xE0]  }
0x287: {  	v16 =	vld [tilespmem:s0+$0x90]  }
0x288: {  	v17 =	vld [tilespmem:s30+$0xB0]  }
0x289: {  	v18 =	vld [tilespmem:s0+$0xD0]  }
0x28a: {  	v19 =	vld [tilespmem:s30+$0xF0]  }
0x28b: {  	v20 =	vld [tilespmem:s0+$0xA0]  }
0x28c: {  	v21 =	vld [tilespmem:s25+$0xFFFFFF40]  }
0x28d: {  	v22 =	vld [tilespmem:s0+$0xE0]  }
0x28e: {  	v23 =	vld [tilespmem:s30+$0xFFFFFF00]  }
0x28f: {  	v24 =	vld [tilespmem:s0+$0xB0]  }
0x290: {  	v25 =	vld [tilespmem:s30+$0xFFFFFF40]  }
0x291: {  	v26 =	vld [tilespmem:s0+$0xF0]  }
0x292: {  	v27 =	vld [tilespmem:s25+$0xFFFFFF80]  }
0x293: {  	v28 =	vld [tilespmem:s25+$0xFFFFFFC0]  }
0x294: {  	v29 =	vld [tilespmem:s30+$0xFFFFFF80]  }
0x295: {  	v30 =	vld [tilespmem:s30+$0xFFFFFFC0]  }
0x296: {  	v31 =	vld [tilespmem:s25+$0x0]  }
0x297: {  	v32 =	vld [tilespmem:s25+$0x40]  }
0x298: {  	v33 =	vld [tilespmem:s30+$0x0]  }
0x299: {  	v34 =	vld [tilespmem:s30+$0x40]  }
0x29a: {  	v35 =	vld [tilespmem:s25+$0xFFFFFF00]  }
0x29b: {  	v36 =	vld [tilespmem:s0+$0xFFFFFF00]  }
0x29c: {  	v37 =	vld [tilespmem:s25+$0xFFFFFF10]  }
0x29d: {  	v38 =	vld [tilespmem:s25+$0xFFFFFF50]  }
0x29e: {  	v39 =	vld [tilespmem:s30+$0xFFFFFF10]  }
0x29f: {  	v42 =	vld [tilespmem:s30+$0xFFFFFF50]  }
0x2a0: {  	v43 =	vld [tilespmem:s0+$0xFFFFFF80]  }
0x2a1: {  	v61 =	vld [tilespmem:s30+$0xFFFFFF90]  }
0x2a2: {  	v48 =	vld [tilespmem:s30+$0xFFFFFFA0];
	v40 =	vmul.f32 v7, v5  }
0x2a3: {  	v50 =	vld [tilespmem:s30+$0xFFFFFFE0];
	v41 =	vmul.f32 v8, v6;
	v5 =	vmul.f32 v8, v5  }
0x2a4: {  	v52 =	vld [tilespmem:s0+$0x10];
	v6 =	vmul.f32 v7, v6;
	v8 =	vmul.f32 v11, v9  }
0x2a5: {  	v55 =	vld [tilespmem:s25+$0x20];
	v9 =	vmul.f32 v12, v9;
	v62 =	vmul.f32 v25, v21  }
0x2a6: {  	v57 =	vld [tilespmem:s25+$0x60];
	v63 =	vmul.f32 v29, v28;
	v44 =	vmul.f32 v30, v28  }
0x2a7: {  	v60 =	vld [tilespmem:s30+$0x20];
	v45 =	vmul.f32 v33, v31;
	v46 =	vmul.f32 v33, v32  }
0x2a8: {  	v7 =	vld [tilespmem:s25+$0xFFFFFF90];
	v47 =	vmul.f32 v34, v32;
	v49 =	vmul.f32 v34, v31  }
0x2a9: {  	v54 =	vmul.f32 v42, v37;
	v56 =	vmul.f32 v39, v38;
	v40 =	vsub.f32 v40, v41;
	v41 =	vld [tilespmem:s25+$0xFFFFFFD0]  }
0x2aa: {  	v5 =	vadd.f32 v5, v6;
	v6 =	vmul.f32 v12, v10;
	v10 =	vmul.f32 v11, v10;
	v11 =	vld [tilespmem:s30+$0xFFFFFFD0]  }
0x2ab: {  	v25 =	vmul.f32 v25, v35;
	v53 =	vmul.f32 v42, v38;
	v42 =	vld [tilespmem:s30+$0xFFFFFF30]  }
0x2ac: {  	v51 =	vmul.f32 v39, v37;
	v12 =	vld [tilespmem:s25+$0x10];
	v28 =	vadd.f32 v54, v56;
	v4 =	vmul.f32 v40, v4  }
0x2ad: {  	v54 =	vld [tilespmem:s30+$0x30];
	v5 =	vmul.f32 v14, v5;
	v6 =	vsub.f32 v8, v6;
	v14 =	vmul.f32 v15, v3  }
0x2ae: {  	v56 =	vld [tilespmem:s0+$0xFFFFFFE0];
	v3 =	vmul.f32 v13, v3;
	v58 =	vmul.f32 v61, v7;
	v4 =	vadd.f32 $0.0e+00, v4  }
0x2af: {  	v8 =	vld [tilespmem:s0+$0x0];
	v59 =	vmul.f32 v61, v41;
	v61 =	vmul.f32 v11, v41  }
0x2b0: {  	v40 =	vld [tilespmem:s0+$0xFFFFFF20];
	v7 =	vmul.f32 v11, v7;
	v4 =	vadd.f32 v4, v5;
	v5 =	vmul.f32 v6, v16  }
0x2b1: {  	v11 =	vld [tilespmem:s30+$0x60];
	v6 =	vadd.f32 v9, v10;
	v10 =	vmul.f32 v13, v2;
	v2 =	vmul.f32 v15, v2  }
0x2b2: {  	v41 =	vld [tilespmem:s25+$0xFFFFFF70];
	v15 =	vmul.f32 v19, v1;
	v1 =	vmul.f32 v17, v1  }
0x2b3: {  	v9 =	vld [tilespmem:s25+$0x50];
	v4 =	vadd.f32 v5, v4;
	v5 =	vmul.f32 v18, v6;
	v10 =	vsub.f32 v10, v14  }
0x2b4: {  	v14 =	vmul.f32 v17, v0;
	v2 =	vadd.f32 v2, v3;
	v3 =	vld [tilespmem:s0+$0x40];
	v0 =	vmul.f32 v19, v0  }
0x2b5: {  	v7 =	vadd.f32 v7, v59;
	v17 =	vld [tilespmem:s0+$0xFFFFFF10];
	v4 =	vadd.f32 v4, v5;
	v10 =	vmul.f32 v10, v20  }
0x2b6: {  	v16 =	vld [tilespmem:s30+$0x10];
	v2 =	vmul.f32 v22, v2;
	v0 =	vadd.f32 v0, v1;
	v22 =	vadd.f32 v49, v46  }
0x2b7: {  	v6 =	vld [tilespmem:s30+$0x50];
	v20 =	vsub.f32 v51, v53;
	v49 =	vmul.f32 v60, v55;
	v4 =	vadd.f32 v10, v4  }
0x2b8: {  	v13 =	vld [tilespmem:s0+$0xFFFFFF40];
	v10 =	vsub.f32 v14, v15;
	v15 =	vmul.f32 v23, v21;
	v0 =	vmul.f32 v26, v0  }
0x2b9: {  	v19 =	vld [tilespmem:s30+$0xFFFFFF60];
	v23 =	vmul.f32 v23, v35;
	v26 =	vsub.f32 v45, v47;
	v3 =	vmul.f32 v3, v22  }
0x2ba: {  	v53 =	vld [tilespmem:s30+$0xFFFFFFF0];
	v17 =	vmul.f32 v20, v17;
	v2 =	vadd.f32 v4, v2;
	v4 =	vmul.f32 v10, v24  }
0x2bb: {  	v47 =	vld [tilespmem:s25+$0xFFFFFFB0];
	v18 =	vsub.f32 v23, v62;
	v62 =	vmul.f32 v16, v12;
	v16 =	vmul.f32 v16, v9  }
0x2bc: {  	v14 =	vld [tilespmem:s25+$0xFFFFFF20];
	v15 =	vadd.f32 v25, v15;
	v9 =	vmul.f32 v6, v9;
	v8 =	vmul.f32 v26, v8  }
0x2bd: {  	v5 =	vld [tilespmem:s0+$0xFFFFFFC0];
	v6 =	vmul.f32 v6, v12;
	v2 =	vadd.f32 v4, v2;
	v4 =	vmul.f32 v29, v27  }
0x2be: {  	v21 =	vld [tilespmem:s0+$0xFFFFFF90];
	v18 =	vmul.f32 v18, v36;
	v13 =	vmul.f32 v13, v15;
	v8 =	vadd.f32 $0.0e+00, v8  }
0x2bf: {  	v24 =	vld [tilespmem:s25+$0xFFFFFFA0];
	v0 =	vadd.f32 v2, v0;
	v2 =	vmul.f32 v30, v27;
	v4 =	vsub.f32 v4, v44  }
0x2c0: {  	v10 =	vld [tilespmem:s30+$0xFFFFFF20];
	v9 =	vsub.f32 v62, v9;
	v59 =	vmul.f32 v53, v47;
	v3 =	vadd.f32 v8, v3  }
0x2c1: {  	v1 =	vld [tilespmem:s25+$0xFFFFFF60];
	v8 =	vmul.f32 v19, v14;
	v2 =	vadd.f32 v2, v63;
	v4 =	vmul.f32 v4, v43  }
0x2c2: {  	v25 =	vsub.f32 v58, v61;
	v12 =	vld [tilespmem:s0+$0xFFFFFFD0];
	v9 =	vmul.f32 v9, v52;
	v52 =	vmul.f32 v11, v57  }
0x2c3: {  	v27 =	vld [tilespmem:s25+$0xFFFFFFE0];
	v11 =	vmul.f32 v11, v55;
	v2 =	vmul.f32 v5, v2;
	v4 =	vadd.f32 $0.0e+00, v4  }
0x2c4: {  	v15 =	vld [tilespmem:s0+$0x50];
	v18 =	vadd.f32 $0.0e+00, v18;
	v44 =	vmul.f32 v48, v24;
	v43 =	vmul.f32 v25, v21  }
0x2c5: {  	v3 =	vadd.f32 v9, v3;
	v9 =	vld [tilespmem:s0+$0x20];
	v2 =	vadd.f32 v4, v2;
	v4 =	vmul.f32 v10, v14  }
0x2c6: {  	v6 =	vadd.f32 v6, v16;
	v63 =	vld [tilespmem:s0+$0xFFFFFF50];
	v10 =	vmul.f32 v10, v1;
	v1 =	vmul.f32 v19, v1  }
0x2c7: {  	(xrf2) =	vadd.scan.msk.f32 $0xffff, v0;
	v0 =	vmul.f32 v12, v7;
	v7 =	vsub.f32 v49, v52;
	v5 =	vadd.f32 v18, v13;
	v13 =	vld [tilespmem:s25+$0xFFFFFF30]  }
0x2c8: {  	v46 =	vmul.f32 v50, v27;
	v14 =	vld [tilespmem:s30+$0xFFFFFF70];
	v1 =	vsub.f32 v4, v1;
	v4 =	vmul.f32 v48, v27  }
0x2c9: {  	v51 =	vld [tilespmem:s30+$0xFFFFFFB0];
	v8 =	vadd.f32 v8, v10;
	v10 =	vmul.f32 v50, v24;
	v50 =	vmul.f32 v60, v57  }
0x2ca: {  	v45 =	vld [tilespmem:s0+$0xFFFFFFA0];
	v5 =	vadd.f32 v17, v5;
	v7 =	vmul.f32 v7, v9;
	v2 =	vadd.f32 v43, v2  }
0x2cb: {  	v48 =	vld [tilespmem:s25+$0xFFFFFFF0];
	v10 =	vadd.f32 v10, v4;
	v4 =	vmul.f32 v63, v28;
	v12 =	vadd.f32 v11, v50  }
0x2cc: {  	v11 =	vld [tilespmem:s25+$0x30];
	v1 =	vmul.f32 v1, v40;
	v2 =	vadd.f32 v2, v0;
	v0 =	vmul.f32 v42, v13  }
0x2cd: {  	v13 =	vmul.f32 v14, v13;
	v4 =	vadd.f32 v5, v4;
	v5 =	vmul.f32 v15, v6;
	v6 =	vld [tilespmem:s25+$0x70]  }
0x2ce: {  	v19 =	vsub.f32 v44, v46;
	v15 =	vmul.f32 v14, v41;
	v14 =	vld [tilespmem:s30+$0x70];
	v10 =	vmul.f32 v56, v10  }
0x2cf: {  	s31 =	simm.s32 $0x103;
	v3 =	vadd.f32 v3, v5;
	v5 =	vmul.f32 v42, v41;
	v55 =	vadd.f32 v1, v4;
	v4 =	vld [tilespmem:s0+$0xFFFFFF60]  }
0x2d0: {  	v57 =	vmov s31;
	v60 =	vld [tilespmem:s0+$0x60];
	v58 =	vmul.f32 v53, v48;
	v1 =	vmul.f32 v19, v45  }
0x2d1: {  	v15 =	vsub.f32 v0, v15;
	v0 =	vadd.f32 v13, v5;
	v5 =	vmul.f32 v51, v47  }
0x2d2: {  	v62 =	vld [tilespmem:s0+$0xFFFFFF30];
	v9 =	vmul.f32 v54, v11;
	v13 =	vmul.f32 v51, v48;
	v61 =	vadd.f32 v1, v2  }
0x2d3: {  	v16 =	vmul.f32 v54, v6;
	v63 =	vmul.f32 v14, v6;
	v2 =	vsub.f32 v5, v58;
	v5 =	vld [tilespmem:s0+$0xFFFFFFB0]  }
0x2d4: {  	v11 =	vmul.f32 v14, v11;
	v6 =	vld [tilespmem:s0+$0x30];
	v8 =	vmul.f32 v4, v8  }
0x2d5: {  	v14 =	vmul.f32 v60, v12;
	v1 =	vadd.f32 v59, v13;
	v4 =	vadd.f32 v7, v3;
	v3, _, _ =	vpop (xrf2);
	v7 =	vld [tilespmem:s0+$0xFFFFFF70]  }
0x2d6: {  	[tilespmem:v57+s26+$0x0] =	vst.idx.msk vm0, v3;
	v3 =	vadd.f32 v11, v16;
	v11 =	vadd.f32 v55, v8;
	v8 =	vld [tilespmem:s0+$0xFFFFFFF0]  }
0x2d7: {  	s4 =	simm.s32 $0xFFFFFFFC;
	s20 =	simm.s32 $0x0;
	s23 =	simm.s32 $0x900;
	v13 =	vmul.f32 v15, v62;
	v12 =	vadd.f32 v61, v10;
	v10 =	vld [tilespmem:s0+$0x70];
	v9 =	vsub.f32 v9, v63  }
.LBB2_6:
0x2d8: {  	v15 =	vld [tilespmem:s23+$0xB0];
	v2 =	vmul.f32 v2, v5;
	v4 =	vadd.f32 v4, v14;
	s24 =	smov.u32 s20  }
0x2d9: {  	v5 =	vld [tilespmem:s23+$0xF0];
	v11 =	vadd.f32 v13, v11;
	v6 =	vmul.f32 v9, v6  }
0x2da: {  	v9 =	vld [tilespmem:s23+$0xA0];
	v0 =	vmul.f32 v7, v0;
	v2 =	vadd.f32 v2, v12  }
0x2db: {  	s0 =	sadd.s32 $0x200, s0;
	v7 =	vld [tilespmem:s23+$0xE0];
	v1 =	vmul.f32 v8, v1;
	v4 =	vadd.f32 v6, v4  }
0x2dc: {  	v6 =	vld [tilespmem:s0+$0x80];
	v0 =	vadd.f32 v11, v0;
	v3 =	vmul.f32 v10, v3  }
0x2dd: {  	v8 =	vld [tilespmem:s23+$0x80];
	v1 =	vadd.f32 v2, v1  }
0x2de: {  	s30 =	sadd.s32 $0x200, s30;
	v2 =	vld [tilespmem:s23+$0xC0];
	v3 =	vadd.f32 v4, v3;
	(xrf2) =	vadd.scan.msk.f32 $0xffff, v0  }
0x2df: {  	v0 =	vld [tilespmem:s30+$0x80]  }
0x2e0: {  	s20 =	sadd.s32 $0x4, s20;
	v4 =	vld [tilespmem:s30+$0xC0]  }
0x2e1: {  	s25 =	sadd.s32 $0x104, s4;
	p0 =	slt.u32 s20, $0x7C;
	v10 =	vld [tilespmem:s23+$0x90];
	(xrf2) =	vadd.scan.msk.f32 $0xffff, v1  }
0x2e2: {  	v11 =	vmov s25;
	v1 =	vld [tilespmem:s23+$0xD0]  }
0x2e3: {  	s31 =	sadd.s32 $0x106, s4;
	s25 =	sadd.s32 $0x105, s4;
	s4 =	smov.u32 s24;
	v11 =	vand.u32 $0xFFFFFFFC, v11;
	v12 =	vld [tilespmem:s30+$0x90]  }
0x2e4: {  	v16 =	vmov s31;
	v14 =	vmov s25;
	v11 =	vbroadcast v11, $0x0;
	v13 =	vld [tilespmem:s30+$0xD0];
	(xrf2) =	vadd.scan.msk.f32 $0xffff, v3  }
0x2e5: {  	v14 =	vand.u32 $0xFFFFFFFD, v14;
	v3 =	vmul.f32 v0, v8;
	v17 =	vmul.f32 v4, v2;
	v18 =	vld [tilespmem:s30+$0xA0]  }
0x2e6: {  	v16 =	vand.u32 $0xFFFFFFFE, v16;
	v14 =	vbroadcast v14, $0x0;
	v19 =	vld [tilespmem:s0+$0xC0]  }
0x2e7: {  	v0 =	vmul.f32 v0, v2;
	v4 =	vmul.f32 v4, v8;
	v3 =	vsub.f32 v3, v17;
	v2 =	vld [tilespmem:s30+$0xE0]  }
0x2e8: {  	v16 =	vbroadcast v16, $0x0;
	v8 =	vld [tilespmem:s0+$0x90];
	v17 =	vmul.f32 v12, v10;
	v20, _, _ =	vpop (xrf2)  }
0x2e9: {  	v0 =	vadd.f32 v4, v0;
	v3 =	vmul.f32 v3, v6;
	v4 =	vmul.f32 v13, v1;
	v6 =	vld [tilespmem:s30+$0xB0]  }
0x2ea: {  	v10 =	vmul.f32 v13, v10;
	v1 =	vmul.f32 v12, v1;
	v21 =	vld [tilespmem:s0+$0xD0];
	[tilespmem:v11+s26+$0x0] =	vst.idx.msk vm0, v20  }
0x2eb: {  	v3 =	vadd.f32 $0.0e+00, v3;
	v0 =	vmul.f32 v19, v0;
	v4 =	vsub.f32 v17, v4;
	v11 =	vld [tilespmem:s30+$0xF0];
	v12, _, _ =	vpop (xrf2)  }
0x2ec: {  	v17 =	vmul.f32 v18, v9;
	v13 =	vld [tilespmem:s0+$0xA0];
	v19 =	vmul.f32 v2, v7;
	[tilespmem:v14+s26+$0x0] =	vst.idx.msk vm0, v12  }
0x2ed: {  	v1 =	vadd.f32 v10, v1;
	v12 =	vld [tilespmem:s23+$0xFFFFFF40];
	v0 =	vadd.f32 v3, v0;
	v3 =	vmul.f32 v4, v8  }
0x2ee: {  	v2 =	vmul.f32 v2, v9;
	v7 =	vmul.f32 v18, v7;
	v4 =	vld [tilespmem:s0+$0xE0];
	v8, _, _ =	vpop (xrf2)  }
0x2ef: {  	v9 =	vld [tilespmem:s30+$0xFFFFFF00];
	v0 =	vadd.f32 v3, v0;
	v1 =	vmul.f32 v21, v1;
	v3 =	vsub.f32 v17, v19  }
0x2f0: {  	v14 =	vmul.f32 v6, v15;
	v10 =	vld [tilespmem:s0+$0xB0];
	v17 =	vmul.f32 v11, v5;
	[tilespmem:v16+s26+$0x0] =	vst.idx.msk vm0, v8  }
0x2f1: {  	v2 =	vadd.f32 v2, v7;
	v8 =	vld [tilespmem:s30+$0xFFFFFF40];
	v0 =	vadd.f32 v0, v1;
	v1 =	vmul.f32 v3, v13  }
0x2f2: {  	v7 =	vmul.f32 v11, v15;
	v5 =	vmul.f32 v6, v5;
	v3 =	vld [tilespmem:s0+$0xF0]  }
0x2f3: {  	v6 =	vld [tilespmem:s23+$0xFFFFFF80];
	v0 =	vadd.f32 v1, v0;
	v1 =	vmul.f32 v4, v2;
	v2 =	vsub.f32 v14, v17  }
0x2f4: {  	v4 =	vmul.f32 v9, v12;
	v11 =	vld [tilespmem:s23+$0xFFFFFFC0]  }
0x2f5: {  	v13 =	vld [tilespmem:s30+$0xFFFFFF80];
	v0 =	vadd.f32 v0, v1;
	v1 =	vmul.f32 v2, v10;
	v2 =	vadd.f32 v7, v5  }
0x2f6: {  	v5 =	vmul.f32 v8, v12;
	v7 =	vld [tilespmem:s30+$0xFFFFFFC0]  }
0x2f7: {  	v10 =	vld [tilespmem:s23+$0x0];
	v0 =	vadd.f32 v1, v0;
	v1 =	vmul.f32 v3, v2  }
0x2f8: {  	v2 =	vld [tilespmem:s23+$0x40]  }
0x2f9: {  	v3 =	vld [tilespmem:s30+$0x0];
	v0 =	vadd.f32 v0, v1  }
0x2fa: {  	v1 =	vmul.f32 v13, v6;
	v12 =	vmul.f32 v13, v11;
	v13 =	vld [tilespmem:s30+$0x40]  }
0x2fb: {  	v14 =	vld [tilespmem:s23+$0xFFFFFF00];
	v11 =	vmul.f32 v7, v11;
	v6 =	vmul.f32 v7, v6;
	(xrf2) =	vadd.scan.msk.f32 $0xffff, v0  }
0x2fc: {  	v0 =	vld [tilespmem:s0+$0xFFFFFF00]  }
0x2fd: {  	v7 =	vld [tilespmem:s23+$0xFFFFFF10];
	v1 =	vsub.f32 v1, v11;
	v6 =	vadd.f32 v6, v12  }
0x2fe: {  	v11 =	vld [tilespmem:s23+$0xFFFFFF50];
	v12 =	vmul.f32 v3, v10;
	v3 =	vmul.f32 v3, v2  }
0x2ff: {  	v15 =	vld [tilespmem:s30+$0xFFFFFF10];
	v2 =	vmul.f32 v13, v2;
	v10 =	vmul.f32 v13, v10  }
0x300: {  	s24 =	sadd.s32 $0x107, s4;
	v9 =	vmul.f32 v9, v14;
	v8 =	vmul.f32 v8, v14;
	v13 =	vld [tilespmem:s30+$0xFFFFFF50]  }
0x301: {  	v14 =	vld [tilespmem:s0+$0xFFFFFF80];
	v2 =	vsub.f32 v12, v2;
	v3 =	vadd.f32 v10, v3;
	v10 =	vmov s24  }
0x302: {  	v5 =	vsub.f32 v9, v5;
	v4 =	vadd.f32 v8, v4;
	v8 =	vld [tilespmem:s23+$0xFFFFFF90]  }
0x303: {  	v9 =	vld [tilespmem:s23+$0xFFFFFFD0]  }
0x304: {  	v0 =	vmul.f32 v5, v0;
	v5 =	vmul.f32 v15, v7;
	v12 =	vld [tilespmem:s30+$0xFFFFFF90]  }
0x305: {  	v16 =	vmul.f32 v13, v11;
	v7 =	vmul.f32 v13, v7;
	v13 =	vld [tilespmem:s30+$0xFFFFFFD0];
	v17, _, _ =	vpop (xrf2)  }
0x306: {  	v11 =	vmul.f32 v15, v11;
	v0 =	vadd.f32 $0.0e+00, v0;
	v1 =	vmul.f32 v1, v14;
	v14 =	vld [tilespmem:s0+$0x0];
	[tilespmem:v10+s26+$0x0] =	vst.idx.msk vm0, v17  }
0x307: {  	v5 =	vsub.f32 v5, v16;
	v10 =	vld [tilespmem:s23+$0x10]  }
0x308: {  	v7 =	vadd.f32 v7, v11;
	v1 =	vadd.f32 $0.0e+00, v1;
	v11 =	vld [tilespmem:s23+$0x50]  }
0x309: {  	v15 =	vmul.f32 v12, v8;
	v12 =	vmul.f32 v12, v9;
	v16 =	vld [tilespmem:s30+$0x10]  }
0x30a: {  	v9 =	vmul.f32 v13, v9;
	v8 =	vmul.f32 v13, v8;
	v13 =	vld [tilespmem:s30+$0x50]  }
0x30b: {  	v17 =	vld [tilespmem:s0+$0xFFFFFF40];
	v2 =	vmul.f32 v2, v14  }
0x30c: {  	v14 =	vld [tilespmem:s0+$0xFFFFFFC0];
	v9 =	vsub.f32 v15, v9;
	v8 =	vadd.f32 v8, v12  }
0x30d: {  	v12 =	vld [tilespmem:s0+$0x40];
	v2 =	vadd.f32 $0.0e+00, v2  }
0x30e: {  	v15 =	vld [tilespmem:s0+$0xFFFFFF10];
	v18 =	vmul.f32 v16, v10;
	v16 =	vmul.f32 v16, v11  }
0x30f: {  	v19 =	vld [tilespmem:s23+$0xFFFFFF20];
	v11 =	vmul.f32 v13, v11;
	v10 =	vmul.f32 v13, v10  }
0x310: {  	v4 =	vmul.f32 v17, v4;
	v13 =	vld [tilespmem:s23+$0xFFFFFF60]  }
0x311: {  	v17 =	vld [tilespmem:s30+$0xFFFFFF20];
	v6 =	vmul.f32 v14, v6;
	v11 =	vsub.f32 v18, v11;
	v10 =	vadd.f32 v10, v16  }
0x312: {  	v0 =	vadd.f32 v0, v4;
	v4 =	vld [tilespmem:s30+$0xFFFFFF60];
	v3 =	vmul.f32 v12, v3  }
0x313: {  	v5 =	vmul.f32 v5, v15;
	v1 =	vadd.f32 v1, v6;
	v6 =	vld [tilespmem:s0+$0xFFFFFF90]  }
0x314: {  	v12 =	vld [tilespmem:s23+$0xFFFFFFA0];
	v2 =	vadd.f32 v2, v3  }
0x315: {  	v0 =	vadd.f32 v5, v0;
	v3 =	vld [tilespmem:s23+$0xFFFFFFE0]  }
0x316: {  	v5 =	vmul.f32 v17, v19;
	v14 =	vmul.f32 v17, v13;
	v15 =	vld [tilespmem:s30+$0xFFFFFFA0]  }
0x317: {  	v13 =	vmul.f32 v4, v13;
	v4 =	vmul.f32 v4, v19;
	v16 =	vld [tilespmem:s30+$0xFFFFFFE0]  }
0x318: {  	v6 =	vmul.f32 v9, v6;
	v9 =	vld [tilespmem:s0+$0x10]  }
0x319: {  	v5 =	vsub.f32 v5, v13;
	v13 =	vadd.f32 v4, v14;
	v4 =	vld [tilespmem:s23+$0x20]  }
0x31a: {  	v1 =	vadd.f32 v6, v1;
	v6 =	vld [tilespmem:s23+$0x60]  }
0x31b: {  	v14 =	vmul.f32 v15, v12;
	v15 =	vmul.f32 v15, v3;
	v17 =	vld [tilespmem:s30+$0x20]  }
0x31c: {  	v3 =	vmul.f32 v16, v3;
	v12 =	vmul.f32 v16, v12;
	v16 =	vld [tilespmem:s30+$0x60]  }
0x31d: {  	v18 =	vld [tilespmem:s0+$0xFFFFFF50];
	v9 =	vmul.f32 v11, v9  }
0x31e: {  	v11 =	vld [tilespmem:s0+$0xFFFFFFD0];
	v3 =	vsub.f32 v14, v3;
	v12 =	vadd.f32 v12, v15  }
0x31f: {  	v14 =	vld [tilespmem:s0+$0x50];
	v2 =	vadd.f32 v9, v2  }
0x320: {  	v9 =	vld [tilespmem:s0+$0xFFFFFF20];
	v15 =	vmul.f32 v17, v4;
	v17 =	vmul.f32 v17, v6  }
0x321: {  	v19 =	vld [tilespmem:s23+$0xFFFFFF30];
	v6 =	vmul.f32 v16, v6;
	v4 =	vmul.f32 v16, v4  }
0x322: {  	v7 =	vmul.f32 v18, v7;
	v16 =	vld [tilespmem:s23+$0xFFFFFF70]  }
0x323: {  	v18 =	vld [tilespmem:s30+$0xFFFFFF30];
	v8 =	vmul.f32 v11, v8;
	v6 =	vsub.f32 v15, v6;
	v15 =	vadd.f32 v4, v17  }
0x324: {  	v0 =	vadd.f32 v0, v7;
	v4 =	vld [tilespmem:s30+$0xFFFFFF70];
	v7 =	vmul.f32 v14, v10  }
0x325: {  	v5 =	vmul.f32 v5, v9;
	v1 =	vadd.f32 v1, v8;
	v8 =	vld [tilespmem:s0+$0xFFFFFFA0]  }
0x326: {  	v9 =	vld [tilespmem:s23+$0xFFFFFFB0];
	v7 =	vadd.f32 v2, v7  }
0x327: {  	v10 =	vadd.f32 v5, v0;
	v2 =	vld [tilespmem:s23+$0xFFFFFFF0]  }
0x328: {  	v0 =	vmul.f32 v18, v19;
	v5 =	vmul.f32 v18, v16;
	v11 =	vld [tilespmem:s30+$0xFFFFFFB0]  }
0x329: {  	v14 =	vmul.f32 v4, v16;
	v4 =	vmul.f32 v4, v19;
	v16 =	vld [tilespmem:s30+$0xFFFFFFF0]  }
0x32a: {  	v3 =	vmul.f32 v3, v8;
	v8 =	vld [tilespmem:s0+$0x20]  }
0x32b: {  	v17 =	vsub.f32 v0, v14;
	v0 =	vadd.f32 v4, v5;
	v14 =	vld [tilespmem:s23+$0x30]  }
0x32c: {  	v18 =	vadd.f32 v3, v1;
	v3 =	vld [tilespmem:s23+$0x70]  }
0x32d: {  	v1 =	vmul.f32 v11, v9;
	v4 =	vmul.f32 v11, v2;
	v5 =	vld [tilespmem:s30+$0x30]  }
0x32e: {  	v2 =	vmul.f32 v16, v2;
	v9 =	vmul.f32 v16, v9;
	v11 =	vld [tilespmem:s30+$0x70]  }
0x32f: {  	v16 =	vld [tilespmem:s0+$0xFFFFFF60];
	v6 =	vmul.f32 v6, v8  }
0x330: {  	v8 =	vld [tilespmem:s0+$0xFFFFFFE0];
	v2 =	vsub.f32 v1, v2;
	v1 =	vadd.f32 v9, v4  }
0x331: {  	v19 =	vld [tilespmem:s0+$0x60];
	v4 =	vadd.f32 v6, v7  }
0x332: {  	v20 =	vld [tilespmem:s0+$0xFFFFFF30];
	v9 =	vmul.f32 v5, v14;
	v21 =	vmul.f32 v5, v3  }
.Ltmp2:
0x333: {  	v5 =	vld [tilespmem:s0+$0xFFFFFFB0];
	v3 =	vmul.f32 v11, v3;
	v11 =	vmul.f32 v11, v14;
	(pc) =	sbr.rel @p0 .LBB2_6-.Ltmp2, $4  }
0x334: {  	v13 =	vmul.f32 v16, v13;
	v6 =	vld [tilespmem:s0+$0x30]  }
0x335: {  	v7 =	vld [tilespmem:s0+$0xFFFFFF70];
	v12 =	vmul.f32 v8, v12;
	v9 =	vsub.f32 v9, v3;
	v3 =	vadd.f32 v11, v21  }
0x336: {  	v11 =	vadd.f32 v10, v13;
	v8 =	vld [tilespmem:s0+$0xFFFFFFF0];
	v14 =	vmul.f32 v19, v15  }
0x337: {  	s23 =	sadd.s32 $0x200, s23;
	v13 =	vmul.f32 v17, v20;
	v12 =	vadd.f32 v18, v12;
	v10 =	vld [tilespmem:s0+$0x70]  }
0x338: {  	_ = 	snop  }
0x339: {  	v2 =	vmul.f32 v2, v5;
	v4 =	vadd.f32 v4, v14  }
0x33a: {  	v5 =	vadd.f32 v13, v11;
	v6 =	vmul.f32 v9, v6;
	v0 =	vmul.f32 v7, v0  }
0x33b: {  	v2 =	vadd.f32 v2, v12;
	v1 =	vmul.f32 v8, v1  }
0x33c: {  	v4 =	vadd.f32 v6, v4;
	v0 =	vadd.f32 v5, v0;
	v3 =	vmul.f32 v10, v3  }
0x33d: {  	v1 =	vadd.f32 v2, v1  }
0x33e: {  	v2 =	vadd.f32 v4, v3;
	(xrf2) =	vadd.scan.msk.f32 $0xffff, v0  }
0x33f: {  	(xrf2) =	vadd.scan.msk.f32 $0xffff, v1  }
0x340: {  	s0 =	sadd.s32 $0x104, s4;
	(xrf2) =	vadd.scan.msk.f32 $0xffff, v2  }
0x341: {  	s23 =	sadd.s32 $0x105, s4;
	v0 =	vmov s0  }
0x342: {  	s24 =	sadd.s32 $0x106, s4;
	v0 =	vand.u32 $0xFFFFFFFC, v0;
	v1 =	vmov s23  }
0x343: {  	v0 =	vbroadcast v0, $0x0;
	v2 =	vmov s24;
	v1 =	vand.u32 $0xFFFFFFFD, v1  }
0x344: {  	v1 =	vbroadcast v1, $0x0;
	v2 =	vand.u32 $0xFFFFFFFE, v2  }
0x345: {  	v2 =	vbroadcast v2, $0x0;
	_ =	sdelay $0x2  }
0x346: {  	v3, _, _ =	vpop (xrf2)  }
0x347: {  	[tilespmem:v0+s26+$0x0] =	vst.idx.msk vm0, v3;
	v0, _, _ =	vpop (xrf2)  }
0x348: {  	[tilespmem:v1+s26+$0x0] =	vst.idx.msk vm0, v0;
	v0, _, _ =	vpop (xrf2)  }
0x349: {  	[tilespmem:v2+s26+$0x0] =	vst.idx.msk vm0, v0  }
0x34a: {  	_ =	swait.ge [sflag:s28], $0x4000  }
0x34b: {  	[sflag:s28] =	ssyncset.done $0x0  }
0x34c: {  	[sflag:s28] =	ssyncadd.s32 $0xFFFFC000  }
0x34d: {  	_ =	swait.ge [sflag:s28], $0x4000  }
0x34e: {  	[sflag:s28] =	ssyncset.done $0x0  }
0x34f: {  	[sflag:s28] =	ssyncadd.s32 $0xFFFFC000  }
0x350: {  	_ =	swait.ge [sflag:s28], $0x4000  }
0x351: {  	[sflag:s28] =	ssyncset.done $0x0  }
0x352: {  	s25 =	simm.s32 $0x4700;
	[sflag:s28] =	ssyncadd.s32 $0xFFFFC000  }
0x353: {  	v0 =	vld [tilespmem:s25+$0xB0]  }
0x354: {  	v1 =	vld [tilespmem:s25+$0xF0]  }
0x355: {  	v2 =	vld [tilespmem:s25+$0xA0]  }
0x356: {  	s0 =	simm.s32 $0x14700;
	v3 =	vld [tilespmem:s25+$0xE0]  }
0x357: {  	v4 =	vld [tilespmem:s0+$0x80]  }
0x358: {  	v5 =	vld [tilespmem:s25+$0x80]  }
0x359: {  	s30 =	simm.s32 $0xC700;
	v6 =	vld [tilespmem:s25+$0xC0]  }
0x35a: {  	v7 =	vld [tilespmem:s30+$0x80]  }
0x35b: {  	v8 =	vld [tilespmem:s30+$0xC0]  }
0x35c: {  	v9 =	vld [tilespmem:s25+$0x90]  }
0x35d: {  	v10 =	vld [tilespmem:s25+$0xD0]  }
0x35e: {  	v11 =	vld [tilespmem:s30+$0x90]  }
0x35f: {  	v12 =	vld [tilespmem:s30+$0xD0]  }
0x360: {  	v13 =	vld [tilespmem:s30+$0xA0]  }
0x361: {  	v14 =	vld [tilespmem:s0+$0xC0]  }
0x362: {  	v15 =	vld [tilespmem:s30+$0xE0]  }
0x363: {  	v16 =	vld [tilespmem:s0+$0x90]  }
0x364: {  	v17 =	vld [tilespmem:s30+$0xB0]  }
0x365: {  	v18 =	vld [tilespmem:s0+$0xD0]  }
0x366: {  	v19 =	vld [tilespmem:s30+$0xF0]  }
0x367: {  	v20 =	vld [tilespmem:s0+$0xA0]  }
0x368: {  	v21 =	vld [tilespmem:s25+$0xFFFFFF40]  }
0x369: {  	v22 =	vld [tilespmem:s0+$0xE0]  }
0x36a: {  	v23 =	vld [tilespmem:s30+$0xFFFFFF00]  }
0x36b: {  	v24 =	vld [tilespmem:s0+$0xB0]  }
0x36c: {  	v25 =	vld [tilespmem:s30+$0xFFFFFF40]  }
0x36d: {  	v26 =	vld [tilespmem:s0+$0xF0]  }
0x36e: {  	v27 =	vld [tilespmem:s25+$0xFFFFFF80]  }
0x36f: {  	v28 =	vld [tilespmem:s25+$0xFFFFFFC0]  }
0x370: {  	v29 =	vld [tilespmem:s30+$0xFFFFFF80]  }
0x371: {  	v30 =	vld [tilespmem:s30+$0xFFFFFFC0]  }
0x372: {  	v31 =	vld [tilespmem:s25+$0x0]  }
0x373: {  	v32 =	vld [tilespmem:s25+$0x40]  }
0x374: {  	v33 =	vld [tilespmem:s30+$0x0]  }
0x375: {  	v34 =	vld [tilespmem:s30+$0x40]  }
0x376: {  	v35 =	vld [tilespmem:s25+$0xFFFFFF00]  }
0x377: {  	v36 =	vld [tilespmem:s0+$0xFFFFFF00]  }
0x378: {  	v37 =	vld [tilespmem:s25+$0xFFFFFF10]  }
0x379: {  	v38 =	vld [tilespmem:s25+$0xFFFFFF50]  }
0x37a: {  	v39 =	vld [tilespmem:s30+$0xFFFFFF10]  }
0x37b: {  	v42 =	vld [tilespmem:s30+$0xFFFFFF50]  }
0x37c: {  	v43 =	vld [tilespmem:s0+$0xFFFFFF80]  }
0x37d: {  	v61 =	vld [tilespmem:s30+$0xFFFFFF90]  }
0x37e: {  	v48 =	vld [tilespmem:s30+$0xFFFFFFA0];
	v40 =	vmul.f32 v7, v5  }
0x37f: {  	v50 =	vld [tilespmem:s30+$0xFFFFFFE0];
	v41 =	vmul.f32 v8, v6;
	v5 =	vmul.f32 v8, v5  }
0x380: {  	v52 =	vld [tilespmem:s0+$0x10];
	v6 =	vmul.f32 v7, v6;
	v8 =	vmul.f32 v11, v9  }
0x381: {  	v55 =	vld [tilespmem:s25+$0x20];
	v9 =	vmul.f32 v12, v9;
	v62 =	vmul.f32 v25, v21  }
0x382: {  	v57 =	vld [tilespmem:s25+$0x60];
	v63 =	vmul.f32 v29, v28;
	v44 =	vmul.f32 v30, v28  }
0x383: {  	v60 =	vld [tilespmem:s30+$0x20];
	v45 =	vmul.f32 v33, v31;
	v46 =	vmul.f32 v33, v32  }
0x384: {  	v7 =	vld [tilespmem:s25+$0xFFFFFF90];
	v47 =	vmul.f32 v34, v32;
	v49 =	vmul.f32 v34, v31  }
0x385: {  	v54 =	vmul.f32 v42, v37;
	v56 =	vmul.f32 v39, v38;
	v40 =	vsub.f32 v40, v41;
	v41 =	vld [tilespmem:s25+$0xFFFFFFD0]  }
0x386: {  	v5 =	vadd.f32 v5, v6;
	v6 =	vmul.f32 v12, v10;
	v10 =	vmul.f32 v11, v10;
	v11 =	vld [tilespmem:s30+$0xFFFFFFD0]  }
0x387: {  	v25 =	vmul.f32 v25, v35;
	v53 =	vmul.f32 v42, v38;
	v42 =	vld [tilespmem:s30+$0xFFFFFF30]  }
0x388: {  	v51 =	vmul.f32 v39, v37;
	v12 =	vld [tilespmem:s25+$0x10];
	v28 =	vadd.f32 v54, v56;
	v4 =	vmul.f32 v40, v4  }
0x389: {  	v54 =	vld [tilespmem:s30+$0x30];
	v5 =	vmul.f32 v14, v5;
	v6 =	vsub.f32 v8, v6;
	v14 =	vmul.f32 v15, v3  }
0x38a: {  	v56 =	vld [tilespmem:s0+$0xFFFFFFE0];
	v3 =	vmul.f32 v13, v3;
	v58 =	vmul.f32 v61, v7;
	v4 =	vadd.f32 $0.0e+00, v4  }
0x38b: {  	v8 =	vld [tilespmem:s0+$0x0];
	v59 =	vmul.f32 v61, v41;
	v61 =	vmul.f32 v11, v41  }
0x38c: {  	v40 =	vld [tilespmem:s0+$0xFFFFFF20];
	v7 =	vmul.f32 v11, v7;
	v4 =	vadd.f32 v4, v5;
	v5 =	vmul.f32 v6, v16  }
0x38d: {  	v11 =	vld [tilespmem:s30+$0x60];
	v6 =	vadd.f32 v9, v10;
	v10 =	vmul.f32 v13, v2;
	v2 =	vmul.f32 v15, v2  }
0x38e: {  	v41 =	vld [tilespmem:s25+$0xFFFFFF70];
	v15 =	vmul.f32 v19, v1;
	v1 =	vmul.f32 v17, v1  }
0x38f: {  	v9 =	vld [tilespmem:s25+$0x50];
	v4 =	vadd.f32 v5, v4;
	v5 =	vmul.f32 v18, v6;
	v10 =	vsub.f32 v10, v14  }
0x390: {  	v14 =	vmul.f32 v17, v0;
	v2 =	vadd.f32 v2, v3;
	v3 =	vld [tilespmem:s0+$0x40];
	v0 =	vmul.f32 v19, v0  }
0x391: {  	v7 =	vadd.f32 v7, v59;
	v17 =	vld [tilespmem:s0+$0xFFFFFF10];
	v4 =	vadd.f32 v4, v5;
	v10 =	vmul.f32 v10, v20  }
0x392: {  	v16 =	vld [tilespmem:s30+$0x10];
	v2 =	vmul.f32 v22, v2;
	v0 =	vadd.f32 v0, v1;
	v22 =	vadd.f32 v49, v46  }
0x393: {  	v6 =	vld [tilespmem:s30+$0x50];
	v20 =	vsub.f32 v51, v53;
	v49 =	vmul.f32 v60, v55;
	v4 =	vadd.f32 v10, v4  }
0x394: {  	v13 =	vld [tilespmem:s0+$0xFFFFFF40];
	v10 =	vsub.f32 v14, v15;
	v15 =	vmul.f32 v23, v21;
	v0 =	vmul.f32 v26, v0  }
0x395: {  	v19 =	vld [tilespmem:s30+$0xFFFFFF60];
	v23 =	vmul.f32 v23, v35;
	v26 =	vsub.f32 v45, v47;
	v3 =	vmul.f32 v3, v22  }
0x396: {  	v53 =	vld [tilespmem:s30+$0xFFFFFFF0];
	v17 =	vmul.f32 v20, v17;
	v2 =	vadd.f32 v4, v2;
	v4 =	vmul.f32 v10, v24  }
0x397: {  	v47 =	vld [tilespmem:s25+$0xFFFFFFB0];
	v18 =	vsub.f32 v23, v62;
	v62 =	vmul.f32 v16, v12;
	v16 =	vmul.f32 v16, v9  }
0x398: {  	v14 =	vld [tilespmem:s25+$0xFFFFFF20];
	v15 =	vadd.f32 v25, v15;
	v9 =	vmul.f32 v6, v9;
	v8 =	vmul.f32 v26, v8  }
0x399: {  	v5 =	vld [tilespmem:s0+$0xFFFFFFC0];
	v6 =	vmul.f32 v6, v12;
	v2 =	vadd.f32 v4, v2;
	v4 =	vmul.f32 v29, v27  }
0x39a: {  	v21 =	vld [tilespmem:s0+$0xFFFFFF90];
	v18 =	vmul.f32 v18, v36;
	v13 =	vmul.f32 v13, v15;
	v8 =	vadd.f32 $0.0e+00, v8  }
0x39b: {  	v24 =	vld [tilespmem:s25+$0xFFFFFFA0];
	v0 =	vadd.f32 v2, v0;
	v2 =	vmul.f32 v30, v27;
	v4 =	vsub.f32 v4, v44  }
0x39c: {  	v10 =	vld [tilespmem:s30+$0xFFFFFF20];
	v9 =	vsub.f32 v62, v9;
	v59 =	vmul.f32 v53, v47;
	v3 =	vadd.f32 v8, v3  }
0x39d: {  	v1 =	vld [tilespmem:s25+$0xFFFFFF60];
	v8 =	vmul.f32 v19, v14;
	v2 =	vadd.f32 v2, v63;
	v4 =	vmul.f32 v4, v43  }
0x39e: {  	v25 =	vsub.f32 v58, v61;
	v12 =	vld [tilespmem:s0+$0xFFFFFFD0];
	v9 =	vmul.f32 v9, v52;
	v52 =	vmul.f32 v11, v57  }
0x39f: {  	v27 =	vld [tilespmem:s25+$0xFFFFFFE0];
	v11 =	vmul.f32 v11, v55;
	v2 =	vmul.f32 v5, v2;
	v4 =	vadd.f32 $0.0e+00, v4  }
0x3a0: {  	v15 =	vld [tilespmem:s0+$0x50];
	v18 =	vadd.f32 $0.0e+00, v18;
	v44 =	vmul.f32 v48, v24;
	v43 =	vmul.f32 v25, v21  }
0x3a1: {  	v3 =	vadd.f32 v9, v3;
	v9 =	vld [tilespmem:s0+$0x20];
	v2 =	vadd.f32 v4, v2;
	v4 =	vmul.f32 v10, v14  }
0x3a2: {  	v6 =	vadd.f32 v6, v16;
	v63 =	vld [tilespmem:s0+$0xFFFFFF50];
	v10 =	vmul.f32 v10, v1;
	v1 =	vmul.f32 v19, v1  }
0x3a3: {  	(xrf2) =	vadd.scan.msk.f32 $0xffff, v0;
	v0 =	vmul.f32 v12, v7;
	v7 =	vsub.f32 v49, v52;
	v5 =	vadd.f32 v18, v13;
	v13 =	vld [tilespmem:s25+$0xFFFFFF30]  }
0x3a4: {  	v46 =	vmul.f32 v50, v27;
	v14 =	vld [tilespmem:s30+$0xFFFFFF70];
	v1 =	vsub.f32 v4, v1;
	v4 =	vmul.f32 v48, v27  }
0x3a5: {  	v51 =	vld [tilespmem:s30+$0xFFFFFFB0];
	v8 =	vadd.f32 v8, v10;
	v10 =	vmul.f32 v50, v24;
	v50 =	vmul.f32 v60, v57  }
0x3a6: {  	v45 =	vld [tilespmem:s0+$0xFFFFFFA0];
	v5 =	vadd.f32 v17, v5;
	v7 =	vmul.f32 v7, v9;
	v2 =	vadd.f32 v43, v2  }
0x3a7: {  	v48 =	vld [tilespmem:s25+$0xFFFFFFF0];
	v10 =	vadd.f32 v10, v4;
	v4 =	vmul.f32 v63, v28;
	v12 =	vadd.f32 v11, v50  }
0x3a8: {  	v11 =	vld [tilespmem:s25+$0x30];
	v1 =	vmul.f32 v1, v40;
	v2 =	vadd.f32 v2, v0;
	v0 =	vmul.f32 v42, v13  }
0x3a9: {  	v13 =	vmul.f32 v14, v13;
	v4 =	vadd.f32 v5, v4;
	v5 =	vmul.f32 v15, v6;
	v6 =	vld [tilespmem:s25+$0x70]  }
0x3aa: {  	v19 =	vsub.f32 v44, v46;
	v15 =	vmul.f32 v14, v41;
	v14 =	vld [tilespmem:s30+$0x70];
	v10 =	vmul.f32 v56, v10  }
0x3ab: {  	s31 =	simm.s32 $0x183;
	v3 =	vadd.f32 v3, v5;
	v5 =	vmul.f32 v42, v41;
	v55 =	vadd.f32 v1, v4;
	v4 =	vld [tilespmem:s0+$0xFFFFFF60]  }
0x3ac: {  	v57 =	vmov s31;
	v60 =	vld [tilespmem:s0+$0x60];
	v58 =	vmul.f32 v53, v48;
	v1 =	vmul.f32 v19, v45  }
0x3ad: {  	v15 =	vsub.f32 v0, v15;
	v0 =	vadd.f32 v13, v5;
	v5 =	vmul.f32 v51, v47  }
0x3ae: {  	v62 =	vld [tilespmem:s0+$0xFFFFFF30];
	v9 =	vmul.f32 v54, v11;
	v13 =	vmul.f32 v51, v48;
	v61 =	vadd.f32 v1, v2  }
0x3af: {  	v16 =	vmul.f32 v54, v6;
	v63 =	vmul.f32 v14, v6;
	v2 =	vsub.f32 v5, v58;
	v5 =	vld [tilespmem:s0+$0xFFFFFFB0]  }
0x3b0: {  	v11 =	vmul.f32 v14, v11;
	v6 =	vld [tilespmem:s0+$0x30];
	v8 =	vmul.f32 v4, v8  }
0x3b1: {  	v14 =	vmul.f32 v60, v12;
	v1 =	vadd.f32 v59, v13;
	v4 =	vadd.f32 v7, v3;
	v3, _, _ =	vpop (xrf2);
	v7 =	vld [tilespmem:s0+$0xFFFFFF70]  }
0x3b2: {  	[tilespmem:v57+s26+$0x0] =	vst.idx.msk vm0, v3;
	v3 =	vadd.f32 v11, v16;
	v11 =	vadd.f32 v55, v8;
	v8 =	vld [tilespmem:s0+$0xFFFFFFF0]  }
0x3b3: {  	s4 =	simm.s32 $0xFFFFFFFC;
	s20 =	simm.s32 $0x0;
	s23 =	simm.s32 $0x4900;
	v13 =	vmul.f32 v15, v62;
	v12 =	vadd.f32 v61, v10;
	v10 =	vld [tilespmem:s0+$0x70];
	v9 =	vsub.f32 v9, v63  }
.LBB2_8:
0x3b4: {  	v15 =	vld [tilespmem:s23+$0xB0];
	v2 =	vmul.f32 v2, v5;
	v4 =	vadd.f32 v4, v14;
	s24 =	smov.u32 s20  }
0x3b5: {  	v5 =	vld [tilespmem:s23+$0xF0];
	v11 =	vadd.f32 v13, v11;
	v6 =	vmul.f32 v9, v6  }
0x3b6: {  	v9 =	vld [tilespmem:s23+$0xA0];
	v0 =	vmul.f32 v7, v0;
	v2 =	vadd.f32 v2, v12  }
0x3b7: {  	s0 =	sadd.s32 $0x200, s0;
	v7 =	vld [tilespmem:s23+$0xE0];
	v1 =	vmul.f32 v8, v1;
	v4 =	vadd.f32 v6, v4  }
0x3b8: {  	v6 =	vld [tilespmem:s0+$0x80];
	v0 =	vadd.f32 v11, v0;
	v3 =	vmul.f32 v10, v3  }
0x3b9: {  	v8 =	vld [tilespmem:s23+$0x80];
	v1 =	vadd.f32 v2, v1  }
0x3ba: {  	s30 =	sadd.s32 $0x200, s30;
	v2 =	vld [tilespmem:s23+$0xC0];
	v3 =	vadd.f32 v4, v3;
	(xrf2) =	vadd.scan.msk.f32 $0xffff, v0  }
0x3bb: {  	v0 =	vld [tilespmem:s30+$0x80]  }
0x3bc: {  	s20 =	sadd.s32 $0x4, s20;
	v4 =	vld [tilespmem:s30+$0xC0]  }
0x3bd: {  	s25 =	sadd.s32 $0x184, s4;
	p0 =	slt.u32 s20, $0x7C;
	v10 =	vld [tilespmem:s23+$0x90];
	(xrf2) =	vadd.scan.msk.f32 $0xffff, v1  }
0x3be: {  	v11 =	vmov s25;
	v1 =	vld [tilespmem:s23+$0xD0]  }
0x3bf: {  	s31 =	sadd.s32 $0x186, s4;
	s25 =	sadd.s32 $0x185, s4;
	s4 =	smov.u32 s24;
	v11 =	vand.u32 $0xFFFFFFFC, v11;
	v12 =	vld [tilespmem:s30+$0x90]  }
0x3c0: {  	v16 =	vmov s31;
	v14 =	vmov s25;
	v11 =	vbroadcast v11, $0x0;
	v13 =	vld [tilespmem:s30+$0xD0];
	(xrf2) =	vadd.scan.msk.f32 $0xffff, v3  }
0x3c1: {  	v14 =	vand.u32 $0xFFFFFFFD, v14;
	v3 =	vmul.f32 v0, v8;
	v17 =	vmul.f32 v4, v2;
	v18 =	vld [tilespmem:s30+$0xA0]  }
0x3c2: {  	v16 =	vand.u32 $0xFFFFFFFE, v16;
	v14 =	vbroadcast v14, $0x0;
	v19 =	vld [tilespmem:s0+$0xC0]  }
0x3c3: {  	v0 =	vmul.f32 v0, v2;
	v4 =	vmul.f32 v4, v8;
	v3 =	vsub.f32 v3, v17;
	v2 =	vld [tilespmem:s30+$0xE0]  }
0x3c4: {  	v16 =	vbroadcast v16, $0x0;
	v8 =	vld [tilespmem:s0+$0x90];
	v17 =	vmul.f32 v12, v10;
	v20, _, _ =	vpop (xrf2)  }
0x3c5: {  	v0 =	vadd.f32 v4, v0;
	v3 =	vmul.f32 v3, v6;
	v4 =	vmul.f32 v13, v1;
	v6 =	vld [tilespmem:s30+$0xB0]  }
0x3c6: {  	v10 =	vmul.f32 v13, v10;
	v1 =	vmul.f32 v12, v1;
	v21 =	vld [tilespmem:s0+$0xD0];
	[tilespmem:v11+s26+$0x0] =	vst.idx.msk vm0, v20  }
0x3c7: {  	v3 =	vadd.f32 $0.0e+00, v3;
	v0 =	vmul.f32 v19, v0;
	v4 =	vsub.f32 v17, v4;
	v11 =	vld [tilespmem:s30+$0xF0];
	v12, _, _ =	vpop (xrf2)  }
0x3c8: {  	v17 =	vmul.f32 v18, v9;
	v13 =	vld [tilespmem:s0+$0xA0];
	v19 =	vmul.f32 v2, v7;
	[tilespmem:v14+s26+$0x0] =	vst.idx.msk vm0, v12  }
0x3c9: {  	v1 =	vadd.f32 v10, v1;
	v12 =	vld [tilespmem:s23+$0xFFFFFF40];
	v0 =	vadd.f32 v3, v0;
	v3 =	vmul.f32 v4, v8  }
0x3ca: {  	v2 =	vmul.f32 v2, v9;
	v7 =	vmul.f32 v18, v7;
	v4 =	vld [tilespmem:s0+$0xE0];
	v8, _, _ =	vpop (xrf2)  }
0x3cb: {  	v9 =	vld [tilespmem:s30+$0xFFFFFF00];
	v0 =	vadd.f32 v3, v0;
	v1 =	vmul.f32 v21, v1;
	v3 =	vsub.f32 v17, v19  }
0x3cc: {  	v14 =	vmul.f32 v6, v15;
	v10 =	vld [tilespmem:s0+$0xB0];
	v17 =	vmul.f32 v11, v5;
	[tilespmem:v16+s26+$0x0] =	vst.idx.msk vm0, v8  }
0x3cd: {  	v2 =	vadd.f32 v2, v7;
	v8 =	vld [tilespmem:s30+$0xFFFFFF40];
	v0 =	vadd.f32 v0, v1;
	v1 =	vmul.f32 v3, v13  }
0x3ce: {  	v7 =	vmul.f32 v11, v15;
	v5 =	vmul.f32 v6, v5;
	v3 =	vld [tilespmem:s0+$0xF0]  }
0x3cf: {  	v6 =	vld [tilespmem:s23+$0xFFFFFF80];
	v0 =	vadd.f32 v1, v0;
	v1 =	vmul.f32 v4, v2;
	v2 =	vsub.f32 v14, v17  }
0x3d0: {  	v4 =	vmul.f32 v9, v12;
	v11 =	vld [tilespmem:s23+$0xFFFFFFC0]  }
0x3d1: {  	v13 =	vld [tilespmem:s30+$0xFFFFFF80];
	v0 =	vadd.f32 v0, v1;
	v1 =	vmul.f32 v2, v10;
	v2 =	vadd.f32 v7, v5  }
0x3d2: {  	v5 =	vmul.f32 v8, v12;
	v7 =	vld [tilespmem:s30+$0xFFFFFFC0]  }
0x3d3: {  	v10 =	vld [tilespmem:s23+$0x0];
	v0 =	vadd.f32 v1, v0;
	v1 =	vmul.f32 v3, v2  }
0x3d4: {  	v2 =	vld [tilespmem:s23+$0x40]  }
0x3d5: {  	v3 =	vld [tilespmem:s30+$0x0];
	v0 =	vadd.f32 v0, v1  }
0x3d6: {  	v1 =	vmul.f32 v13, v6;
	v12 =	vmul.f32 v13, v11;
	v13 =	vld [tilespmem:s30+$0x40]  }
0x3d7: {  	v14 =	vld [tilespmem:s23+$0xFFFFFF00];
	v11 =	vmul.f32 v7, v11;
	v6 =	vmul.f32 v7, v6;
	(xrf2) =	vadd.scan.msk.f32 $0xffff, v0  }
0x3d8: {  	v0 =	vld [tilespmem:s0+$0xFFFFFF00]  }
0x3d9: {  	v7 =	vld [tilespmem:s23+$0xFFFFFF10];
	v1 =	vsub.f32 v1, v11;
	v6 =	vadd.f32 v6, v12  }
0x3da: {  	v11 =	vld [tilespmem:s23+$0xFFFFFF50];
	v12 =	vmul.f32 v3, v10;
	v3 =	vmul.f32 v3, v2  }
0x3db: {  	v15 =	vld [tilespmem:s30+$0xFFFFFF10];
	v2 =	vmul.f32 v13, v2;
	v10 =	vmul.f32 v13, v10  }
0x3dc: {  	s24 =	sadd.s32 $0x187, s4;
	v9 =	vmul.f32 v9, v14;
	v8 =	vmul.f32 v8, v14;
	v13 =	vld [tilespmem:s30+$0xFFFFFF50]  }
0x3dd: {  	v14 =	vld [tilespmem:s0+$0xFFFFFF80];
	v2 =	vsub.f32 v12, v2;
	v3 =	vadd.f32 v10, v3;
	v10 =	vmov s24  }
0x3de: {  	v5 =	vsub.f32 v9, v5;
	v4 =	vadd.f32 v8, v4;
	v8 =	vld [tilespmem:s23+$0xFFFFFF90]  }
0x3df: {  	v9 =	vld [tilespmem:s23+$0xFFFFFFD0]  }
0x3e0: {  	v0 =	vmul.f32 v5, v0;
	v5 =	vmul.f32 v15, v7;
	v12 =	vld [tilespmem:s30+$0xFFFFFF90]  }
0x3e1: {  	v16 =	vmul.f32 v13, v11;
	v7 =	vmul.f32 v13, v7;
	v13 =	vld [tilespmem:s30+$0xFFFFFFD0];
	v17, _, _ =	vpop (xrf2)  }
0x3e2: {  	v11 =	vmul.f32 v15, v11;
	v0 =	vadd.f32 $0.0e+00, v0;
	v1 =	vmul.f32 v1, v14;
	v14 =	vld [tilespmem:s0+$0x0];
	[tilespmem:v10+s26+$0x0] =	vst.idx.msk vm0, v17  }
0x3e3: {  	v5 =	vsub.f32 v5, v16;
	v10 =	vld [tilespmem:s23+$0x10]  }
0x3e4: {  	v7 =	vadd.f32 v7, v11;
	v1 =	vadd.f32 $0.0e+00, v1;
	v11 =	vld [tilespmem:s23+$0x50]  }
0x3e5: {  	v15 =	vmul.f32 v12, v8;
	v12 =	vmul.f32 v12, v9;
	v16 =	vld [tilespmem:s30+$0x10]  }
0x3e6: {  	v9 =	vmul.f32 v13, v9;
	v8 =	vmul.f32 v13, v8;
	v13 =	vld [tilespmem:s30+$0x50]  }
0x3e7: {  	v17 =	vld [tilespmem:s0+$0xFFFFFF40];
	v2 =	vmul.f32 v2, v14  }
0x3e8: {  	v14 =	vld [tilespmem:s0+$0xFFFFFFC0];
	v9 =	vsub.f32 v15, v9;
	v8 =	vadd.f32 v8, v12  }
0x3e9: {  	v12 =	vld [tilespmem:s0+$0x40];
	v2 =	vadd.f32 $0.0e+00, v2  }
0x3ea: {  	v15 =	vld [tilespmem:s0+$0xFFFFFF10];
	v18 =	vmul.f32 v16, v10;
	v16 =	vmul.f32 v16, v11  }
0x3eb: {  	v19 =	vld [tilespmem:s23+$0xFFFFFF20];
	v11 =	vmul.f32 v13, v11;
	v10 =	vmul.f32 v13, v10  }
0x3ec: {  	v4 =	vmul.f32 v17, v4;
	v13 =	vld [tilespmem:s23+$0xFFFFFF60]  }
0x3ed: {  	v17 =	vld [tilespmem:s30+$0xFFFFFF20];
	v6 =	vmul.f32 v14, v6;
	v11 =	vsub.f32 v18, v11;
	v10 =	vadd.f32 v10, v16  }
0x3ee: {  	v0 =	vadd.f32 v0, v4;
	v4 =	vld [tilespmem:s30+$0xFFFFFF60];
	v3 =	vmul.f32 v12, v3  }
0x3ef: {  	v5 =	vmul.f32 v5, v15;
	v1 =	vadd.f32 v1, v6;
	v6 =	vld [tilespmem:s0+$0xFFFFFF90]  }
0x3f0: {  	v12 =	vld [tilespmem:s23+$0xFFFFFFA0];
	v2 =	vadd.f32 v2, v3  }
0x3f1: {  	v0 =	vadd.f32 v5, v0;
	v3 =	vld [tilespmem:s23+$0xFFFFFFE0]  }
0x3f2: {  	v5 =	vmul.f32 v17, v19;
	v14 =	vmul.f32 v17, v13;
	v15 =	vld [tilespmem:s30+$0xFFFFFFA0]  }
0x3f3: {  	v13 =	vmul.f32 v4, v13;
	v4 =	vmul.f32 v4, v19;
	v16 =	vld [tilespmem:s30+$0xFFFFFFE0]  }
0x3f4: {  	v6 =	vmul.f32 v9, v6;
	v9 =	vld [tilespmem:s0+$0x10]  }
0x3f5: {  	v5 =	vsub.f32 v5, v13;
	v13 =	vadd.f32 v4, v14;
	v4 =	vld [tilespmem:s23+$0x20]  }
0x3f6: {  	v1 =	vadd.f32 v6, v1;
	v6 =	vld [tilespmem:s23+$0x60]  }
0x3f7: {  	v14 =	vmul.f32 v15, v12;
	v15 =	vmul.f32 v15, v3;
	v17 =	vld [tilespmem:s30+$0x20]  }
0x3f8: {  	v3 =	vmul.f32 v16, v3;
	v12 =	vmul.f32 v16, v12;
	v16 =	vld [tilespmem:s30+$0x60]  }
0x3f9: {  	v18 =	vld [tilespmem:s0+$0xFFFFFF50];
	v9 =	vmul.f32 v11, v9  }
0x3fa: {  	v11 =	vld [tilespmem:s0+$0xFFFFFFD0];
	v3 =	vsub.f32 v14, v3;
	v12 =	vadd.f32 v12, v15  }
0x3fb: {  	v14 =	vld [tilespmem:s0+$0x50];
	v2 =	vadd.f32 v9, v2  }
0x3fc: {  	v9 =	vld [tilespmem:s0+$0xFFFFFF20];
	v15 =	vmul.f32 v17, v4;
	v17 =	vmul.f32 v17, v6  }
0x3fd: {  	v19 =	vld [tilespmem:s23+$0xFFFFFF30];
	v6 =	vmul.f32 v16, v6;
	v4 =	vmul.f32 v16, v4  }
0x3fe: {  	v7 =	vmul.f32 v18, v7;
	v16 =	vld [tilespmem:s23+$0xFFFFFF70]  }
0x3ff: {  	v18 =	vld [tilespmem:s30+$0xFFFFFF30];
	v8 =	vmul.f32 v11, v8;
	v6 =	vsub.f32 v15, v6;
	v15 =	vadd.f32 v4, v17  }
0x400: {  	v0 =	vadd.f32 v0, v7;
	v4 =	vld [tilespmem:s30+$0xFFFFFF70];
	v7 =	vmul.f32 v14, v10  }
0x401: {  	v5 =	vmul.f32 v5, v9;
	v1 =	vadd.f32 v1, v8;
	v8 =	vld [tilespmem:s0+$0xFFFFFFA0]  }
0x402: {  	v9 =	vld [tilespmem:s23+$0xFFFFFFB0];
	v7 =	vadd.f32 v2, v7  }
0x403: {  	v10 =	vadd.f32 v5, v0;
	v2 =	vld [tilespmem:s23+$0xFFFFFFF0]  }
0x404: {  	v0 =	vmul.f32 v18, v19;
	v5 =	vmul.f32 v18, v16;
	v11 =	vld [tilespmem:s30+$0xFFFFFFB0]  }
0x405: {  	v14 =	vmul.f32 v4, v16;
	v4 =	vmul.f32 v4, v19;
	v16 =	vld [tilespmem:s30+$0xFFFFFFF0]  }
0x406: {  	v3 =	vmul.f32 v3, v8;
	v8 =	vld [tilespmem:s0+$0x20]  }
0x407: {  	v17 =	vsub.f32 v0, v14;
	v0 =	vadd.f32 v4, v5;
	v14 =	vld [tilespmem:s23+$0x30]  }
0x408: {  	v18 =	vadd.f32 v3, v1;
	v3 =	vld [tilespmem:s23+$0x70]  }
0x409: {  	v1 =	vmul.f32 v11, v9;
	v4 =	vmul.f32 v11, v2;
	v5 =	vld [tilespmem:s30+$0x30]  }
0x40a: {  	v2 =	vmul.f32 v16, v2;
	v9 =	vmul.f32 v16, v9;
	v11 =	vld [tilespmem:s30+$0x70]  }
0x40b: {  	v16 =	vld [tilespmem:s0+$0xFFFFFF60];
	v6 =	vmul.f32 v6, v8  }
0x40c: {  	v8 =	vld [tilespmem:s0+$0xFFFFFFE0];
	v2 =	vsub.f32 v1, v2;
	v1 =	vadd.f32 v9, v4  }
0x40d: {  	v19 =	vld [tilespmem:s0+$0x60];
	v4 =	vadd.f32 v6, v7  }
0x40e: {  	v20 =	vld [tilespmem:s0+$0xFFFFFF30];
	v9 =	vmul.f32 v5, v14;
	v21 =	vmul.f32 v5, v3  }
.Ltmp3:
0x40f: {  	v5 =	vld [tilespmem:s0+$0xFFFFFFB0];
	v3 =	vmul.f32 v11, v3;
	v11 =	vmul.f32 v11, v14;
	(pc) =	sbr.rel @p0 .LBB2_8-.Ltmp3, $4  }
0x410: {  	v13 =	vmul.f32 v16, v13;
	v6 =	vld [tilespmem:s0+$0x30]  }
0x411: {  	v7 =	vld [tilespmem:s0+$0xFFFFFF70];
	v12 =	vmul.f32 v8, v12;
	v9 =	vsub.f32 v9, v3;
	v3 =	vadd.f32 v11, v21  }
0x412: {  	v11 =	vadd.f32 v10, v13;
	v8 =	vld [tilespmem:s0+$0xFFFFFFF0];
	v14 =	vmul.f32 v19, v15  }
0x413: {  	s23 =	sadd.s32 $0x200, s23;
	v13 =	vmul.f32 v17, v20;
	v12 =	vadd.f32 v18, v12;
	v10 =	vld [tilespmem:s0+$0x70]  }
0x414: {  	_ = 	snop  }
0x415: {  	v2 =	vmul.f32 v2, v5;
	v4 =	vadd.f32 v4, v14  }
0x416: {  	v56 =	vadd.f32 v13, v11;
	v6 =	vmul.f32 v9, v6;
	v0 =	vmul.f32 v7, v0  }
0x417: {  	v2 =	vadd.f32 v2, v12;
	v1 =	vmul.f32 v8, v1  }
0x418: {  	v4 =	vadd.f32 v6, v4;
	v0 =	vadd.f32 v56, v0;
	v3 =	vmul.f32 v10, v3  }
0x419: {  	v1 =	vadd.f32 v2, v1  }
0x41a: {  	v57 =	vadd.f32 v4, v3;
	(xrf2) =	vadd.scan.msk.f32 $0xffff, v0  }
0x41b: {  	(xrf2) =	vadd.scan.msk.f32 $0xffff, v1  }
0x41c: {  	s0 =	sadd.s32 $0x184, s4;
	(xrf2) =	vadd.scan.msk.f32 $0xffff, v57  }
0x41d: {  	s30 =	sadd.s32 $0x185, s4;
	v58 =	vmov s0  }
0x41e: {  	s31 =	sadd.s32 $0x186, s4;
	v59 =	vmov s30;
	v0 =	vand.u32 $0xFFFFFFFC, v58  }
0x41f: {  	v60 =	vmov s31;
	v0 =	vbroadcast v0, $0x0;
	v1 =	vand.u32 $0xFFFFFFFD, v59  }
0x420: {  	v2 =	vand.u32 $0xFFFFFFFE, v60;
	v1 =	vbroadcast v1, $0x0  }
0x421: {  	v2 =	vbroadcast v2, $0x0;
	_ =	sdelay $0x2  }
0x422: {  	v61, _, _ =	vpop (xrf2)  }
0x423: {  	s29 =	sadd.s32 $0x1, s29;
	[tilespmem:v0+s26+$0x0] =	vst.idx.msk vm0, v61;
	v62, _, _ =	vpop (xrf2)  }
0x424: {  	p0 =	sne.s32 s29, s18;
	[tilespmem:v1+s26+$0x0] =	vst.idx.msk vm0, v62;
	v63, _, _ =	vpop (xrf2)  }
.Ltmp4:
0x425: {  	[tilespmem:v2+s26+$0x0] =	vst.idx.msk vm0, v63;
	(pc) =	sbr.rel @p0 .LBB2_1-.Ltmp4, $4  }
0x426: {  	[hbm4b:s17+s3] =	stream.linear.scatter [tilespmem:s26], [sflag:$0x3], $0x200, $0x38;
	[tilespmem:$0x18800] =	vst v63  }
0x427: {  	_ =	swait.ge [sflag:s19], $0x200  }
0x428: {  	[sflag:s19] =	ssyncset.done $0x0  }
0x429: {  	[sflag:s19] =	ssyncadd.s32 $0xFFFFFE00  }
0x42a: {  	_ =	sfence.sel $0x180000  }
0x42b: {  	[bflag:$0x0] =	sbarrier.arrive $0xFFFF  }
0x42c: {  	_ =	strace $0x90000047  }
0x42d: {  	s0 =	stileid.u32;
	[bflag:$0x2] =	sbarrier.arrive $0xFFFF  }
0x42e: {  	p0 =	sne.s32 s0, $0x0;
	s0 =	rddreg [dreg:$0x4]  }
0x42f: {  	s0 =	sadd.s32 @!p0 $0x100000, s0  }
0x430: {  	[sflag:s0] =	ssyncadd.tile.s32 @!p0 $0x1;
	_ =	shalt  }
.Lfunc_end2:
_tile_overlayer_lowered:
.L_overlay_start_2:
0x431: {  	(tag) =	ssettag $0x2  }
0x432: {  	s0 =	rddreg [dreg:$0x0];
	s2 =	stileid.u32  }
0x433: {  	s1 =	rddreg [dreg:$0x1];
	p0 =	sne.s32 s2, $0x0  }
0x434: {  	s3 =	rddreg [dreg:$0x2];
	[bflag:$0x3] =	sbarrier.arrive $0xFFFF;
	s2 =	simm.s32 @!p0 $0x1C03  }
0x435: {  	[timem:s3], [sflag:s2] =	dma.local @!p0 [hbm:s0], s1  }
0x436: {  	s0 =	simm.s32 @!p0 $0x3  }
0x437: {  	_ =	swait.ge @!p0 [sflag:s0], s1  }
0x438: {  	s1 =	ssub.s32 @!p0 $0x0, s1;
	[sflag:s0] =	ssyncset.done @!p0 $0x0  }
0x439: {  	[sflag:s0] =	ssyncadd.s32 @!p0 s1  }
0x43a: {  	[bflag:$0x3] =	sbarrier.arrive $0xFFFF  }
0x43b: {  	_ =	shalt  }

</sc_bundles>
